<compile_context>
chip_gen: v7x
topology: tpu7x:2x2x1
jax: 0.10.2.dev20260603
libtpu: 0.0.44.dev20260713+nightly
codegen_flags: <defaults>
</compile_context>

<pallas_src>
import functools

import jax
import jax.numpy as jnp
import numpy as np
from jax import lax
from jax.experimental import pallas as pl
from jax.experimental.pallas import tpu as pltpu
from jax.experimental.pallas import tpu_sc as plsc

N = 10000
E = 320000
G = 64
H = 128
NF = 32

NC = 2
NS = 16
NW = NC * NS
PER_W = E // NW
K = 80
CH = PER_W // K
NPAD = 10240
NPS = NPAD // NS

_f32 = jnp.float32


def _silu(x):
    return x * (1.0 / (1.0 + jnp.exp(-x)))


def _ln_pq_body(h_ref, g_ref, b_ref, w_ref, hn_ref, p_ref, q_ref):
    x = h_ref[...]
    mu = jnp.mean(x, axis=1, keepdims=True)
    xc = x - mu
    var = jnp.mean(xc * xc, axis=1, keepdims=True)
    hn = xc * lax.rsqrt(var + 1e-5) * g_ref[...] + b_ref[...]
    hn_ref[...] = hn
    pq = jnp.dot(hn, w_ref[...], preferred_element_type=_f32)
    p_ref[...] = pq[:, :H]
    q_ref[...] = pq[:, H:]


def _ln_pq(h, ln_g, ln_b, w1ab):
    bn = 1000
    grid = N // bn
    return pl.pallas_call(
        _ln_pq_body,
        grid=(grid,),
        in_specs=[
            pl.BlockSpec((bn, H), lambda i: (i, 0)),
            pl.BlockSpec((1, H), lambda i: (0, 0)),
            pl.BlockSpec((1, H), lambda i: (0, 0)),
            pl.BlockSpec((H, 2 * H), lambda i: (0, 0)),
        ],
        out_specs=[
            pl.BlockSpec((bn, H), lambda i: (i, 0)),
            pl.BlockSpec((bn, H), lambda i: (i, 0)),
            pl.BlockSpec((bn, H), lambda i: (i, 0)),
        ],
        out_shape=[
            jax.ShapeDtypeStruct((N, H), _f32),
            jax.ShapeDtypeStruct((N, H), _f32),
            jax.ShapeDtypeStruct((N, H), _f32),
        ],
    )(h, ln_g, ln_b, w1ab)


@functools.lru_cache(maxsize=None)
def _sc_gather_fn():
    mesh = plsc.VectorSubcoreMesh(core_axis_name="c", subcore_axis_name="s")

    @functools.partial(
        pl.kernel,
        out_type=jax.ShapeDtypeStruct((E, H // 2), jnp.int32),
        mesh=mesh,
        scratch_types=[
            pltpu.VMEM((CH, K), jnp.int32),
            pltpu.VMEM((CH, K), jnp.int32),
            pltpu.VMEM((2, K, H), _f32),
            pltpu.VMEM((2, K, H), _f32),
            pltpu.VMEM((2, K, H // 2), jnp.int32),
            pltpu.SemaphoreType.DMA((2,)),
            pltpu.SemaphoreType.DMA((2,)),
            pltpu.SemaphoreType.DMA((2,)),
        ],
        compiler_params=pltpu.CompilerParams(needs_layout_passes=False),
    )
    def _sc_gather(src_hbm, dst_hbm, p_hbm, q_hbm, g12_hbm,
                   si_v, di_v, r1_v, r2_v, o_v, sg1, sg2, sw):
        wid = lax.axis_index("s") * NC + lax.axis_index("c")
        base = wid * PER_W
        pltpu.sync_copy(src_hbm.at[wid], si_v)
        pltpu.sync_copy(dst_hbm.at[wid], di_v)

        def g_start(j, b):
            pltpu.make_async_copy(p_hbm.at[si_v.at[j]], r1_v.at[b], sg1.at[b]).start()
            pltpu.make_async_copy(q_hbm.at[di_v.at[j]], r2_v.at[b], sg2.at[b]).start()

        def g_wait(j, b):
            pltpu.make_async_copy(p_hbm.at[si_v.at[j]], r1_v.at[b], sg1.at[b]).wait()
            pltpu.make_async_copy(q_hbm.at[di_v.at[j]], r2_v.at[b], sg2.at[b]).wait()

        def w_start(j, b):
            row0 = base + j * K
            pltpu.make_async_copy(o_v.at[b], g12_hbm.at[pl.ds(row0, K)], sw.at[b]).start()

        def w_wait(j, b):
            row0 = base + j * K
            pltpu.make_async_copy(o_v.at[b], g12_hbm.at[pl.ds(row0, K)], sw.at[b]).wait()

        def sum_pack(b):
            def row(r, carry):
                def grp(g, carry2):
                    a = r1_v[b, r, pl.ds(g * 16, 16)] + r2_v[b, r, pl.ds(g * 16, 16)]
                    bb = (r1_v[b, r, pl.ds(64 + g * 16, 16)]
                          + r2_v[b, r, pl.ds(64 + g * 16, 16)])
                    w = plsc.bitcast(plsc.pack(a, bb, format=plsc.PackFormat.INTERLEAVED), jnp.int32)
                    o_v[b, r, pl.ds(g * 16, 16)] = w
                    return carry2

                lax.fori_loop(0, 4, grp, 0)
                return carry

            lax.fori_loop(0, K, row, 0)

        g_start(0, 0)
        g_start(1, 1)

        def body(j2, carry):
            j = 2 * j2
            g_wait(j, 0)

            @pl.when(j2 > 0)
            def _():
                w_wait(j - 2, 0)

            sum_pack(0)
            w_start(j, 0)

            @pl.when(j2 < CH // 2 - 1)
            def _():
                g_start(j + 2, 0)

            g_wait(j + 1, 1)

            @pl.when(j2 > 0)
            def _():
                w_wait(j - 1, 1)

            sum_pack(1)
            w_start(j + 1, 1)

            @pl.when(j2 < CH // 2 - 1)
            def _():
                g_start(j + 3, 1)

            return carry

        lax.fori_loop(0, CH // 2, body, 0)
        jl = CH - 1
        w_wait(jl - 2, 0)
        g_start(jl, 0)
        g_wait(jl, 0)
        sum_pack(0)
        pltpu.sync_copy(o_v.at[0], g12_hbm.at[pl.ds(base + jl * K, K)])
        w_wait(jl - 1, 1)

    return _sc_gather


def _sc_gather_call(src3, dst3, p, q):
    return _sc_gather_fn()(src3, dst3, p, q)


_SIN_C = (6.2831836, -41.34148, 81.59766, -76.594925, 41.269928, -12.372495)
_COS_C = (1.0, -19.739206, 64.93917, -85.451164, 60.17623, -26.000528,
          6.5756116)


def _edge_body(g12_ref, fd_ref, e2g_ref, lat_ref, kmat_ref, w1c_ref,
               w1d_ref, be1_ref, w2_ref, be2_ref, out_ref):
    lat = lat_ref[...]
    cols = []
    for i in range(3):
        for j in range(3):
            acc = lat[:, 3 * i + 0:3 * i + 1] * lat[:, 3 * j + 0:3 * j + 1]
            acc = acc + lat[:, 3 * i + 1:3 * i + 2] * lat[:, 3 * j + 1:3 * j + 2]
            acc = acc + lat[:, 3 * i + 2:3 * i + 3] * lat[:, 3 * j + 2:3 * j + 3]
            cols.append(acc)
    ip9 = jnp.concatenate(cols, axis=1)
    lb = jnp.dot(ip9, w1c_ref[...], preferred_element_type=_f32) + be1_ref[...]

    e2g = e2g_ref[...]
    onehot = (e2g == lax.broadcasted_iota(jnp.int32, (1, G), 1)).astype(_f32)
    lrow = jnp.dot(onehot, lb, preferred_element_type=_f32)

    fd = fd_ref[...]
    f = jnp.dot(fd, kmat_ref[...], preferred_element_type=_f32)
    u = f - jnp.round(f)
    u2 = u * u
    sp = _SIN_C[5]
    for a in (_SIN_C[4], _SIN_C[3], _SIN_C[2], _SIN_C[1], _SIN_C[0]):
        sp = sp * u2 + a
    sv = u * sp
    cp = _COS_C[6]
    for a in (_COS_C[5], _COS_C[4], _COS_C[3], _COS_C[2], _COS_C[1], _COS_C[0]):
        cp = cp * u2 + a
    s192 = jnp.concatenate([sv, cp], axis=1)
    sproj = jnp.dot(s192, w1d_ref[...], preferred_element_type=_f32)

    x = g12_ref[...]
    lo = lax.bitcast_convert_type(x << 16, _f32)
    hi = lax.bitcast_convert_type(x & jnp.int32(-65536), _f32)
    pre = jnp.concatenate([lo, hi], axis=1) + lrow + sproj
    t1 = _silu(pre)
    out_ref[...] = _silu(
        jnp.dot(t1, w2_ref[...], preferred_element_type=_f32) + be2_ref[...])


def _edge_mlp(g12, fd, e2g, lat9, kmat, w1c, w1d, be1, w2, be2):
    be = 2000
    grid = E // be
    return pl.pallas_call(
        _edge_body,
        grid=(grid,),
        in_specs=[
            pl.BlockSpec((be, H // 2), lambda i: (i, 0)),
            pl.BlockSpec((be, 3), lambda i: (i, 0)),
            pl.BlockSpec((be, 1), lambda i: (i, 0)),
            pl.BlockSpec((G, 9), lambda i: (0, 0)),
            pl.BlockSpec((3, 3 * NF), lambda i: (0, 0)),
            pl.BlockSpec((9, H), lambda i: (0, 0)),
            pl.BlockSpec((2 * 3 * NF, H), lambda i: (0, 0)),
            pl.BlockSpec((1, H), lambda i: (0, 0)),
            pl.BlockSpec((H, H), lambda i: (0, 0)),
            pl.BlockSpec((1, H), lambda i: (0, 0)),
        ],
        out_specs=pl.BlockSpec((be, H), lambda i: (i, 0)),
        out_shape=jax.ShapeDtypeStruct((E, H), _f32),
    )(g12, fd, e2g, lat9, kmat, w1c, w1d, be1, w2, be2)


NH = NPAD // H


@functools.lru_cache(maxsize=None)
def _sc_scatter_fn():
    mesh = plsc.VectorSubcoreMesh(core_axis_name="c", subcore_axis_name="s")

    @functools.partial(
        pl.kernel,
        out_type=(
            jax.ShapeDtypeStruct((NC, NPAD, H), _f32),
            jax.ShapeDtypeStruct((NC, NH, H), _f32),
        ),
        mesh=mesh,
        scratch_types=[
            pltpu.VMEM((CH, K), jnp.int32),
            pltpu.VMEM((2, K, H), _f32),
            pltpu.VMEM((NH, H), _f32),
            pltpu.VMEM((NH,), jnp.int32),
            pltpu.VMEM_SHARED((NPAD, H), _f32),
            pltpu.VMEM_SHARED((NH, H), _f32),
            pltpu.SemaphoreType.DMA((2,)),
        ],
        compiler_params=pltpu.CompilerParams(needs_layout_passes=False),
    )
    def _sc_scatter(src_hbm, e_hbm, zs_hbm, zh_hbm, i80_hbm, sums_hbm, cnt_hbm,
                    idx_v, rows_v, hist_v, i80_v, acc_sh, cnt_sh, sl):
        c = lax.axis_index("c")
        s = lax.axis_index("s")
        wid = s * NC + c
        base = wid * PER_W

        pltpu.sync_copy(zs_hbm.at[pl.ds(s * NPS, NPS)],
                        acc_sh.at[pl.ds(s * NPS, NPS)])
        pltpu.sync_copy(zh_hbm, hist_v)
        pltpu.sync_copy(i80_hbm, i80_v)

        @pl.when(s == 0)
        def _():
            pltpu.sync_copy(zh_hbm, cnt_sh)

        pltpu.sync_copy(src_hbm.at[wid], idx_v)
        plsc.subcore_barrier()
        ones16 = jnp.full((16,), 1.0, _f32)

        def l_start(j, b):
            pltpu.make_async_copy(e_hbm.at[pl.ds(base + j * K, K)],
                                  rows_v.at[b], sl.at[b]).start()

        def l_wait(j, b):
            pltpu.make_async_copy(e_hbm.at[pl.ds(base + j * K, K)],
                                  rows_v.at[b], sl.at[b]).wait()

        def hist(j):
            def h1(l, carry2):
                iv = idx_v[j, pl.ds(l * 16, 16)]
                plsc.addupdate_scatter(hist_v, [iv >> 7, iv & 127], ones16)
                return carry2

            lax.fori_loop(0, K // 16, h1, 0)

        l_start(0, 0)

        def body(j2, carry):
            j = 2 * j2
            l_wait(j, 0)

            @pl.when(j2 < CH // 2)
            def _():
                l_start(j + 1, 1)

            pltpu.sync_copy(rows_v.at[0], acc_sh.at[idx_v.at[j]], add=True)
            hist(j)

            @pl.when(j2 < CH // 2)
            def _():
                l_wait(j + 1, 1)
                l_start(j + 2, 0)
                pltpu.sync_copy(rows_v.at[1], acc_sh.at[idx_v.at[j + 1]], add=True)
                hist(j + 1)

            return carry

        lax.fori_loop(0, (CH + 1) // 2, body, 0)
        pltpu.sync_copy(hist_v, cnt_sh.at[i80_v], add=True)
        plsc.subcore_barrier()

        pltpu.sync_copy(acc_sh.at[pl.ds(s * NPS, NPS)],
                        sums_hbm.at[c, pl.ds(s * NPS, NPS)])

        @pl.when(s == 0)
        def _():
            pltpu.sync_copy(cnt_sh, cnt_hbm.at[c])

    return _sc_scatter


def _sc_scatter_call(src3, e, zs, zh, i80):
    return _sc_scatter_fn()(src3, e, zs, zh, i80)


def _node_body(h_ref, hn_ref, s_ref, c_ref, w1_ref, b1_ref, w2_ref, b2_ref,
               o_ref):
    sm = s_ref[0] + s_ref[1]
    cn = c_ref[0] + c_ref[1]
    agg = sm / jnp.maximum(cn, 1.0)
    nin = jnp.concatenate([hn_ref[...], agg], axis=1)
    t = _silu(jnp.dot(nin, w1_ref[...], preferred_element_type=_f32) + b1_ref[...])
    o = _silu(jnp.dot(t, w2_ref[...], preferred_element_type=_f32) + b2_ref[...])
    o_ref[...] = h_ref[...] + o


def _node_mlp(h, hn, sums_p, cnt_p, w1, b1, w2, b2):
    bn = 1000
    grid = N // bn
    return pl.pallas_call(
        _node_body,
        grid=(grid,),
        in_specs=[
            pl.BlockSpec((bn, H), lambda i: (i, 0)),
            pl.BlockSpec((bn, H), lambda i: (i, 0)),
            pl.BlockSpec((NC, bn, H), lambda i: (0, i, 0)),
            pl.BlockSpec((NC, bn, 1), lambda i: (0, i, 0)),
            pl.BlockSpec((2 * H, H), lambda i: (0, 0)),
            pl.BlockSpec((1, H), lambda i: (0, 0)),
            pl.BlockSpec((H, H), lambda i: (0, 0)),
            pl.BlockSpec((1, H), lambda i: (0, 0)),
        ],
        out_specs=pl.BlockSpec((bn, H), lambda i: (i, 0)),
        out_shape=jax.ShapeDtypeStruct((N, H), _f32),
    )(h, hn, sums_p, cnt_p, w1, b1, w2, b2)


def kernel(h, frac_coords, lattices, frac_diff,
           W_e1, b_e1, W_e2, b_e2, W_n1, b_n1, W_n2, b_n2,
           ln_g, ln_b, edge_index, edge2graph):
    w1ab = jnp.concatenate([W_e1[:H], W_e1[H:2 * H]], axis=1)
    w1c = W_e1[2 * H:2 * H + 9]
    w1d = W_e1[2 * H + 9:]

    hn, p, q = _ln_pq(h, ln_g.reshape(1, H), ln_b.reshape(1, H), w1ab)

    src = edge_index[0].astype(jnp.int32)
    dst = edge_index[1].astype(jnp.int32)
    src3 = src.reshape(NW, CH, K)
    dst3 = dst.reshape(NW, CH, K)

    g12 = _sc_gather_call(src3, dst3, p, q)

    kmat = np.zeros((3, 3 * NF), np.float32)
    for d in range(3):
        kmat[d, d * NF:(d + 1) * NF] = np.arange(NF, dtype=np.float32)
    e = _edge_mlp(g12, frac_diff, edge2graph.astype(jnp.int32).reshape(E, 1),
                  lattices.reshape(G, 9), jnp.asarray(kmat), w1c, w1d,
                  b_e1.reshape(1, H), W_e2, b_e2.reshape(1, H))

    zs = jnp.zeros((NPAD, H), _f32)
    zh = jnp.zeros((NH, H), _f32)
    i80 = jnp.arange(NH, dtype=jnp.int32)
    sums_p, cnt_p = _sc_scatter_call(src3, e, zs, zh, i80)
    cnt = cnt_p.reshape(NC, NPAD)[:, :N].reshape(NC, N, 1)

    out = _node_mlp(h, hn, sums_p, cnt,
                    W_n1, b_n1.reshape(1, H), W_n2, b_n2.reshape(1, H))
    return out

# --- scband reference (transcript-rebuilt; emitter-appended) ---
"""Pipeline reference for scband-csplayer-25280177504324 (READ-ONLY COPY).

The authoritative reference and input builder live on the scoring server;
editing this copy changes nothing except your own understanding.
"""

import jax, jax.numpy as jnp
import numpy as np

N = 10000
E = 320000
G = 64
H = 128
NF = 32
DIS = NF * 2 * 3
EIN = 2 * H + 9 + DIS


def _lin(k, fin, fout):
    k1, k2 = jax.random.split(k)
    lim = 1.0 / np.sqrt(fin)
    W = jax.random.uniform(k1, (fin, fout), jnp.float32, -lim, lim)
    b = jax.random.uniform(k2, (fout,), jnp.float32, -lim, lim)
    return W, b


def setup_inputs(seed: int = 0) -> dict:
    key = jax.random.key(seed)
    ks = jax.random.split(key, 12)
    h = jax.random.normal(ks[0], (N, H), jnp.float32)
    frac_coords = jax.random.uniform(ks[1], (N, 3), dtype=jnp.float32)
    lattices = jax.random.normal(ks[2], (G, 3, 3), jnp.float32)
    edge_index = jax.random.randint(ks[3], (2, E), 0, N)
    edge2graph = jnp.sort(jax.random.randint(ks[4], (E,), 0, G))
    frac_diff = jax.random.uniform(ks[5], (E, 3), dtype=jnp.float32)
    W_e1, b_e1 = _lin(ks[6], EIN, H)
    W_e2, b_e2 = _lin(ks[7], H, H)
    W_n1, b_n1 = _lin(ks[8], 2 * H, H)
    W_n2, b_n2 = _lin(ks[9], H, H)
    ln_g = jnp.ones((H,), jnp.float32)
    ln_b = jnp.zeros((H,), jnp.float32)
    return {
        'h': h, 'frac_coords': frac_coords, 'lattices': lattices,
        'frac_diff': frac_diff,
        'W_e1': W_e1, 'b_e1': b_e1, 'W_e2': W_e2, 'b_e2': b_e2,
        'W_n1': W_n1, 'b_n1': b_n1, 'W_n2': W_n2, 'b_n2': b_n2,
        'ln_g': ln_g, 'ln_b': ln_b,
        'edge_index': edge_index, 'edge2graph': edge2graph,
    }


def reference(h, frac_coords, lattices, frac_diff,
              W_e1, b_e1, W_e2, b_e2, W_n1, b_n1, W_n2, b_n2,
              ln_g, ln_b, edge_index, edge2graph):
    silu = jax.nn.silu
    h_in = h
    # LayerNorm (ln=True)
    mu = jnp.mean(h, axis=-1, keepdims=True)
    var = jnp.mean((h - mu) ** 2, axis=-1, keepdims=True)
    hn = (h - mu) / jnp.sqrt(var + 1e-5) * ln_g + ln_b
    hi = hn[edge_index[0]]
    hj = hn[edge_index[1]]
    # ip=True: lattice inner products
    lat_ip = jnp.matmul(lattices, jnp.swapaxes(lattices, -1, -2))
    lat_ip_edges = lat_ip.reshape(-1, 9)[edge2graph]
    # SinusoidsEmbedding
    freqs = 2.0 * np.pi * jnp.arange(NF, dtype=jnp.float32)
    emb = frac_diff[:, :, None] * freqs[None, None, :]
    emb = emb.reshape(-1, NF * 3)
    frac_diff_emb = jnp.concatenate([jnp.sin(emb), jnp.cos(emb)], axis=-1)
    # edge MLP
    e_in = jnp.concatenate([hi, hj, lat_ip_edges, frac_diff_emb], axis=1)
    e = silu(silu(e_in @ W_e1 + b_e1) @ W_e2 + b_e2)
    # scatter mean over source nodes
    src = edge_index[0]
    sums = jax.ops.segment_sum(e, src, num_segments=N)
    cnt = jax.ops.segment_sum(jnp.ones((E, 1), jnp.float32), src, num_segments=N)
    agg = sums / jnp.maximum(cnt, 1.0)
    # node MLP
    n_in = jnp.concatenate([hn, agg], axis=1)
    out = silu(silu(n_in @ W_n1 + b_n1) @ W_n2 + b_n2)
    return h_in + out

if __name__ == "__main__":
    import jax
    _d = setup_inputs()
    print(jax.jit(kernel)(*tuple(_d.values())))

</pallas_src>

<mosaic_0001>
#map = affine_map<(d0, d1) -> (0, 0, 0)>
#map1 = affine_map<(d0, d1) -> (0, 0)>
module attributes {stable_mosaic.version = 14 : i64} {
  func.func @_sc_gather(%arg0: i32, %arg1: i32, %arg2: memref<32x125x80xi32, #tpu.memory_space<hbm>>, %arg3: memref<32x125x80xi32, #tpu.memory_space<hbm>>, %arg4: memref<10000x128xf32, #tpu.memory_space<hbm>>, %arg5: memref<10000x128xf32, #tpu.memory_space<hbm>>, %arg6: memref<320000x64xi32, #tpu.memory_space<hbm>>, %arg7: memref<125x80xi32, #tpu.memory_space<vmem>>, %arg8: memref<125x80xi32, #tpu.memory_space<vmem>>, %arg9: memref<2x80x128xf32, #tpu.memory_space<vmem>>, %arg10: memref<2x80x128xf32, #tpu.memory_space<vmem>>, %arg11: memref<2x80x64xi32, #tpu.memory_space<vmem>>, %arg12: memref<2x!tpu.dma_semaphore, #tpu.memory_space<semaphore_mem>>, %arg13: memref<2x!tpu.dma_semaphore, #tpu.memory_space<semaphore_mem>>, %arg14: memref<2x!tpu.dma_semaphore, #tpu.memory_space<semaphore_mem>>) attributes {dimension_semantics = [#tpu.dimension_semantics<core_parallel>, #tpu.dimension_semantics<subcore_parallel>], iteration_bounds = array<i64: 2, 16>, scalar_prefetch = 0 : i64, scratch_operands = 8 : i64, tpu.core_type = #tpu.core_type<sc_vector_subcore>, window_params = [{transform_indices = #map}, {transform_indices = #map}, {transform_indices = #map1}, {transform_indices = #map1}, {transform_indices = #map1}]} {
    %mul3A = arith.constant 2 : i32
    %mul3A_0 = arith.muli %arg1, %mul3A : i32
    %add3A = arith.addi %mul3A_0, %arg0 : i32
    %mul3A_1 = arith.constant 10000 : i32
    %mul3A_2 = arith.muli %add3A, %mul3A_1 : i32
    "tpu.region"() ({
      %run_scoped3A_170 = tpu.sem_alloc : memref<!tpu.dma_semaphore, #tpu.memory_space<semaphore_mem>>
      %dma_start3A_171 = arith.constant 0 : i32
      %dma_start3A_172 = arith.constant 0 : i32
      %dma_start3A_173 = tpu.memref_slice %arg2[%add3A, %dma_start3A_171, %dma_start3A_172] : memref<32x125x80xi32, #tpu.memory_space<hbm>> -> memref<1x125x80xi32, #tpu.memory_space<hbm>>
      %dma_start3A_174 = tpu.memref_squeeze %dma_start3A_173 : memref<1x125x80xi32, #tpu.memory_space<hbm>> -> memref<125x80xi32, #tpu.memory_space<hbm>>
      %dma_start3A_175 = arith.constant 0 : i32
      %dma_start3A_176 = arith.constant 0 : i32
      %dma_start3A_177 = tpu.memref_slice %arg2[%add3A, %dma_start3A_175, %dma_start3A_176] : memref<32x125x80xi32, #tpu.memory_space<hbm>> -> memref<1x125x80xi32, #tpu.memory_space<hbm>>
      %dma_start3A_178 = tpu.memref_squeeze %dma_start3A_177 : memref<1x125x80xi32, #tpu.memory_space<hbm>> -> memref<125x80xi32, #tpu.memory_space<hbm>>
      tpu.enqueue_dma source(%dma_start3A_178 : memref<125x80xi32, #tpu.memory_space<hbm>>) target(%arg7 : memref<125x80xi32, #tpu.memory_space<vmem>>) target_semaphore(%run_scoped3A_170 : memref<!tpu.dma_semaphore, #tpu.memory_space<semaphore_mem>>)
      %dma_wait3A_179 = arith.constant 0 : i32
      %dma_wait3A_180 = arith.constant 0 : i32
      %dma_wait3A_181 = tpu.memref_slice %arg2[%add3A, %dma_wait3A_179, %dma_wait3A_180] : memref<32x125x80xi32, #tpu.memory_space<hbm>> -> memref<1x125x80xi32, #tpu.memory_space<hbm>>
      %dma_wait3A_182 = tpu.memref_squeeze %dma_wait3A_181 : memref<1x125x80xi32, #tpu.memory_space<hbm>> -> memref<125x80xi32, #tpu.memory_space<hbm>>
      %dma_wait3A_183 = arith.constant 0 : i32
      %dma_wait3A_184 = arith.constant 0 : i32
      %dma_wait3A_185 = tpu.memref_slice %arg2[%add3A, %dma_wait3A_183, %dma_wait3A_184] : memref<32x125x80xi32, #tpu.memory_space<hbm>> -> memref<1x125x80xi32, #tpu.memory_space<hbm>>
      %dma_wait3A_186 = tpu.memref_squeeze %dma_wait3A_185 : memref<1x125x80xi32, #tpu.memory_space<hbm>> -> memref<125x80xi32, #tpu.memory_space<hbm>>
      tpu.wait_dma2 semaphore(%run_scoped3A_170 : memref<!tpu.dma_semaphore, #tpu.memory_space<semaphore_mem>>) src(%dma_wait3A_186 : memref<125x80xi32, #tpu.memory_space<hbm>>) dst(%arg7 : memref<125x80xi32, #tpu.memory_space<vmem>>)
      tpu.yield
    }) : () -> ()
    "tpu.region"() ({
      %run_scoped3A_170 = tpu.sem_alloc : memref<!tpu.dma_semaphore, #tpu.memory_space<semaphore_mem>>
      %dma_start3A_171 = arith.constant 0 : i32
      %dma_start3A_172 = arith.constant 0 : i32
      %dma_start3A_173 = tpu.memref_slice %arg3[%add3A, %dma_start3A_171, %dma_start3A_172] : memref<32x125x80xi32, #tpu.memory_space<hbm>> -> memref<1x125x80xi32, #tpu.memory_space<hbm>>
      %dma_start3A_174 = tpu.memref_squeeze %dma_start3A_173 : memref<1x125x80xi32, #tpu.memory_space<hbm>> -> memref<125x80xi32, #tpu.memory_space<hbm>>
      %dma_start3A_175 = arith.constant 0 : i32
      %dma_start3A_176 = arith.constant 0 : i32
      %dma_start3A_177 = tpu.memref_slice %arg3[%add3A, %dma_start3A_175, %dma_start3A_176] : memref<32x125x80xi32, #tpu.memory_space<hbm>> -> memref<1x125x80xi32, #tpu.memory_space<hbm>>
      %dma_start3A_178 = tpu.memref_squeeze %dma_start3A_177 : memref<1x125x80xi32, #tpu.memory_space<hbm>> -> memref<125x80xi32, #tpu.memory_space<hbm>>
      tpu.enqueue_dma source(%dma_start3A_178 : memref<125x80xi32, #tpu.memory_space<hbm>>) target(%arg8 : memref<125x80xi32, #tpu.memory_space<vmem>>) target_semaphore(%run_scoped3A_170 : memref<!tpu.dma_semaphore, #tpu.memory_space<semaphore_mem>>)
      %dma_wait3A_179 = arith.constant 0 : i32
      %dma_wait3A_180 = arith.constant 0 : i32
      %dma_wait3A_181 = tpu.memref_slice %arg3[%add3A, %dma_wait3A_179, %dma_wait3A_180] : memref<32x125x80xi32, #tpu.memory_space<hbm>> -> memref<1x125x80xi32, #tpu.memory_space<hbm>>
      %dma_wait3A_182 = tpu.memref_squeeze %dma_wait3A_181 : memref<1x125x80xi32, #tpu.memory_space<hbm>> -> memref<125x80xi32, #tpu.memory_space<hbm>>
      %dma_wait3A_183 = arith.constant 0 : i32
      %dma_wait3A_184 = arith.constant 0 : i32
      %dma_wait3A_185 = tpu.memref_slice %arg3[%add3A, %dma_wait3A_183, %dma_wait3A_184] : memref<32x125x80xi32, #tpu.memory_space<hbm>> -> memref<1x125x80xi32, #tpu.memory_space<hbm>>
      %dma_wait3A_186 = tpu.memref_squeeze %dma_wait3A_185 : memref<1x125x80xi32, #tpu.memory_space<hbm>> -> memref<125x80xi32, #tpu.memory_space<hbm>>
      tpu.wait_dma2 semaphore(%run_scoped3A_170 : memref<!tpu.dma_semaphore, #tpu.memory_space<semaphore_mem>>) src(%dma_wait3A_186 : memref<125x80xi32, #tpu.memory_space<hbm>>) dst(%arg8 : memref<125x80xi32, #tpu.memory_space<vmem>>)
      tpu.yield
    }) : () -> ()
    %dma_start3A = arith.constant 0 : i32
    %dma_start3A_3 = arith.constant 0 : i32
    %dma_start3A_4 = arith.constant 0 : i32
    %dma_start3A_5 = arith.constant 0 : i32
    %dma_start3A_6 = arith.constant 0 : i32
    %dma_start3A_7 = tpu.memref_slice %arg9[%dma_start3A_3, %dma_start3A_5, %dma_start3A_6] : memref<2x80x128xf32, #tpu.memory_space<vmem>> -> memref<1x80x128xf32, #tpu.memory_space<vmem>>
    %dma_start3A_8 = tpu.memref_squeeze %dma_start3A_7 : memref<1x80x128xf32, #tpu.memory_space<vmem>> -> memref<80x128xf32, #tpu.memory_space<vmem>>
    %dma_start3A_9 = arith.constant 0 : i32
    %dma_start3A_10 = tpu.memref_slice %arg7[%dma_start3A, %dma_start3A_9] : memref<125x80xi32, #tpu.memory_space<vmem>> -> memref<1x80xi32, #tpu.memory_space<vmem>>
    %dma_start3A_11 = tpu.memref_squeeze %dma_start3A_10 : memref<1x80xi32, #tpu.memory_space<vmem>> -> memref<80xi32, #tpu.memory_space<vmem>>
    %dma_start3A_12 = arith.constant 0 : i32
    %dma_start3A_13 = arith.constant 0 : i32
    %dma_start3A_14 = tpu.memref_slice %arg4[%dma_start3A_12, %dma_start3A_13] : memref<10000x128xf32, #tpu.memory_space<hbm>> -> memref<10000x128xf32, #tpu.memory_space<hbm>>
    %dma_start3A_15 = tpu.memref_slice %arg12[%dma_start3A_4] : memref<2x!tpu.dma_semaphore, #tpu.memory_space<semaphore_mem>> -> memref<1x!tpu.dma_semaphore, #tpu.memory_space<semaphore_mem>>
    %dma_start3A_16 = tpu.memref_squeeze %dma_start3A_15 : memref<1x!tpu.dma_semaphore, #tpu.memory_space<semaphore_mem>> -> memref<!tpu.dma_semaphore, #tpu.memory_space<semaphore_mem>>
    tpu.enqueue_indirect_dma source(%dma_start3A_14 : memref<10000x128xf32, #tpu.memory_space<hbm>>) target(%dma_start3A_8 : memref<80x128xf32, #tpu.memory_space<vmem>>) offsets(%dma_start3A_11 : memref<80xi32, #tpu.memory_space<vmem>>) semaphore(%dma_start3A_16 : memref<!tpu.dma_semaphore, #tpu.memory_space<semaphore_mem>>)
    %dma_start3A_17 = arith.constant 0 : i32
    %dma_start3A_18 = arith.constant 0 : i32
    %dma_start3A_19 = arith.constant 0 : i32
    %dma_start3A_20 = arith.constant 0 : i32
    %dma_start3A_21 = arith.constant 0 : i32
    %dma_start3A_22 = tpu.memref_slice %arg10[%dma_start3A_18, %dma_start3A_20, %dma_start3A_21] : memref<2x80x128xf32, #tpu.memory_space<vmem>> -> memref<1x80x128xf32, #tpu.memory_space<vmem>>
    %dma_start3A_23 = tpu.memref_squeeze %dma_start3A_22 : memref<1x80x128xf32, #tpu.memory_space<vmem>> -> memref<80x128xf32, #tpu.memory_space<vmem>>
    %dma_start3A_24 = arith.constant 0 : i32
    %dma_start3A_25 = tpu.memref_slice %arg8[%dma_start3A_17, %dma_start3A_24] : memref<125x80xi32, #tpu.memory_space<vmem>> -> memref<1x80xi32, #tpu.memory_space<vmem>>
    %dma_start3A_26 = tpu.memref_squeeze %dma_start3A_25 : memref<1x80xi32, #tpu.memory_space<vmem>> -> memref<80xi32, #tpu.memory_space<vmem>>
    %dma_start3A_27 = arith.constant 0 : i32
    %dma_start3A_28 = arith.constant 0 : i32
    %dma_start3A_29 = tpu.memref_slice %arg5[%dma_start3A_27, %dma_start3A_28] : memref<10000x128xf32, #tpu.memory_space<hbm>> -> memref<10000x128xf32, #tpu.memory_space<hbm>>
    %dma_start3A_30 = tpu.memref_slice %arg13[%dma_start3A_19] : memref<2x!tpu.dma_semaphore, #tpu.memory_space<semaphore_mem>> -> memref<1x!tpu.dma_semaphore, #tpu.memory_space<semaphore_mem>>
    %dma_start3A_31 = tpu.memref_squeeze %dma_start3A_30 : memref<1x!tpu.dma_semaphore, #tpu.memory_space<semaphore_mem>> -> memref<!tpu.dma_semaphore, #tpu.memory_space<semaphore_mem>>
    tpu.enqueue_indirect_dma source(%dma_start3A_29 : memref<10000x128xf32, #tpu.memory_space<hbm>>) target(%dma_start3A_23 : memref<80x128xf32, #tpu.memory_space<vmem>>) offsets(%dma_start3A_26 : memref<80xi32, #tpu.memory_space<vmem>>) semaphore(%dma_start3A_31 : memref<!tpu.dma_semaphore, #tpu.memory_space<semaphore_mem>>)
    %dma_start3A_32 = arith.constant 1 : i32
    %dma_start3A_33 = arith.constant 1 : i32
    %dma_start3A_34 = arith.constant 1 : i32
    %dma_start3A_35 = arith.constant 0 : i32
    %dma_start3A_36 = arith.constant 0 : i32
    %dma_start3A_37 = tpu.memref_slice %arg9[%dma_start3A_33, %dma_start3A_35, %dma_start3A_36] : memref<2x80x128xf32, #tpu.memory_space<vmem>> -> memref<1x80x128xf32, #tpu.memory_space<vmem>>
    %dma_start3A_38 = tpu.memref_squeeze %dma_start3A_37 : memref<1x80x128xf32, #tpu.memory_space<vmem>> -> memref<80x128xf32, #tpu.memory_space<vmem>>
    %dma_start3A_39 = arith.constant 0 : i32
    %dma_start3A_40 = tpu.memref_slice %arg7[%dma_start3A_32, %dma_start3A_39] : memref<125x80xi32, #tpu.memory_space<vmem>> -> memref<1x80xi32, #tpu.memory_space<vmem>>
    %dma_start3A_41 = tpu.memref_squeeze %dma_start3A_40 : memref<1x80xi32, #tpu.memory_space<vmem>> -> memref<80xi32, #tpu.memory_space<vmem>>
    %dma_start3A_42 = arith.constant 0 : i32
    %dma_start3A_43 = arith.constant 0 : i32
    %dma_start3A_44 = tpu.memref_slice %arg4[%dma_start3A_42, %dma_start3A_43] : memref<10000x128xf32, #tpu.memory_space<hbm>> -> memref<10000x128xf32, #tpu.memory_space<hbm>>
    %dma_start3A_45 = tpu.memref_slice %arg12[%dma_start3A_34] : memref<2x!tpu.dma_semaphore, #tpu.memory_space<semaphore_mem>> -> memref<1x!tpu.dma_semaphore, #tpu.memory_space<semaphore_mem>>
    %dma_start3A_46 = tpu.memref_squeeze %dma_start3A_45 : memref<1x!tpu.dma_semaphore, #tpu.memory_space<semaphore_mem>> -> memref<!tpu.dma_semaphore, #tpu.memory_space<semaphore_mem>>
    tpu.enqueue_indirect_dma source(%dma_start3A_44 : memref<10000x128xf32, #tpu.memory_space<hbm>>) target(%dma_start3A_38 : memref<80x128xf32, #tpu.memory_space<vmem>>) offsets(%dma_start3A_41 : memref<80xi32, #tpu.memory_space<vmem>>) semaphore(%dma_start3A_46 : memref<!tpu.dma_semaphore, #tpu.memory_space<semaphore_mem>>)
    %dma_start3A_47 = arith.constant 1 : i32
    %dma_start3A_48 = arith.constant 1 : i32
    %dma_start3A_49 = arith.constant 1 : i32
    %dma_start3A_50 = arith.constant 0 : i32
    %dma_start3A_51 = arith.constant 0 : i32
    %dma_start3A_52 = tpu.memref_slice %arg10[%dma_start3A_48, %dma_start3A_50, %dma_start3A_51] : memref<2x80x128xf32, #tpu.memory_space<vmem>> -> memref<1x80x128xf32, #tpu.memory_space<vmem>>
    %dma_start3A_53 = tpu.memref_squeeze %dma_start3A_52 : memref<1x80x128xf32, #tpu.memory_space<vmem>> -> memref<80x128xf32, #tpu.memory_space<vmem>>
    %dma_start3A_54 = arith.constant 0 : i32
    %dma_start3A_55 = tpu.memref_slice %arg8[%dma_start3A_47, %dma_start3A_54] : memref<125x80xi32, #tpu.memory_space<vmem>> -> memref<1x80xi32, #tpu.memory_space<vmem>>
    %dma_start3A_56 = tpu.memref_squeeze %dma_start3A_55 : memref<1x80xi32, #tpu.memory_space<vmem>> -> memref<80xi32, #tpu.memory_space<vmem>>
    %dma_start3A_57 = arith.constant 0 : i32
    %dma_start3A_58 = arith.constant 0 : i32
    %dma_start3A_59 = tpu.memref_slice %arg5[%dma_start3A_57, %dma_start3A_58] : memref<10000x128xf32, #tpu.memory_space<hbm>> -> memref<10000x128xf32, #tpu.memory_space<hbm>>
    %dma_start3A_60 = tpu.memref_slice %arg13[%dma_start3A_49] : memref<2x!tpu.dma_semaphore, #tpu.memory_space<semaphore_mem>> -> memref<1x!tpu.dma_semaphore, #tpu.memory_space<semaphore_mem>>
    %dma_start3A_61 = tpu.memref_squeeze %dma_start3A_60 : memref<1x!tpu.dma_semaphore, #tpu.memory_space<semaphore_mem>> -> memref<!tpu.dma_semaphore, #tpu.memory_space<semaphore_mem>>
    tpu.enqueue_indirect_dma source(%dma_start3A_59 : memref<10000x128xf32, #tpu.memory_space<hbm>>) target(%dma_start3A_53 : memref<80x128xf32, #tpu.memory_space<vmem>>) offsets(%dma_start3A_56 : memref<80xi32, #tpu.memory_space<vmem>>) semaphore(%dma_start3A_61 : memref<!tpu.dma_semaphore, #tpu.memory_space<semaphore_mem>>)
    %scan3A = arith.constant 0 : i32
    %scan3A_62 = arith.constant 0 : i32
    %scan3A_63 = arith.constant 62 : i32
    %scan3A_64 = arith.addi %scan3A_62, %scan3A_63 : i32
    %scan3A_65 = arith.constant 1 : i32
    scf.for %scan3A_170 = %scan3A_62 to %scan3A_64 step %scan3A_65  : i32 {
      %mul3A_171 = arith.constant 2 : i32
      %mul3A_172 = arith.muli %mul3A_171, %scan3A_170 : i32
      %dma_wait3A_173 = arith.constant 0 : i32
      %dma_wait3A_174 = arith.constant 0 : i32
      %dma_wait3A_175 = arith.constant 0 : i32
      %dma_wait3A_176 = arith.constant 0 : i32
      %dma_wait3A_177 = tpu.memref_slice %arg9[%dma_wait3A_173, %dma_wait3A_175, %dma_wait3A_176] : memref<2x80x128xf32, #tpu.memory_space<vmem>> -> memref<1x80x128xf32, #tpu.memory_space<vmem>>
      %dma_wait3A_178 = tpu.memref_squeeze %dma_wait3A_177 : memref<1x80x128xf32, #tpu.memory_space<vmem>> -> memref<80x128xf32, #tpu.memory_space<vmem>>
      %dma_wait3A_179 = arith.constant 0 : i32
      %dma_wait3A_180 = tpu.memref_slice %arg7[%mul3A_172, %dma_wait3A_179] : memref<125x80xi32, #tpu.memory_space<vmem>> -> memref<1x80xi32, #tpu.memory_space<vmem>>
      %dma_wait3A_181 = tpu.memref_squeeze %dma_wait3A_180 : memref<1x80xi32, #tpu.memory_space<vmem>> -> memref<80xi32, #tpu.memory_space<vmem>>
      %dma_wait3A_182 = arith.constant 0 : i32
      %dma_wait3A_183 = arith.constant 0 : i32
      %dma_wait3A_184 = tpu.memref_slice %arg4[%dma_wait3A_182, %dma_wait3A_183] : memref<10000x128xf32, #tpu.memory_space<hbm>> -> memref<10000x128xf32, #tpu.memory_space<hbm>>
      %dma_wait3A_185 = tpu.memref_slice %arg12[%dma_wait3A_174] : memref<2x!tpu.dma_semaphore, #tpu.memory_space<semaphore_mem>> -> memref<1x!tpu.dma_semaphore, #tpu.memory_space<semaphore_mem>>
      %dma_wait3A_186 = tpu.memref_squeeze %dma_wait3A_185 : memref<1x!tpu.dma_semaphore, #tpu.memory_space<semaphore_mem>> -> memref<!tpu.dma_semaphore, #tpu.memory_space<semaphore_mem>>
      tpu.wait_indirect_dma semaphore(%dma_wait3A_186 : memref<!tpu.dma_semaphore, #tpu.memory_space<semaphore_mem>>) src(%dma_wait3A_184 : memref<10000x128xf32, #tpu.memory_space<hbm>>) dst(%dma_wait3A_178 : memref<80x128xf32, #tpu.memory_space<vmem>>)
      %dma_wait3A_187 = arith.constant 0 : i32
      %dma_wait3A_188 = arith.constant 0 : i32
      %dma_wait3A_189 = arith.constant 0 : i32
      %dma_wait3A_190 = arith.constant 0 : i32
      %dma_wait3A_191 = tpu.memref_slice %arg10[%dma_wait3A_187, %dma_wait3A_189, %dma_wait3A_190] : memref<2x80x128xf32, #tpu.memory_space<vmem>> -> memref<1x80x128xf32, #tpu.memory_space<vmem>>
      %dma_wait3A_192 = tpu.memref_squeeze %dma_wait3A_191 : memref<1x80x128xf32, #tpu.memory_space<vmem>> -> memref<80x128xf32, #tpu.memory_space<vmem>>
      %dma_wait3A_193 = arith.constant 0 : i32
      %dma_wait3A_194 = tpu.memref_slice %arg8[%mul3A_172, %dma_wait3A_193] : memref<125x80xi32, #tpu.memory_space<vmem>> -> memref<1x80xi32, #tpu.memory_space<vmem>>
      %dma_wait3A_195 = tpu.memref_squeeze %dma_wait3A_194 : memref<1x80xi32, #tpu.memory_space<vmem>> -> memref<80xi32, #tpu.memory_space<vmem>>
      %dma_wait3A_196 = arith.constant 0 : i32
      %dma_wait3A_197 = arith.constant 0 : i32
      %dma_wait3A_198 = tpu.memref_slice %arg5[%dma_wait3A_196, %dma_wait3A_197] : memref<10000x128xf32, #tpu.memory_space<hbm>> -> memref<10000x128xf32, #tpu.memory_space<hbm>>
      %dma_wait3A_199 = tpu.memref_slice %arg13[%dma_wait3A_188] : memref<2x!tpu.dma_semaphore, #tpu.memory_space<semaphore_mem>> -> memref<1x!tpu.dma_semaphore, #tpu.memory_space<semaphore_mem>>
      %dma_wait3A_200 = tpu.memref_squeeze %dma_wait3A_199 : memref<1x!tpu.dma_semaphore, #tpu.memory_space<semaphore_mem>> -> memref<!tpu.dma_semaphore, #tpu.memory_space<semaphore_mem>>
      tpu.wait_indirect_dma semaphore(%dma_wait3A_200 : memref<!tpu.dma_semaphore, #tpu.memory_space<semaphore_mem>>) src(%dma_wait3A_198 : memref<10000x128xf32, #tpu.memory_space<hbm>>) dst(%dma_wait3A_192 : memref<80x128xf32, #tpu.memory_space<vmem>>)
      %gt3A = arith.constant 0 : i32
      %gt3A_201 = arith.cmpi sgt, %scan3A_170, %gt3A : i32
      %convert_element_type3A = arith.extui %gt3A_201 : i1 to i32
      %cond3A = arith.constant 0 : i32
      %cond3A_202 = arith.cmpi ne, %convert_element_type3A, %cond3A : i32
      scf.if %cond3A_202 {
        %sub3A = arith.constant 2 : i32
        %sub3A_299 = arith.subi %mul3A_172, %sub3A : i32
        %mul3A_300 = arith.constant 80 : i32
        %mul3A_301 = arith.muli %sub3A_299, %mul3A_300 : i32
        %add3A_302 = arith.addi %mul3A_2, %mul3A_301 : i32
        %dma_wait3A_303 = arith.constant 0 : i32
        %dma_wait3A_304 = arith.constant 0 : i32
        %dma_wait3A_305 = arith.constant 0 : i32
        %dma_wait3A_306 = arith.constant 0 : i32
        %dma_wait3A_307 = tpu.memref_slice %arg11[%dma_wait3A_303, %dma_wait3A_305, %dma_wait3A_306] : memref<2x80x64xi32, #tpu.memory_space<vmem>> -> memref<1x80x64xi32, #tpu.memory_space<vmem>>
        %dma_wait3A_308 = tpu.memref_squeeze %dma_wait3A_307 : memref<1x80x64xi32, #tpu.memory_space<vmem>> -> memref<80x64xi32, #tpu.memory_space<vmem>>
        %dma_wait3A_309 = arith.constant 0 : i32
        %dma_wait3A_310 = tpu.memref_slice %arg6[%add3A_302, %dma_wait3A_309] : memref<320000x64xi32, #tpu.memory_space<hbm>> -> memref<80x64xi32, #tpu.memory_space<hbm>>
        %dma_wait3A_311 = tpu.memref_slice %arg14[%dma_wait3A_304] : memref<2x!tpu.dma_semaphore, #tpu.memory_space<semaphore_mem>> -> memref<1x!tpu.dma_semaphore, #tpu.memory_space<semaphore_mem>>
        %dma_wait3A_312 = tpu.memref_squeeze %dma_wait3A_311 : memref<1x!tpu.dma_semaphore, #tpu.memory_space<semaphore_mem>> -> memref<!tpu.dma_semaphore, #tpu.memory_space<semaphore_mem>>
        %dma_wait3A_313 = arith.constant 0 : i32
        %dma_wait3A_314 = tpu.memref_slice %arg6[%add3A_302, %dma_wait3A_313] : memref<320000x64xi32, #tpu.memory_space<hbm>> -> memref<80x64xi32, #tpu.memory_space<hbm>>
        %dma_wait3A_315 = arith.constant 0 : i32
        %dma_wait3A_316 = arith.constant 0 : i32
        %dma_wait3A_317 = tpu.memref_slice %arg11[%dma_wait3A_303, %dma_wait3A_315, %dma_wait3A_316] : memref<2x80x64xi32, #tpu.memory_space<vmem>> -> memref<1x80x64xi32, #tpu.memory_space<vmem>>
        %dma_wait3A_318 = tpu.memref_squeeze %dma_wait3A_317 : memref<1x80x64xi32, #tpu.memory_space<vmem>> -> memref<80x64xi32, #tpu.memory_space<vmem>>
        tpu.wait_dma2 semaphore(%dma_wait3A_312 : memref<!tpu.dma_semaphore, #tpu.memory_space<semaphore_mem>>) src(%dma_wait3A_318 : memref<80x64xi32, #tpu.memory_space<vmem>>) dst(%dma_wait3A_314 : memref<80x64xi32, #tpu.memory_space<hbm>>)
      } else {
      }
      %scan3A_203 = arith.constant 0 : i32
      %scan3A_204 = arith.constant 0 : i32
      %scan3A_205 = arith.constant 80 : i32
      %scan3A_206 = arith.addi %scan3A_204, %scan3A_205 : i32
      %scan3A_207 = arith.constant 1 : i32
      scf.for %scan3A_299 = %scan3A_204 to %scan3A_206 step %scan3A_207  : i32 {
        %scan3A_300 = arith.constant 0 : i32
        %scan3A_301 = arith.constant 0 : i32
        %scan3A_302 = arith.constant 4 : i32
        %scan3A_303 = arith.addi %scan3A_301, %scan3A_302 : i32
        %scan3A_304 = arith.constant 1 : i32
        scf.for %scan3A_306 = %scan3A_301 to %scan3A_303 step %scan3A_304  : i32 {
          %mul3A_307 = arith.constant 16 : i32
          %mul3A_308 = arith.muli %scan3A_306, %mul3A_307 : i32
          %get3A = arith.constant 0 : i32
          %get3A_309 = arith.index_cast %get3A : i32 to index
          %get3A_310 = arith.index_cast %scan3A_299 : i32 to index
          %get3A_311 = arith.index_cast %mul3A_308 : i32 to index
          %get3A_312 = tpu.vector_load %arg9[%get3A_309, %get3A_310, %get3A_311] {strides = array<i32>} : memref<2x80x128xf32, #tpu.memory_space<vmem>>, vector<16xf32>,
          %mul3A_313 = arith.constant 16 : i32
          %mul3A_314 = arith.muli %scan3A_306, %mul3A_313 : i32
          %get3A_315 = arith.constant 0 : i32
          %get3A_316 = arith.index_cast %get3A_315 : i32 to index
          %get3A_317 = arith.index_cast %scan3A_299 : i32 to index
          %get3A_318 = arith.index_cast %mul3A_314 : i32 to index
          %get3A_319 = tpu.vector_load %arg10[%get3A_316, %get3A_317, %get3A_318] {strides = array<i32>} : memref<2x80x128xf32, #tpu.memory_space<vmem>>, vector<16xf32>,
          %add3A_320 = arith.addf %get3A_312, %get3A_319 : vector<16xf32>
          %mul3A_321 = arith.constant 16 : i32
          %mul3A_322 = arith.muli %scan3A_306, %mul3A_321 : i32
          %add3A_323 = arith.constant 64 : i32
          %add3A_324 = arith.addi %add3A_323, %mul3A_322 : i32
          %get3A_325 = arith.constant 0 : i32
          %get3A_326 = arith.index_cast %get3A_325 : i32 to index
          %get3A_327 = arith.index_cast %scan3A_299 : i32 to index
          %get3A_328 = arith.index_cast %add3A_324 : i32 to index
          %get3A_329 = tpu.vector_load %arg9[%get3A_326, %get3A_327, %get3A_328] {strides = array<i32>} : memref<2x80x128xf32, #tpu.memory_space<vmem>>, vector<16xf32>,
          %mul3A_330 = arith.constant 16 : i32
          %mul3A_331 = arith.muli %scan3A_306, %mul3A_330 : i32
          %add3A_332 = arith.constant 64 : i32
          %add3A_333 = arith.addi %add3A_332, %mul3A_331 : i32
          %get3A_334 = arith.constant 0 : i32
          %get3A_335 = arith.index_cast %get3A_334 : i32 to index
          %get3A_336 = arith.index_cast %scan3A_299 : i32 to index
          %get3A_337 = arith.index_cast %add3A_333 : i32 to index
          %get3A_338 = tpu.vector_load %arg10[%get3A_335, %get3A_336, %get3A_337] {strides = array<i32>} : memref<2x80x128xf32, #tpu.memory_space<vmem>>, vector<16xf32>,
          %add3A_339 = arith.addf %get3A_329, %get3A_338 : vector<16xf32>
          %pack3A = tpu.pack_subelements %add3A_320, %add3A_339 {pack_format = #tpu.pack_format<interleaved>, positions = array<i32: 0, 1>} : vector<16xf32>, vector<16xf32> -> vector<32xbf16>
          %bitcast3A = vector.bitcast %pack3A : vector<32xbf16> to vector<16xi32>
          %mul3A_340 = arith.constant 16 : i32
          %mul3A_341 = arith.muli %scan3A_306, %mul3A_340 : i32
          %swap3A = arith.constant 0 : i32
          %swap3A_342 = arith.index_cast %swap3A : i32 to index
          %swap3A_343 = arith.index_cast %scan3A_299 : i32 to index
          %swap3A_344 = arith.index_cast %mul3A_341 : i32 to index
          %swap3A_345 = tpu.vector_load %arg11[%swap3A_342, %swap3A_343, %swap3A_344] {strides = array<i32>} : memref<2x80x64xi32, #tpu.memory_space<vmem>>, vector<16xi32>,
          tpu.vector_store %arg11[%swap3A_342, %swap3A_343, %swap3A_344], %bitcast3A {strides = array<i32>} : memref<2x80x64xi32, #tpu.memory_space<vmem>>, vector<16xi32>,
        }
        %scan3A_305 = arith.constant 4 : i32
      }
      %scan3A_208 = arith.constant 80 : i32
      %mul3A_209 = arith.constant 80 : i32
      %mul3A_210 = arith.muli %mul3A_172, %mul3A_209 : i32
      %add3A_211 = arith.addi %mul3A_2, %mul3A_210 : i32
      %dma_start3A_212 = arith.constant 0 : i32
      %dma_start3A_213 = arith.constant 0 : i32
      %dma_start3A_214 = arith.constant 0 : i32
      %dma_start3A_215 = arith.constant 0 : i32
      %dma_start3A_216 = tpu.memref_slice %arg11[%dma_start3A_212, %dma_start3A_214, %dma_start3A_215] : memref<2x80x64xi32, #tpu.memory_space<vmem>> -> memref<1x80x64xi32, #tpu.memory_space<vmem>>
      %dma_start3A_217 = tpu.memref_squeeze %dma_start3A_216 : memref<1x80x64xi32, #tpu.memory_space<vmem>> -> memref<80x64xi32, #tpu.memory_space<vmem>>
      %dma_start3A_218 = arith.constant 0 : i32
      %dma_start3A_219 = tpu.memref_slice %arg6[%add3A_211, %dma_start3A_218] : memref<320000x64xi32, #tpu.memory_space<hbm>> -> memref<80x64xi32, #tpu.memory_space<hbm>>
      %dma_start3A_220 = tpu.memref_slice %arg14[%dma_start3A_213] : memref<2x!tpu.dma_semaphore, #tpu.memory_space<semaphore_mem>> -> memref<1x!tpu.dma_semaphore, #tpu.memory_space<semaphore_mem>>
      %dma_start3A_221 = tpu.memref_squeeze %dma_start3A_220 : memref<1x!tpu.dma_semaphore, #tpu.memory_space<semaphore_mem>> -> memref<!tpu.dma_semaphore, #tpu.memory_space<semaphore_mem>>
      %dma_start3A_222 = arith.constant 0 : i32
      %dma_start3A_223 = tpu.memref_slice %arg6[%add3A_211, %dma_start3A_222] : memref<320000x64xi32, #tpu.memory_space<hbm>> -> memref<80x64xi32, #tpu.memory_space<hbm>>
      %dma_start3A_224 = arith.constant 0 : i32
      %dma_start3A_225 = arith.constant 0 : i32
      %dma_start3A_226 = tpu.memref_slice %arg11[%dma_start3A_212, %dma_start3A_224, %dma_start3A_225] : memref<2x80x64xi32, #tpu.memory_space<vmem>> -> memref<1x80x64xi32, #tpu.memory_space<vmem>>
      %dma_start3A_227 = tpu.memref_squeeze %dma_start3A_226 : memref<1x80x64xi32, #tpu.memory_space<vmem>> -> memref<80x64xi32, #tpu.memory_space<vmem>>
      tpu.enqueue_dma source(%dma_start3A_227 : memref<80x64xi32, #tpu.memory_space<vmem>>) target(%dma_start3A_223 : memref<80x64xi32, #tpu.memory_space<hbm>>) target_semaphore(%dma_start3A_221 : memref<!tpu.dma_semaphore, #tpu.memory_space<semaphore_mem>>)
      %lt3A = arith.constant 61 : i32
      %lt3A_228 = arith.cmpi slt, %scan3A_170, %lt3A : i32
      %convert_element_type3A_229 = arith.extui %lt3A_228 : i1 to i32
      %cond3A_230 = arith.constant 0 : i32
      %cond3A_231 = arith.cmpi ne, %convert_element_type3A_229, %cond3A_230 : i32
      scf.if %cond3A_231 {
        %add3A_299 = arith.constant 2 : i32
        %add3A_300 = arith.addi %mul3A_172, %add3A_299 : i32
        %dma_start3A_301 = arith.constant 0 : i32
        %dma_start3A_302 = arith.constant 0 : i32
        %dma_start3A_303 = arith.constant 0 : i32
        %dma_start3A_304 = arith.constant 0 : i32
        %dma_start3A_305 = tpu.memref_slice %arg9[%dma_start3A_301, %dma_start3A_303, %dma_start3A_304] : memref<2x80x128xf32, #tpu.memory_space<vmem>> -> memref<1x80x128xf32, #tpu.memory_space<vmem>>
        %dma_start3A_306 = tpu.memref_squeeze %dma_start3A_305 : memref<1x80x128xf32, #tpu.memory_space<vmem>> -> memref<80x128xf32, #tpu.memory_space<vmem>>
        %dma_start3A_307 = arith.constant 0 : i32
        %dma_start3A_308 = tpu.memref_slice %arg7[%add3A_300, %dma_start3A_307] : memref<125x80xi32, #tpu.memory_space<vmem>> -> memref<1x80xi32, #tpu.memory_space<vmem>>
        %dma_start3A_309 = tpu.memref_squeeze %dma_start3A_308 : memref<1x80xi32, #tpu.memory_space<vmem>> -> memref<80xi32, #tpu.memory_space<vmem>>
        %dma_start3A_310 = arith.constant 0 : i32
        %dma_start3A_311 = arith.constant 0 : i32
        %dma_start3A_312 = tpu.memref_slice %arg4[%dma_start3A_310, %dma_start3A_311] : memref<10000x128xf32, #tpu.memory_space<hbm>> -> memref<10000x128xf32, #tpu.memory_space<hbm>>
        %dma_start3A_313 = tpu.memref_slice %arg12[%dma_start3A_302] : memref<2x!tpu.dma_semaphore, #tpu.memory_space<semaphore_mem>> -> memref<1x!tpu.dma_semaphore, #tpu.memory_space<semaphore_mem>>
        %dma_start3A_314 = tpu.memref_squeeze %dma_start3A_313 : memref<1x!tpu.dma_semaphore, #tpu.memory_space<semaphore_mem>> -> memref<!tpu.dma_semaphore, #tpu.memory_space<semaphore_mem>>
        tpu.enqueue_indirect_dma source(%dma_start3A_312 : memref<10000x128xf32, #tpu.memory_space<hbm>>) target(%dma_start3A_306 : memref<80x128xf32, #tpu.memory_space<vmem>>) offsets(%dma_start3A_309 : memref<80xi32, #tpu.memory_space<vmem>>) semaphore(%dma_start3A_314 : memref<!tpu.dma_semaphore, #tpu.memory_space<semaphore_mem>>)
        %dma_start3A_315 = arith.constant 0 : i32
        %dma_start3A_316 = arith.constant 0 : i32
        %dma_start3A_317 = arith.constant 0 : i32
        %dma_start3A_318 = arith.constant 0 : i32
        %dma_start3A_319 = tpu.memref_slice %arg10[%dma_start3A_315, %dma_start3A_317, %dma_start3A_318] : memref<2x80x128xf32, #tpu.memory_space<vmem>> -> memref<1x80x128xf32, #tpu.memory_space<vmem>>
        %dma_start3A_320 = tpu.memref_squeeze %dma_start3A_319 : memref<1x80x128xf32, #tpu.memory_space<vmem>> -> memref<80x128xf32, #tpu.memory_space<vmem>>
        %dma_start3A_321 = arith.constant 0 : i32
        %dma_start3A_322 = tpu.memref_slice %arg8[%add3A_300, %dma_start3A_321] : memref<125x80xi32, #tpu.memory_space<vmem>> -> memref<1x80xi32, #tpu.memory_space<vmem>>
        %dma_start3A_323 = tpu.memref_squeeze %dma_start3A_322 : memref<1x80xi32, #tpu.memory_space<vmem>> -> memref<80xi32, #tpu.memory_space<vmem>>
        %dma_start3A_324 = arith.constant 0 : i32
        %dma_start3A_325 = arith.constant 0 : i32
        %dma_start3A_326 = tpu.memref_slice %arg5[%dma_start3A_324, %dma_start3A_325] : memref<10000x128xf32, #tpu.memory_space<hbm>> -> memref<10000x128xf32, #tpu.memory_space<hbm>>
        %dma_start3A_327 = tpu.memref_slice %arg13[%dma_start3A_316] : memref<2x!tpu.dma_semaphore, #tpu.memory_space<semaphore_mem>> -> memref<1x!tpu.dma_semaphore, #tpu.memory_space<semaphore_mem>>
        %dma_start3A_328 = tpu.memref_squeeze %dma_start3A_327 : memref<1x!tpu.dma_semaphore, #tpu.memory_space<semaphore_mem>> -> memref<!tpu.dma_semaphore, #tpu.memory_space<semaphore_mem>>
        tpu.enqueue_indirect_dma source(%dma_start3A_326 : memref<10000x128xf32, #tpu.memory_space<hbm>>) target(%dma_start3A_320 : memref<80x128xf32, #tpu.memory_space<vmem>>) offsets(%dma_start3A_323 : memref<80xi32, #tpu.memory_space<vmem>>) semaphore(%dma_start3A_328 : memref<!tpu.dma_semaphore, #tpu.memory_space<semaphore_mem>>)
      } else {
      }
      %add3A_232 = arith.constant 1 : i32
      %add3A_233 = arith.addi %mul3A_172, %add3A_232 : i32
      %dma_wait3A_234 = arith.constant 1 : i32
      %dma_wait3A_235 = arith.constant 1 : i32
      %dma_wait3A_236 = arith.constant 0 : i32
      %dma_wait3A_237 = arith.constant 0 : i32
      %dma_wait3A_238 = tpu.memref_slice %arg9[%dma_wait3A_234, %dma_wait3A_236, %dma_wait3A_237] : memref<2x80x128xf32, #tpu.memory_space<vmem>> -> memref<1x80x128xf32, #tpu.memory_space<vmem>>
      %dma_wait3A_239 = tpu.memref_squeeze %dma_wait3A_238 : memref<1x80x128xf32, #tpu.memory_space<vmem>> -> memref<80x128xf32, #tpu.memory_space<vmem>>
      %dma_wait3A_240 = arith.constant 0 : i32
      %dma_wait3A_241 = tpu.memref_slice %arg7[%add3A_233, %dma_wait3A_240] : memref<125x80xi32, #tpu.memory_space<vmem>> -> memref<1x80xi32, #tpu.memory_space<vmem>>
      %dma_wait3A_242 = tpu.memref_squeeze %dma_wait3A_241 : memref<1x80xi32, #tpu.memory_space<vmem>> -> memref<80xi32, #tpu.memory_space<vmem>>
      %dma_wait3A_243 = arith.constant 0 : i32
      %dma_wait3A_244 = arith.constant 0 : i32
      %dma_wait3A_245 = tpu.memref_slice %arg4[%dma_wait3A_243, %dma_wait3A_244] : memref<10000x128xf32, #tpu.memory_space<hbm>> -> memref<10000x128xf32, #tpu.memory_space<hbm>>
      %dma_wait3A_246 = tpu.memref_slice %arg12[%dma_wait3A_235] : memref<2x!tpu.dma_semaphore, #tpu.memory_space<semaphore_mem>> -> memref<1x!tpu.dma_semaphore, #tpu.memory_space<semaphore_mem>>
      %dma_wait3A_247 = tpu.memref_squeeze %dma_wait3A_246 : memref<1x!tpu.dma_semaphore, #tpu.memory_space<semaphore_mem>> -> memref<!tpu.dma_semaphore, #tpu.memory_space<semaphore_mem>>
      tpu.wait_indirect_dma semaphore(%dma_wait3A_247 : memref<!tpu.dma_semaphore, #tpu.memory_space<semaphore_mem>>) src(%dma_wait3A_245 : memref<10000x128xf32, #tpu.memory_space<hbm>>) dst(%dma_wait3A_239 : memref<80x128xf32, #tpu.memory_space<vmem>>)
      %dma_wait3A_248 = arith.constant 1 : i32
      %dma_wait3A_249 = arith.constant 1 : i32
      %dma_wait3A_250 = arith.constant 0 : i32
      %dma_wait3A_251 = arith.constant 0 : i32
      %dma_wait3A_252 = tpu.memref_slice %arg10[%dma_wait3A_248, %dma_wait3A_250, %dma_wait3A_251] : memref<2x80x128xf32, #tpu.memory_space<vmem>> -> memref<1x80x128xf32, #tpu.memory_space<vmem>>
      %dma_wait3A_253 = tpu.memref_squeeze %dma_wait3A_252 : memref<1x80x128xf32, #tpu.memory_space<vmem>> -> memref<80x128xf32, #tpu.memory_space<vmem>>
      %dma_wait3A_254 = arith.constant 0 : i32
      %dma_wait3A_255 = tpu.memref_slice %arg8[%add3A_233, %dma_wait3A_254] : memref<125x80xi32, #tpu.memory_space<vmem>> -> memref<1x80xi32, #tpu.memory_space<vmem>>
      %dma_wait3A_256 = tpu.memref_squeeze %dma_wait3A_255 : memref<1x80xi32, #tpu.memory_space<vmem>> -> memref<80xi32, #tpu.memory_space<vmem>>
      %dma_wait3A_257 = arith.constant 0 : i32
      %dma_wait3A_258 = arith.constant 0 : i32
      %dma_wait3A_259 = tpu.memref_slice %arg5[%dma_wait3A_257, %dma_wait3A_258] : memref<10000x128xf32, #tpu.memory_space<hbm>> -> memref<10000x128xf32, #tpu.memory_space<hbm>>
      %dma_wait3A_260 = tpu.memref_slice %arg13[%dma_wait3A_249] : memref<2x!tpu.dma_semaphore, #tpu.memory_space<semaphore_mem>> -> memref<1x!tpu.dma_semaphore, #tpu.memory_space<semaphore_mem>>
      %dma_wait3A_261 = tpu.memref_squeeze %dma_wait3A_260 : memref<1x!tpu.dma_semaphore, #tpu.memory_space<semaphore_mem>> -> memref<!tpu.dma_semaphore, #tpu.memory_space<semaphore_mem>>
      tpu.wait_indirect_dma semaphore(%dma_wait3A_261 : memref<!tpu.dma_semaphore, #tpu.memory_space<semaphore_mem>>) src(%dma_wait3A_259 : memref<10000x128xf32, #tpu.memory_space<hbm>>) dst(%dma_wait3A_253 : memref<80x128xf32, #tpu.memory_space<vmem>>)
      %gt3A_262 = arith.constant 0 : i32
      %gt3A_263 = arith.cmpi sgt, %scan3A_170, %gt3A_262 : i32
      %convert_element_type3A_264 = arith.extui %gt3A_263 : i1 to i32
      %cond3A_265 = arith.constant 0 : i32
      %cond3A_266 = arith.cmpi ne, %convert_element_type3A_264, %cond3A_265 : i32
      scf.if %cond3A_266 {
        %sub3A = arith.constant 1 : i32
        %sub3A_299 = arith.subi %mul3A_172, %sub3A : i32
        %mul3A_300 = arith.constant 80 : i32
        %mul3A_301 = arith.muli %sub3A_299, %mul3A_300 : i32
        %add3A_302 = arith.addi %mul3A_2, %mul3A_301 : i32
        %dma_wait3A_303 = arith.constant 1 : i32
        %dma_wait3A_304 = arith.constant 1 : i32
        %dma_wait3A_305 = arith.constant 0 : i32
        %dma_wait3A_306 = arith.constant 0 : i32
        %dma_wait3A_307 = tpu.memref_slice %arg11[%dma_wait3A_303, %dma_wait3A_305, %dma_wait3A_306] : memref<2x80x64xi32, #tpu.memory_space<vmem>> -> memref<1x80x64xi32, #tpu.memory_space<vmem>>
        %dma_wait3A_308 = tpu.memref_squeeze %dma_wait3A_307 : memref<1x80x64xi32, #tpu.memory_space<vmem>> -> memref<80x64xi32, #tpu.memory_space<vmem>>
        %dma_wait3A_309 = arith.constant 0 : i32
        %dma_wait3A_310 = tpu.memref_slice %arg6[%add3A_302, %dma_wait3A_309] : memref<320000x64xi32, #tpu.memory_space<hbm>> -> memref<80x64xi32, #tpu.memory_space<hbm>>
        %dma_wait3A_311 = tpu.memref_slice %arg14[%dma_wait3A_304] : memref<2x!tpu.dma_semaphore, #tpu.memory_space<semaphore_mem>> -> memref<1x!tpu.dma_semaphore, #tpu.memory_space<semaphore_mem>>
        %dma_wait3A_312 = tpu.memref_squeeze %dma_wait3A_311 : memref<1x!tpu.dma_semaphore, #tpu.memory_space<semaphore_mem>> -> memref<!tpu.dma_semaphore, #tpu.memory_space<semaphore_mem>>
        %dma_wait3A_313 = arith.constant 0 : i32
        %dma_wait3A_314 = tpu.memref_slice %arg6[%add3A_302, %dma_wait3A_313] : memref<320000x64xi32, #tpu.memory_space<hbm>> -> memref<80x64xi32, #tpu.memory_space<hbm>>
        %dma_wait3A_315 = arith.constant 0 : i32
        %dma_wait3A_316 = arith.constant 0 : i32
        %dma_wait3A_317 = tpu.memref_slice %arg11[%dma_wait3A_303, %dma_wait3A_315, %dma_wait3A_316] : memref<2x80x64xi32, #tpu.memory_space<vmem>> -> memref<1x80x64xi32, #tpu.memory_space<vmem>>
        %dma_wait3A_318 = tpu.memref_squeeze %dma_wait3A_317 : memref<1x80x64xi32, #tpu.memory_space<vmem>> -> memref<80x64xi32, #tpu.memory_space<vmem>>
        tpu.wait_dma2 semaphore(%dma_wait3A_312 : memref<!tpu.dma_semaphore, #tpu.memory_space<semaphore_mem>>) src(%dma_wait3A_318 : memref<80x64xi32, #tpu.memory_space<vmem>>) dst(%dma_wait3A_314 : memref<80x64xi32, #tpu.memory_space<hbm>>)
      } else {
      }
      %scan3A_267 = arith.constant 0 : i32
      %scan3A_268 = arith.constant 0 : i32
      %scan3A_269 = arith.constant 80 : i32
      %scan3A_270 = arith.addi %scan3A_268, %scan3A_269 : i32
      %scan3A_271 = arith.constant 1 : i32
      scf.for %scan3A_299 = %scan3A_268 to %scan3A_270 step %scan3A_271  : i32 {
        %scan3A_300 = arith.constant 0 : i32
        %scan3A_301 = arith.constant 0 : i32
        %scan3A_302 = arith.constant 4 : i32
        %scan3A_303 = arith.addi %scan3A_301, %scan3A_302 : i32
        %scan3A_304 = arith.constant 1 : i32
        scf.for %scan3A_306 = %scan3A_301 to %scan3A_303 step %scan3A_304  : i32 {
          %mul3A_307 = arith.constant 16 : i32
          %mul3A_308 = arith.muli %scan3A_306, %mul3A_307 : i32
          %get3A = arith.constant 1 : i32
          %get3A_309 = arith.index_cast %get3A : i32 to index
          %get3A_310 = arith.index_cast %scan3A_299 : i32 to index
          %get3A_311 = arith.index_cast %mul3A_308 : i32 to index
          %get3A_312 = tpu.vector_load %arg9[%get3A_309, %get3A_310, %get3A_311] {strides = array<i32>} : memref<2x80x128xf32, #tpu.memory_space<vmem>>, vector<16xf32>,
          %mul3A_313 = arith.constant 16 : i32
          %mul3A_314 = arith.muli %scan3A_306, %mul3A_313 : i32
          %get3A_315 = arith.constant 1 : i32
          %get3A_316 = arith.index_cast %get3A_315 : i32 to index
          %get3A_317 = arith.index_cast %scan3A_299 : i32 to index
          %get3A_318 = arith.index_cast %mul3A_314 : i32 to index
          %get3A_319 = tpu.vector_load %arg10[%get3A_316, %get3A_317, %get3A_318] {strides = array<i32>} : memref<2x80x128xf32, #tpu.memory_space<vmem>>, vector<16xf32>,
          %add3A_320 = arith.addf %get3A_312, %get3A_319 : vector<16xf32>
          %mul3A_321 = arith.constant 16 : i32
          %mul3A_322 = arith.muli %scan3A_306, %mul3A_321 : i32
          %add3A_323 = arith.constant 64 : i32
          %add3A_324 = arith.addi %add3A_323, %mul3A_322 : i32
          %get3A_325 = arith.constant 1 : i32
          %get3A_326 = arith.index_cast %get3A_325 : i32 to index
          %get3A_327 = arith.index_cast %scan3A_299 : i32 to index
          %get3A_328 = arith.index_cast %add3A_324 : i32 to index
          %get3A_329 = tpu.vector_load %arg9[%get3A_326, %get3A_327, %get3A_328] {strides = array<i32>} : memref<2x80x128xf32, #tpu.memory_space<vmem>>, vector<16xf32>,
          %mul3A_330 = arith.constant 16 : i32
          %mul3A_331 = arith.muli %scan3A_306, %mul3A_330 : i32
          %add3A_332 = arith.constant 64 : i32
          %add3A_333 = arith.addi %add3A_332, %mul3A_331 : i32
          %get3A_334 = arith.constant 1 : i32
          %get3A_335 = arith.index_cast %get3A_334 : i32 to index
          %get3A_336 = arith.index_cast %scan3A_299 : i32 to index
          %get3A_337 = arith.index_cast %add3A_333 : i32 to index
          %get3A_338 = tpu.vector_load %arg10[%get3A_335, %get3A_336, %get3A_337] {strides = array<i32>} : memref<2x80x128xf32, #tpu.memory_space<vmem>>, vector<16xf32>,
          %add3A_339 = arith.addf %get3A_329, %get3A_338 : vector<16xf32>
          %pack3A = tpu.pack_subelements %add3A_320, %add3A_339 {pack_format = #tpu.pack_format<interleaved>, positions = array<i32: 0, 1>} : vector<16xf32>, vector<16xf32> -> vector<32xbf16>
          %bitcast3A = vector.bitcast %pack3A : vector<32xbf16> to vector<16xi32>
          %mul3A_340 = arith.constant 16 : i32
          %mul3A_341 = arith.muli %scan3A_306, %mul3A_340 : i32
          %swap3A = arith.constant 1 : i32
          %swap3A_342 = arith.index_cast %swap3A : i32 to index
          %swap3A_343 = arith.index_cast %scan3A_299 : i32 to index
          %swap3A_344 = arith.index_cast %mul3A_341 : i32 to index
          %swap3A_345 = tpu.vector_load %arg11[%swap3A_342, %swap3A_343, %swap3A_344] {strides = array<i32>} : memref<2x80x64xi32, #tpu.memory_space<vmem>>, vector<16xi32>,
          tpu.vector_store %arg11[%swap3A_342, %swap3A_343, %swap3A_344], %bitcast3A {strides = array<i32>} : memref<2x80x64xi32, #tpu.memory_space<vmem>>, vector<16xi32>,
        }
        %scan3A_305 = arith.constant 4 : i32
      }
      %scan3A_272 = arith.constant 80 : i32
      %add3A_273 = arith.constant 1 : i32
      %add3A_274 = arith.addi %mul3A_172, %add3A_273 : i32
      %mul3A_275 = arith.constant 80 : i32
      %mul3A_276 = arith.muli %add3A_274, %mul3A_275 : i32
      %add3A_277 = arith.addi %mul3A_2, %mul3A_276 : i32
      %dma_start3A_278 = arith.constant 1 : i32
      %dma_start3A_279 = arith.constant 1 : i32
      %dma_start3A_280 = arith.constant 0 : i32
      %dma_start3A_281 = arith.constant 0 : i32
      %dma_start3A_282 = tpu.memref_slice %arg11[%dma_start3A_278, %dma_start3A_280, %dma_start3A_281] : memref<2x80x64xi32, #tpu.memory_space<vmem>> -> memref<1x80x64xi32, #tpu.memory_space<vmem>>
      %dma_start3A_283 = tpu.memref_squeeze %dma_start3A_282 : memref<1x80x64xi32, #tpu.memory_space<vmem>> -> memref<80x64xi32, #tpu.memory_space<vmem>>
      %dma_start3A_284 = arith.constant 0 : i32
      %dma_start3A_285 = tpu.memref_slice %arg6[%add3A_277, %dma_start3A_284] : memref<320000x64xi32, #tpu.memory_space<hbm>> -> memref<80x64xi32, #tpu.memory_space<hbm>>
      %dma_start3A_286 = tpu.memref_slice %arg14[%dma_start3A_279] : memref<2x!tpu.dma_semaphore, #tpu.memory_space<semaphore_mem>> -> memref<1x!tpu.dma_semaphore, #tpu.memory_space<semaphore_mem>>
      %dma_start3A_287 = tpu.memref_squeeze %dma_start3A_286 : memref<1x!tpu.dma_semaphore, #tpu.memory_space<semaphore_mem>> -> memref<!tpu.dma_semaphore, #tpu.memory_space<semaphore_mem>>
      %dma_start3A_288 = arith.constant 0 : i32
      %dma_start3A_289 = tpu.memref_slice %arg6[%add3A_277, %dma_start3A_288] : memref<320000x64xi32, #tpu.memory_space<hbm>> -> memref<80x64xi32, #tpu.memory_space<hbm>>
      %dma_start3A_290 = arith.constant 0 : i32
      %dma_start3A_291 = arith.constant 0 : i32
      %dma_start3A_292 = tpu.memref_slice %arg11[%dma_start3A_278, %dma_start3A_290, %dma_start3A_291] : memref<2x80x64xi32, #tpu.memory_space<vmem>> -> memref<1x80x64xi32, #tpu.memory_space<vmem>>
      %dma_start3A_293 = tpu.memref_squeeze %dma_start3A_292 : memref<1x80x64xi32, #tpu.memory_space<vmem>> -> memref<80x64xi32, #tpu.memory_space<vmem>>
      tpu.enqueue_dma source(%dma_start3A_293 : memref<80x64xi32, #tpu.memory_space<vmem>>) target(%dma_start3A_289 : memref<80x64xi32, #tpu.memory_space<hbm>>) target_semaphore(%dma_start3A_287 : memref<!tpu.dma_semaphore, #tpu.memory_space<semaphore_mem>>)
      %lt3A_294 = arith.constant 61 : i32
      %lt3A_295 = arith.cmpi slt, %scan3A_170, %lt3A_294 : i32
      %convert_element_type3A_296 = arith.extui %lt3A_295 : i1 to i32
      %cond3A_297 = arith.constant 0 : i32
      %cond3A_298 = arith.cmpi ne, %convert_element_type3A_296, %cond3A_297 : i32
      scf.if %cond3A_298 {
        %add3A_299 = arith.constant 3 : i32
        %add3A_300 = arith.addi %mul3A_172, %add3A_299 : i32
        %dma_start3A_301 = arith.constant 1 : i32
        %dma_start3A_302 = arith.constant 1 : i32
        %dma_start3A_303 = arith.constant 0 : i32
        %dma_start3A_304 = arith.constant 0 : i32
        %dma_start3A_305 = tpu.memref_slice %arg9[%dma_start3A_301, %dma_start3A_303, %dma_start3A_304] : memref<2x80x128xf32, #tpu.memory_space<vmem>> -> memref<1x80x128xf32, #tpu.memory_space<vmem>>
        %dma_start3A_306 = tpu.memref_squeeze %dma_start3A_305 : memref<1x80x128xf32, #tpu.memory_space<vmem>> -> memref<80x128xf32, #tpu.memory_space<vmem>>
        %dma_start3A_307 = arith.constant 0 : i32
        %dma_start3A_308 = tpu.memref_slice %arg7[%add3A_300, %dma_start3A_307] : memref<125x80xi32, #tpu.memory_space<vmem>> -> memref<1x80xi32, #tpu.memory_space<vmem>>
        %dma_start3A_309 = tpu.memref_squeeze %dma_start3A_308 : memref<1x80xi32, #tpu.memory_space<vmem>> -> memref<80xi32, #tpu.memory_space<vmem>>
        %dma_start3A_310 = arith.constant 0 : i32
        %dma_start3A_311 = arith.constant 0 : i32
        %dma_start3A_312 = tpu.memref_slice %arg4[%dma_start3A_310, %dma_start3A_311] : memref<10000x128xf32, #tpu.memory_space<hbm>> -> memref<10000x128xf32, #tpu.memory_space<hbm>>
        %dma_start3A_313 = tpu.memref_slice %arg12[%dma_start3A_302] : memref<2x!tpu.dma_semaphore, #tpu.memory_space<semaphore_mem>> -> memref<1x!tpu.dma_semaphore, #tpu.memory_space<semaphore_mem>>
        %dma_start3A_314 = tpu.memref_squeeze %dma_start3A_313 : memref<1x!tpu.dma_semaphore, #tpu.memory_space<semaphore_mem>> -> memref<!tpu.dma_semaphore, #tpu.memory_space<semaphore_mem>>
        tpu.enqueue_indirect_dma source(%dma_start3A_312 : memref<10000x128xf32, #tpu.memory_space<hbm>>) target(%dma_start3A_306 : memref<80x128xf32, #tpu.memory_space<vmem>>) offsets(%dma_start3A_309 : memref<80xi32, #tpu.memory_space<vmem>>) semaphore(%dma_start3A_314 : memref<!tpu.dma_semaphore, #tpu.memory_space<semaphore_mem>>)
        %dma_start3A_315 = arith.constant 1 : i32
        %dma_start3A_316 = arith.constant 1 : i32
        %dma_start3A_317 = arith.constant 0 : i32
        %dma_start3A_318 = arith.constant 0 : i32
        %dma_start3A_319 = tpu.memref_slice %arg10[%dma_start3A_315, %dma_start3A_317, %dma_start3A_318] : memref<2x80x128xf32, #tpu.memory_space<vmem>> -> memref<1x80x128xf32, #tpu.memory_space<vmem>>
        %dma_start3A_320 = tpu.memref_squeeze %dma_start3A_319 : memref<1x80x128xf32, #tpu.memory_space<vmem>> -> memref<80x128xf32, #tpu.memory_space<vmem>>
        %dma_start3A_321 = arith.constant 0 : i32
        %dma_start3A_322 = tpu.memref_slice %arg8[%add3A_300, %dma_start3A_321] : memref<125x80xi32, #tpu.memory_space<vmem>> -> memref<1x80xi32, #tpu.memory_space<vmem>>
        %dma_start3A_323 = tpu.memref_squeeze %dma_start3A_322 : memref<1x80xi32, #tpu.memory_space<vmem>> -> memref<80xi32, #tpu.memory_space<vmem>>
        %dma_start3A_324 = arith.constant 0 : i32
        %dma_start3A_325 = arith.constant 0 : i32
        %dma_start3A_326 = tpu.memref_slice %arg5[%dma_start3A_324, %dma_start3A_325] : memref<10000x128xf32, #tpu.memory_space<hbm>> -> memref<10000x128xf32, #tpu.memory_space<hbm>>
        %dma_start3A_327 = tpu.memref_slice %arg13[%dma_start3A_316] : memref<2x!tpu.dma_semaphore, #tpu.memory_space<semaphore_mem>> -> memref<1x!tpu.dma_semaphore, #tpu.memory_space<semaphore_mem>>
        %dma_start3A_328 = tpu.memref_squeeze %dma_start3A_327 : memref<1x!tpu.dma_semaphore, #tpu.memory_space<semaphore_mem>> -> memref<!tpu.dma_semaphore, #tpu.memory_space<semaphore_mem>>
        tpu.enqueue_indirect_dma source(%dma_start3A_326 : memref<10000x128xf32, #tpu.memory_space<hbm>>) target(%dma_start3A_320 : memref<80x128xf32, #tpu.memory_space<vmem>>) offsets(%dma_start3A_323 : memref<80xi32, #tpu.memory_space<vmem>>) semaphore(%dma_start3A_328 : memref<!tpu.dma_semaphore, #tpu.memory_space<semaphore_mem>>)
      } else {
      }
    }
    %scan3A_66 = arith.constant 62 : i32
    %add3A_67 = arith.constant 9760 : i32
    %add3A_68 = arith.addi %mul3A_2, %add3A_67 : i32
    %dma_wait3A = arith.constant 0 : i32
    %dma_wait3A_69 = arith.constant 0 : i32
    %dma_wait3A_70 = arith.constant 0 : i32
    %dma_wait3A_71 = arith.constant 0 : i32
    %dma_wait3A_72 = tpu.memref_slice %arg11[%dma_wait3A, %dma_wait3A_70, %dma_wait3A_71] : memref<2x80x64xi32, #tpu.memory_space<vmem>> -> memref<1x80x64xi32, #tpu.memory_space<vmem>>
    %dma_wait3A_73 = tpu.memref_squeeze %dma_wait3A_72 : memref<1x80x64xi32, #tpu.memory_space<vmem>> -> memref<80x64xi32, #tpu.memory_space<vmem>>
    %dma_wait3A_74 = arith.constant 0 : i32
    %dma_wait3A_75 = tpu.memref_slice %arg6[%add3A_68, %dma_wait3A_74] : memref<320000x64xi32, #tpu.memory_space<hbm>> -> memref<80x64xi32, #tpu.memory_space<hbm>>
    %dma_wait3A_76 = tpu.memref_slice %arg14[%dma_wait3A_69] : memref<2x!tpu.dma_semaphore, #tpu.memory_space<semaphore_mem>> -> memref<1x!tpu.dma_semaphore, #tpu.memory_space<semaphore_mem>>
    %dma_wait3A_77 = tpu.memref_squeeze %dma_wait3A_76 : memref<1x!tpu.dma_semaphore, #tpu.memory_space<semaphore_mem>> -> memref<!tpu.dma_semaphore, #tpu.memory_space<semaphore_mem>>
    %dma_wait3A_78 = arith.constant 0 : i32
    %dma_wait3A_79 = tpu.memref_slice %arg6[%add3A_68, %dma_wait3A_78] : memref<320000x64xi32, #tpu.memory_space<hbm>> -> memref<80x64xi32, #tpu.memory_space<hbm>>
    %dma_wait3A_80 = arith.constant 0 : i32
    %dma_wait3A_81 = arith.constant 0 : i32
    %dma_wait3A_82 = tpu.memref_slice %arg11[%dma_wait3A, %dma_wait3A_80, %dma_wait3A_81] : memref<2x80x64xi32, #tpu.memory_space<vmem>> -> memref<1x80x64xi32, #tpu.memory_space<vmem>>
    %dma_wait3A_83 = tpu.memref_squeeze %dma_wait3A_82 : memref<1x80x64xi32, #tpu.memory_space<vmem>> -> memref<80x64xi32, #tpu.memory_space<vmem>>
    tpu.wait_dma2 semaphore(%dma_wait3A_77 : memref<!tpu.dma_semaphore, #tpu.memory_space<semaphore_mem>>) src(%dma_wait3A_83 : memref<80x64xi32, #tpu.memory_space<vmem>>) dst(%dma_wait3A_79 : memref<80x64xi32, #tpu.memory_space<hbm>>)
    %dma_start3A_84 = arith.constant 124 : i32
    %dma_start3A_85 = arith.constant 0 : i32
    %dma_start3A_86 = arith.constant 0 : i32
    %dma_start3A_87 = arith.constant 0 : i32
    %dma_start3A_88 = arith.constant 0 : i32
    %dma_start3A_89 = tpu.memref_slice %arg9[%dma_start3A_85, %dma_start3A_87, %dma_start3A_88] : memref<2x80x128xf32, #tpu.memory_space<vmem>> -> memref<1x80x128xf32, #tpu.memory_space<vmem>>
    %dma_start3A_90 = tpu.memref_squeeze %dma_start3A_89 : memref<1x80x128xf32, #tpu.memory_space<vmem>> -> memref<80x128xf32, #tpu.memory_space<vmem>>
    %dma_start3A_91 = arith.constant 0 : i32
    %dma_start3A_92 = tpu.memref_slice %arg7[%dma_start3A_84, %dma_start3A_91] : memref<125x80xi32, #tpu.memory_space<vmem>> -> memref<1x80xi32, #tpu.memory_space<vmem>>
    %dma_start3A_93 = tpu.memref_squeeze %dma_start3A_92 : memref<1x80xi32, #tpu.memory_space<vmem>> -> memref<80xi32, #tpu.memory_space<vmem>>
    %dma_start3A_94 = arith.constant 0 : i32
    %dma_start3A_95 = arith.constant 0 : i32
    %dma_start3A_96 = tpu.memref_slice %arg4[%dma_start3A_94, %dma_start3A_95] : memref<10000x128xf32, #tpu.memory_space<hbm>> -> memref<10000x128xf32, #tpu.memory_space<hbm>>
    %dma_start3A_97 = tpu.memref_slice %arg12[%dma_start3A_86] : memref<2x!tpu.dma_semaphore, #tpu.memory_space<semaphore_mem>> -> memref<1x!tpu.dma_semaphore, #tpu.memory_space<semaphore_mem>>
    %dma_start3A_98 = tpu.memref_squeeze %dma_start3A_97 : memref<1x!tpu.dma_semaphore, #tpu.memory_space<semaphore_mem>> -> memref<!tpu.dma_semaphore, #tpu.memory_space<semaphore_mem>>
    tpu.enqueue_indirect_dma source(%dma_start3A_96 : memref<10000x128xf32, #tpu.memory_space<hbm>>) target(%dma_start3A_90 : memref<80x128xf32, #tpu.memory_space<vmem>>) offsets(%dma_start3A_93 : memref<80xi32, #tpu.memory_space<vmem>>) semaphore(%dma_start3A_98 : memref<!tpu.dma_semaphore, #tpu.memory_space<semaphore_mem>>)
    %dma_start3A_99 = arith.constant 124 : i32
    %dma_start3A_100 = arith.constant 0 : i32
    %dma_start3A_101 = arith.constant 0 : i32
    %dma_start3A_102 = arith.constant 0 : i32
    %dma_start3A_103 = arith.constant 0 : i32
    %dma_start3A_104 = tpu.memref_slice %arg10[%dma_start3A_100, %dma_start3A_102, %dma_start3A_103] : memref<2x80x128xf32, #tpu.memory_space<vmem>> -> memref<1x80x128xf32, #tpu.memory_space<vmem>>
    %dma_start3A_105 = tpu.memref_squeeze %dma_start3A_104 : memref<1x80x128xf32, #tpu.memory_space<vmem>> -> memref<80x128xf32, #tpu.memory_space<vmem>>
    %dma_start3A_106 = arith.constant 0 : i32
    %dma_start3A_107 = tpu.memref_slice %arg8[%dma_start3A_99, %dma_start3A_106] : memref<125x80xi32, #tpu.memory_space<vmem>> -> memref<1x80xi32, #tpu.memory_space<vmem>>
    %dma_start3A_108 = tpu.memref_squeeze %dma_start3A_107 : memref<1x80xi32, #tpu.memory_space<vmem>> -> memref<80xi32, #tpu.memory_space<vmem>>
    %dma_start3A_109 = arith.constant 0 : i32
    %dma_start3A_110 = arith.constant 0 : i32
    %dma_start3A_111 = tpu.memref_slice %arg5[%dma_start3A_109, %dma_start3A_110] : memref<10000x128xf32, #tpu.memory_space<hbm>> -> memref<10000x128xf32, #tpu.memory_space<hbm>>
    %dma_start3A_112 = tpu.memref_slice %arg13[%dma_start3A_101] : memref<2x!tpu.dma_semaphore, #tpu.memory_space<semaphore_mem>> -> memref<1x!tpu.dma_semaphore, #tpu.memory_space<semaphore_mem>>
    %dma_start3A_113 = tpu.memref_squeeze %dma_start3A_112 : memref<1x!tpu.dma_semaphore, #tpu.memory_space<semaphore_mem>> -> memref<!tpu.dma_semaphore, #tpu.memory_space<semaphore_mem>>
    tpu.enqueue_indirect_dma source(%dma_start3A_111 : memref<10000x128xf32, #tpu.memory_space<hbm>>) target(%dma_start3A_105 : memref<80x128xf32, #tpu.memory_space<vmem>>) offsets(%dma_start3A_108 : memref<80xi32, #tpu.memory_space<vmem>>) semaphore(%dma_start3A_113 : memref<!tpu.dma_semaphore, #tpu.memory_space<semaphore_mem>>)
    %dma_wait3A_114 = arith.constant 124 : i32
    %dma_wait3A_115 = arith.constant 0 : i32
    %dma_wait3A_116 = arith.constant 0 : i32
    %dma_wait3A_117 = arith.constant 0 : i32
    %dma_wait3A_118 = arith.constant 0 : i32
    %dma_wait3A_119 = tpu.memref_slice %arg9[%dma_wait3A_115, %dma_wait3A_117, %dma_wait3A_118] : memref<2x80x128xf32, #tpu.memory_space<vmem>> -> memref<1x80x128xf32, #tpu.memory_space<vmem>>
    %dma_wait3A_120 = tpu.memref_squeeze %dma_wait3A_119 : memref<1x80x128xf32, #tpu.memory_space<vmem>> -> memref<80x128xf32, #tpu.memory_space<vmem>>
    %dma_wait3A_121 = arith.constant 0 : i32
    %dma_wait3A_122 = tpu.memref_slice %arg7[%dma_wait3A_114, %dma_wait3A_121] : memref<125x80xi32, #tpu.memory_space<vmem>> -> memref<1x80xi32, #tpu.memory_space<vmem>>
    %dma_wait3A_123 = tpu.memref_squeeze %dma_wait3A_122 : memref<1x80xi32, #tpu.memory_space<vmem>> -> memref<80xi32, #tpu.memory_space<vmem>>
    %dma_wait3A_124 = arith.constant 0 : i32
    %dma_wait3A_125 = arith.constant 0 : i32
    %dma_wait3A_126 = tpu.memref_slice %arg4[%dma_wait3A_124, %dma_wait3A_125] : memref<10000x128xf32, #tpu.memory_space<hbm>> -> memref<10000x128xf32, #tpu.memory_space<hbm>>
    %dma_wait3A_127 = tpu.memref_slice %arg12[%dma_wait3A_116] : memref<2x!tpu.dma_semaphore, #tpu.memory_space<semaphore_mem>> -> memref<1x!tpu.dma_semaphore, #tpu.memory_space<semaphore_mem>>
    %dma_wait3A_128 = tpu.memref_squeeze %dma_wait3A_127 : memref<1x!tpu.dma_semaphore, #tpu.memory_space<semaphore_mem>> -> memref<!tpu.dma_semaphore, #tpu.memory_space<semaphore_mem>>
    tpu.wait_indirect_dma semaphore(%dma_wait3A_128 : memref<!tpu.dma_semaphore, #tpu.memory_space<semaphore_mem>>) src(%dma_wait3A_126 : memref<10000x128xf32, #tpu.memory_space<hbm>>) dst(%dma_wait3A_120 : memref<80x128xf32, #tpu.memory_space<vmem>>)
    %dma_wait3A_129 = arith.constant 124 : i32
    %dma_wait3A_130 = arith.constant 0 : i32
    %dma_wait3A_131 = arith.constant 0 : i32
    %dma_wait3A_132 = arith.constant 0 : i32
    %dma_wait3A_133 = arith.constant 0 : i32
    %dma_wait3A_134 = tpu.memref_slice %arg10[%dma_wait3A_130, %dma_wait3A_132, %dma_wait3A_133] : memref<2x80x128xf32, #tpu.memory_space<vmem>> -> memref<1x80x128xf32, #tpu.memory_space<vmem>>
    %dma_wait3A_135 = tpu.memref_squeeze %dma_wait3A_134 : memref<1x80x128xf32, #tpu.memory_space<vmem>> -> memref<80x128xf32, #tpu.memory_space<vmem>>
    %dma_wait3A_136 = arith.constant 0 : i32
    %dma_wait3A_137 = tpu.memref_slice %arg8[%dma_wait3A_129, %dma_wait3A_136] : memref<125x80xi32, #tpu.memory_space<vmem>> -> memref<1x80xi32, #tpu.memory_space<vmem>>
    %dma_wait3A_138 = tpu.memref_squeeze %dma_wait3A_137 : memref<1x80xi32, #tpu.memory_space<vmem>> -> memref<80xi32, #tpu.memory_space<vmem>>
    %dma_wait3A_139 = arith.constant 0 : i32
    %dma_wait3A_140 = arith.constant 0 : i32
    %dma_wait3A_141 = tpu.memref_slice %arg5[%dma_wait3A_139, %dma_wait3A_140] : memref<10000x128xf32, #tpu.memory_space<hbm>> -> memref<10000x128xf32, #tpu.memory_space<hbm>>
    %dma_wait3A_142 = tpu.memref_slice %arg13[%dma_wait3A_131] : memref<2x!tpu.dma_semaphore, #tpu.memory_space<semaphore_mem>> -> memref<1x!tpu.dma_semaphore, #tpu.memory_space<semaphore_mem>>
    %dma_wait3A_143 = tpu.memref_squeeze %dma_wait3A_142 : memref<1x!tpu.dma_semaphore, #tpu.memory_space<semaphore_mem>> -> memref<!tpu.dma_semaphore, #tpu.memory_space<semaphore_mem>>
    tpu.wait_indirect_dma semaphore(%dma_wait3A_143 : memref<!tpu.dma_semaphore, #tpu.memory_space<semaphore_mem>>) src(%dma_wait3A_141 : memref<10000x128xf32, #tpu.memory_space<hbm>>) dst(%dma_wait3A_135 : memref<80x128xf32, #tpu.memory_space<vmem>>)
    %scan3A_144 = arith.constant 0 : i32
    %scan3A_145 = arith.constant 0 : i32
    %scan3A_146 = arith.constant 80 : i32
    %scan3A_147 = arith.addi %scan3A_145, %scan3A_146 : i32
    %scan3A_148 = arith.constant 1 : i32
    scf.for %scan3A_170 = %scan3A_145 to %scan3A_147 step %scan3A_148  : i32 {
      %scan3A_171 = arith.constant 0 : i32
      %scan3A_172 = arith.constant 0 : i32
      %scan3A_173 = arith.constant 4 : i32
      %scan3A_174 = arith.addi %scan3A_172, %scan3A_173 : i32
      %scan3A_175 = arith.constant 1 : i32
      scf.for %scan3A_177 = %scan3A_172 to %scan3A_174 step %scan3A_175  : i32 {
        %mul3A_178 = arith.constant 16 : i32
        %mul3A_179 = arith.muli %scan3A_177, %mul3A_178 : i32
        %get3A = arith.constant 0 : i32
        %get3A_180 = arith.index_cast %get3A : i32 to index
        %get3A_181 = arith.index_cast %scan3A_170 : i32 to index
        %get3A_182 = arith.index_cast %mul3A_179 : i32 to index
        %get3A_183 = tpu.vector_load %arg9[%get3A_180, %get3A_181, %get3A_182] {strides = array<i32>} : memref<2x80x128xf32, #tpu.memory_space<vmem>>, vector<16xf32>,
        %mul3A_184 = arith.constant 16 : i32
        %mul3A_185 = arith.muli %scan3A_177, %mul3A_184 : i32
        %get3A_186 = arith.constant 0 : i32
        %get3A_187 = arith.index_cast %get3A_186 : i32 to index
        %get3A_188 = arith.index_cast %scan3A_170 : i32 to index
        %get3A_189 = arith.index_cast %mul3A_185 : i32 to index
        %get3A_190 = tpu.vector_load %arg10[%get3A_187, %get3A_188, %get3A_189] {strides = array<i32>} : memref<2x80x128xf32, #tpu.memory_space<vmem>>, vector<16xf32>,
        %add3A_191 = arith.addf %get3A_183, %get3A_190 : vector<16xf32>
        %mul3A_192 = arith.constant 16 : i32
        %mul3A_193 = arith.muli %scan3A_177, %mul3A_192 : i32
        %add3A_194 = arith.constant 64 : i32
        %add3A_195 = arith.addi %add3A_194, %mul3A_193 : i32
        %get3A_196 = arith.constant 0 : i32
        %get3A_197 = arith.index_cast %get3A_196 : i32 to index
        %get3A_198 = arith.index_cast %scan3A_170 : i32 to index
        %get3A_199 = arith.index_cast %add3A_195 : i32 to index
        %get3A_200 = tpu.vector_load %arg9[%get3A_197, %get3A_198, %get3A_199] {strides = array<i32>} : memref<2x80x128xf32, #tpu.memory_space<vmem>>, vector<16xf32>,
        %mul3A_201 = arith.constant 16 : i32
        %mul3A_202 = arith.muli %scan3A_177, %mul3A_201 : i32
        %add3A_203 = arith.constant 64 : i32
        %add3A_204 = arith.addi %add3A_203, %mul3A_202 : i32
        %get3A_205 = arith.constant 0 : i32
        %get3A_206 = arith.index_cast %get3A_205 : i32 to index
        %get3A_207 = arith.index_cast %scan3A_170 : i32 to index
        %get3A_208 = arith.index_cast %add3A_204 : i32 to index
        %get3A_209 = tpu.vector_load %arg10[%get3A_206, %get3A_207, %get3A_208] {strides = array<i32>} : memref<2x80x128xf32, #tpu.memory_space<vmem>>, vector<16xf32>,
        %add3A_210 = arith.addf %get3A_200, %get3A_209 : vector<16xf32>
        %pack3A = tpu.pack_subelements %add3A_191, %add3A_210 {pack_format = #tpu.pack_format<interleaved>, positions = array<i32: 0, 1>} : vector<16xf32>, vector<16xf32> -> vector<32xbf16>
        %bitcast3A = vector.bitcast %pack3A : vector<32xbf16> to vector<16xi32>
        %mul3A_211 = arith.constant 16 : i32
        %mul3A_212 = arith.muli %scan3A_177, %mul3A_211 : i32
        %swap3A = arith.constant 0 : i32
        %swap3A_213 = arith.index_cast %swap3A : i32 to index
        %swap3A_214 = arith.index_cast %scan3A_170 : i32 to index
        %swap3A_215 = arith.index_cast %mul3A_212 : i32 to index
        %swap3A_216 = tpu.vector_load %arg11[%swap3A_213, %swap3A_214, %swap3A_215] {strides = array<i32>} : memref<2x80x64xi32, #tpu.memory_space<vmem>>, vector<16xi32>,
        tpu.vector_store %arg11[%swap3A_213, %swap3A_214, %swap3A_215], %bitcast3A {strides = array<i32>} : memref<2x80x64xi32, #tpu.memory_space<vmem>>, vector<16xi32>,
      }
      %scan3A_176 = arith.constant 4 : i32
    }
    %scan3A_149 = arith.constant 80 : i32
    %add3A_150 = arith.constant 9920 : i32
    %add3A_151 = arith.addi %mul3A_2, %add3A_150 : i32
    %run_scoped3A = arith.constant 0 : i32
    "tpu.region"() ({
      %run_scoped3A_170 = tpu.sem_alloc : memref<!tpu.dma_semaphore, #tpu.memory_space<semaphore_mem>>
      %dma_start3A_171 = arith.constant 0 : i32
      %dma_start3A_172 = arith.constant 0 : i32
      %dma_start3A_173 = tpu.memref_slice %arg11[%run_scoped3A, %dma_start3A_171, %dma_start3A_172] : memref<2x80x64xi32, #tpu.memory_space<vmem>> -> memref<1x80x64xi32, #tpu.memory_space<vmem>>
      %dma_start3A_174 = tpu.memref_squeeze %dma_start3A_173 : memref<1x80x64xi32, #tpu.memory_space<vmem>> -> memref<80x64xi32, #tpu.memory_space<vmem>>
      %dma_start3A_175 = arith.constant 0 : i32
      %dma_start3A_176 = tpu.memref_slice %arg6[%add3A_151, %dma_start3A_175] : memref<320000x64xi32, #tpu.memory_space<hbm>> -> memref<80x64xi32, #tpu.memory_space<hbm>>
      %dma_start3A_177 = arith.constant 0 : i32
      %dma_start3A_178 = tpu.memref_slice %arg6[%add3A_151, %dma_start3A_177] : memref<320000x64xi32, #tpu.memory_space<hbm>> -> memref<80x64xi32, #tpu.memory_space<hbm>>
      %dma_start3A_179 = arith.constant 0 : i32
      %dma_start3A_180 = arith.constant 0 : i32
      %dma_start3A_181 = tpu.memref_slice %arg11[%run_scoped3A, %dma_start3A_179, %dma_start3A_180] : memref<2x80x64xi32, #tpu.memory_space<vmem>> -> memref<1x80x64xi32, #tpu.memory_space<vmem>>
      %dma_start3A_182 = tpu.memref_squeeze %dma_start3A_181 : memref<1x80x64xi32, #tpu.memory_space<vmem>> -> memref<80x64xi32, #tpu.memory_space<vmem>>
      tpu.enqueue_dma source(%dma_start3A_182 : memref<80x64xi32, #tpu.memory_space<vmem>>) target(%dma_start3A_178 : memref<80x64xi32, #tpu.memory_space<hbm>>) target_semaphore(%run_scoped3A_170 : memref<!tpu.dma_semaphore, #tpu.memory_space<semaphore_mem>>)
      %dma_wait3A_183 = arith.constant 0 : i32
      %dma_wait3A_184 = arith.constant 0 : i32
      %dma_wait3A_185 = tpu.memref_slice %arg11[%run_scoped3A, %dma_wait3A_183, %dma_wait3A_184] : memref<2x80x64xi32, #tpu.memory_space<vmem>> -> memref<1x80x64xi32, #tpu.memory_space<vmem>>
      %dma_wait3A_186 = tpu.memref_squeeze %dma_wait3A_185 : memref<1x80x64xi32, #tpu.memory_space<vmem>> -> memref<80x64xi32, #tpu.memory_space<vmem>>
      %dma_wait3A_187 = arith.constant 0 : i32
      %dma_wait3A_188 = tpu.memref_slice %arg6[%add3A_151, %dma_wait3A_187] : memref<320000x64xi32, #tpu.memory_space<hbm>> -> memref<80x64xi32, #tpu.memory_space<hbm>>
      %dma_wait3A_189 = arith.constant 0 : i32
      %dma_wait3A_190 = tpu.memref_slice %arg6[%add3A_151, %dma_wait3A_189] : memref<320000x64xi32, #tpu.memory_space<hbm>> -> memref<80x64xi32, #tpu.memory_space<hbm>>
      %dma_wait3A_191 = arith.constant 0 : i32
      %dma_wait3A_192 = arith.constant 0 : i32
      %dma_wait3A_193 = tpu.memref_slice %arg11[%run_scoped3A, %dma_wait3A_191, %dma_wait3A_192] : memref<2x80x64xi32, #tpu.memory_space<vmem>> -> memref<1x80x64xi32, #tpu.memory_space<vmem>>
      %dma_wait3A_194 = tpu.memref_squeeze %dma_wait3A_193 : memref<1x80x64xi32, #tpu.memory_space<vmem>> -> memref<80x64xi32, #tpu.memory_space<vmem>>
      tpu.wait_dma2 semaphore(%run_scoped3A_170 : memref<!tpu.dma_semaphore, #tpu.memory_space<semaphore_mem>>) src(%dma_wait3A_194 : memref<80x64xi32, #tpu.memory_space<vmem>>) dst(%dma_wait3A_190 : memref<80x64xi32, #tpu.memory_space<hbm>>)
      tpu.yield
    }) : () -> ()
    %add3A_152 = arith.constant 9840 : i32
    %add3A_153 = arith.addi %mul3A_2, %add3A_152 : i32
    %dma_wait3A_154 = arith.constant 1 : i32
    %dma_wait3A_155 = arith.constant 1 : i32
    %dma_wait3A_156 = arith.constant 0 : i32
    %dma_wait3A_157 = arith.constant 0 : i32
    %dma_wait3A_158 = tpu.memref_slice %arg11[%dma_wait3A_154, %dma_wait3A_156, %dma_wait3A_157] : memref<2x80x64xi32, #tpu.memory_space<vmem>> -> memref<1x80x64xi32, #tpu.memory_space<vmem>>
    %dma_wait3A_159 = tpu.memref_squeeze %dma_wait3A_158 : memref<1x80x64xi32, #tpu.memory_space<vmem>> -> memref<80x64xi32, #tpu.memory_space<vmem>>
    %dma_wait3A_160 = arith.constant 0 : i32
    %dma_wait3A_161 = tpu.memref_slice %arg6[%add3A_153, %dma_wait3A_160] : memref<320000x64xi32, #tpu.memory_space<hbm>> -> memref<80x64xi32, #tpu.memory_space<hbm>>
    %dma_wait3A_162 = tpu.memref_slice %arg14[%dma_wait3A_155] : memref<2x!tpu.dma_semaphore, #tpu.memory_space<semaphore_mem>> -> memref<1x!tpu.dma_semaphore, #tpu.memory_space<semaphore_mem>>
    %dma_wait3A_163 = tpu.memref_squeeze %dma_wait3A_162 : memref<1x!tpu.dma_semaphore, #tpu.memory_space<semaphore_mem>> -> memref<!tpu.dma_semaphore, #tpu.memory_space<semaphore_mem>>
    %dma_wait3A_164 = arith.constant 0 : i32
    %dma_wait3A_165 = tpu.memref_slice %arg6[%add3A_153, %dma_wait3A_164] : memref<320000x64xi32, #tpu.memory_space<hbm>> -> memref<80x64xi32, #tpu.memory_space<hbm>>
    %dma_wait3A_166 = arith.constant 0 : i32
    %dma_wait3A_167 = arith.constant 0 : i32
    %dma_wait3A_168 = tpu.memref_slice %arg11[%dma_wait3A_154, %dma_wait3A_166, %dma_wait3A_167] : memref<2x80x64xi32, #tpu.memory_space<vmem>> -> memref<1x80x64xi32, #tpu.memory_space<vmem>>
    %dma_wait3A_169 = tpu.memref_squeeze %dma_wait3A_168 : memref<1x80x64xi32, #tpu.memory_space<vmem>> -> memref<80x64xi32, #tpu.memory_space<vmem>>
    tpu.wait_dma2 semaphore(%dma_wait3A_163 : memref<!tpu.dma_semaphore, #tpu.memory_space<semaphore_mem>>) src(%dma_wait3A_169 : memref<80x64xi32, #tpu.memory_space<vmem>>) dst(%dma_wait3A_165 : memref<80x64xi32, #tpu.memory_space<hbm>>)
    return
  }
}

#map = affine_map<(d0, d1) -> (0, 0, 0)>
#map1 = affine_map<(d0, d1) -> (0, 0)>
#map2 = affine_map<(d0, d1) -> (0)>
module attributes {stable_mosaic.version = 14 : i64} {
  func.func @_sc_scatter(%arg0: i32, %arg1: i32, %arg2: memref<32x125x80xi32, #tpu.memory_space<hbm>>, %arg3: memref<320000x128xf32, #tpu.memory_space<hbm>>, %arg4: memref<10240x128xf32, #tpu.memory_space<hbm>>, %arg5: memref<80x128xf32, #tpu.memory_space<hbm>>, %arg6: memref<80xi32, #tpu.memory_space<hbm>>, %arg7: memref<2x10240x128xf32, #tpu.memory_space<hbm>>, %arg8: memref<2x80x128xf32, #tpu.memory_space<hbm>>, %arg9: memref<125x80xi32, #tpu.memory_space<vmem>>, %arg10: memref<2x80x128xf32, #tpu.memory_space<vmem>>, %arg11: memref<80x128xf32, #tpu.memory_space<vmem>>, %arg12: memref<80xi32, #tpu.memory_space<vmem>>, %arg13: memref<10240x128xf32, #tpu.memory_space<vmem_shared>>, %arg14: memref<80x128xf32, #tpu.memory_space<vmem_shared>>, %arg15: memref<2x!tpu.dma_semaphore, #tpu.memory_space<semaphore_mem>>) attributes {dimension_semantics = [#tpu.dimension_semantics<core_parallel>, #tpu.dimension_semantics<subcore_parallel>], iteration_bounds = array<i64: 2, 16>, scalar_prefetch = 0 : i64, scratch_operands = 7 : i64, tpu.core_type = #tpu.core_type<sc_vector_subcore>, window_params = [{transform_indices = #map}, {transform_indices = #map1}, {transform_indices = #map1}, {transform_indices = #map1}, {transform_indices = #map2}, {transform_indices = #map}, {transform_indices = #map}]} {
    %mul3A = arith.constant 2 : i32
    %mul3A_0 = arith.muli %arg1, %mul3A : i32
    %add3A = arith.addi %mul3A_0, %arg0 : i32
    %mul3A_1 = arith.constant 10000 : i32
    %mul3A_2 = arith.muli %add3A, %mul3A_1 : i32
    %mul3A_3 = arith.constant 640 : i32
    %mul3A_4 = arith.muli %arg1, %mul3A_3 : i32
    %mul3A_5 = arith.constant 640 : i32
    %mul3A_6 = arith.muli %arg1, %mul3A_5 : i32
    "tpu.region"() ({
      %run_scoped3A = tpu.sem_alloc : memref<!tpu.dma_semaphore, #tpu.memory_space<semaphore_mem>>
      %dma_start3A_42 = arith.constant 0 : i32
      %dma_start3A_43 = tpu.memref_slice %arg13[%mul3A_6, %dma_start3A_42] : memref<10240x128xf32, #tpu.memory_space<vmem_shared>> -> memref<640x128xf32, #tpu.memory_space<vmem_shared>>
      %dma_start3A_44 = arith.constant 0 : i32
      %dma_start3A_45 = tpu.memref_slice %arg4[%mul3A_4, %dma_start3A_44] : memref<10240x128xf32, #tpu.memory_space<hbm>> -> memref<640x128xf32, #tpu.memory_space<hbm>>
      tpu.enqueue_dma source(%dma_start3A_45 : memref<640x128xf32, #tpu.memory_space<hbm>>) target(%dma_start3A_43 : memref<640x128xf32, #tpu.memory_space<vmem_shared>>) target_semaphore(%run_scoped3A : memref<!tpu.dma_semaphore, #tpu.memory_space<semaphore_mem>>)
      %dma_wait3A = arith.constant 0 : i32
      %dma_wait3A_46 = tpu.memref_slice %arg13[%mul3A_6, %dma_wait3A] : memref<10240x128xf32, #tpu.memory_space<vmem_shared>> -> memref<640x128xf32, #tpu.memory_space<vmem_shared>>
      %dma_wait3A_47 = arith.constant 0 : i32
      %dma_wait3A_48 = tpu.memref_slice %arg4[%mul3A_4, %dma_wait3A_47] : memref<10240x128xf32, #tpu.memory_space<hbm>> -> memref<640x128xf32, #tpu.memory_space<hbm>>
      tpu.wait_dma2 semaphore(%run_scoped3A : memref<!tpu.dma_semaphore, #tpu.memory_space<semaphore_mem>>) src(%dma_wait3A_48 : memref<640x128xf32, #tpu.memory_space<hbm>>) dst(%dma_wait3A_46 : memref<640x128xf32, #tpu.memory_space<vmem_shared>>)
      tpu.yield
    }) : () -> ()
    "tpu.region"() ({
      %run_scoped3A = tpu.sem_alloc : memref<!tpu.dma_semaphore, #tpu.memory_space<semaphore_mem>>
      tpu.enqueue_dma source(%arg5 : memref<80x128xf32, #tpu.memory_space<hbm>>) target(%arg11 : memref<80x128xf32, #tpu.memory_space<vmem>>) target_semaphore(%run_scoped3A : memref<!tpu.dma_semaphore, #tpu.memory_space<semaphore_mem>>)
      tpu.wait_dma2 semaphore(%run_scoped3A : memref<!tpu.dma_semaphore, #tpu.memory_space<semaphore_mem>>) src(%arg5 : memref<80x128xf32, #tpu.memory_space<hbm>>) dst(%arg11 : memref<80x128xf32, #tpu.memory_space<vmem>>)
      tpu.yield
    }) : () -> ()
    "tpu.region"() ({
      %run_scoped3A = tpu.sem_alloc : memref<!tpu.dma_semaphore, #tpu.memory_space<semaphore_mem>>
      tpu.enqueue_dma source(%arg6 : memref<80xi32, #tpu.memory_space<hbm>>) target(%arg12 : memref<80xi32, #tpu.memory_space<vmem>>) target_semaphore(%run_scoped3A : memref<!tpu.dma_semaphore, #tpu.memory_space<semaphore_mem>>)
      tpu.wait_dma2 semaphore(%run_scoped3A : memref<!tpu.dma_semaphore, #tpu.memory_space<semaphore_mem>>) src(%arg6 : memref<80xi32, #tpu.memory_space<hbm>>) dst(%arg12 : memref<80xi32, #tpu.memory_space<vmem>>)
      tpu.yield
    }) : () -> ()
    %eq3A = arith.constant 0 : i32
    %eq3A_7 = arith.cmpi eq, %arg1, %eq3A : i32
    %convert_element_type3A = arith.extui %eq3A_7 : i1 to i32
    %cond3A = arith.constant 0 : i32
    %cond3A_8 = arith.cmpi ne, %convert_element_type3A, %cond3A : i32
    scf.if %cond3A_8 {
      "tpu.region"() ({
        %run_scoped3A = tpu.sem_alloc : memref<!tpu.dma_semaphore, #tpu.memory_space<semaphore_mem>>
        tpu.enqueue_dma source(%arg5 : memref<80x128xf32, #tpu.memory_space<hbm>>) target(%arg14 : memref<80x128xf32, #tpu.memory_space<vmem_shared>>) target_semaphore(%run_scoped3A : memref<!tpu.dma_semaphore, #tpu.memory_space<semaphore_mem>>)
        tpu.wait_dma2 semaphore(%run_scoped3A : memref<!tpu.dma_semaphore, #tpu.memory_space<semaphore_mem>>) src(%arg5 : memref<80x128xf32, #tpu.memory_space<hbm>>) dst(%arg14 : memref<80x128xf32, #tpu.memory_space<vmem_shared>>)
        tpu.yield
      }) : () -> ()
    } else {
    }
    "tpu.region"() ({
      %run_scoped3A = tpu.sem_alloc : memref<!tpu.dma_semaphore, #tpu.memory_space<semaphore_mem>>
      %dma_start3A_42 = arith.constant 0 : i32
      %dma_start3A_43 = arith.constant 0 : i32
      %dma_start3A_44 = tpu.memref_slice %arg2[%add3A, %dma_start3A_42, %dma_start3A_43] : memref<32x125x80xi32, #tpu.memory_space<hbm>> -> memref<1x125x80xi32, #tpu.memory_space<hbm>>
      %dma_start3A_45 = tpu.memref_squeeze %dma_start3A_44 : memref<1x125x80xi32, #tpu.memory_space<hbm>> -> memref<125x80xi32, #tpu.memory_space<hbm>>
      %dma_start3A_46 = arith.constant 0 : i32
      %dma_start3A_47 = arith.constant 0 : i32
      %dma_start3A_48 = tpu.memref_slice %arg2[%add3A, %dma_start3A_46, %dma_start3A_47] : memref<32x125x80xi32, #tpu.memory_space<hbm>> -> memref<1x125x80xi32, #tpu.memory_space<hbm>>
      %dma_start3A_49 = tpu.memref_squeeze %dma_start3A_48 : memref<1x125x80xi32, #tpu.memory_space<hbm>> -> memref<125x80xi32, #tpu.memory_space<hbm>>
      tpu.enqueue_dma source(%dma_start3A_49 : memref<125x80xi32, #tpu.memory_space<hbm>>) target(%arg9 : memref<125x80xi32, #tpu.memory_space<vmem>>) target_semaphore(%run_scoped3A : memref<!tpu.dma_semaphore, #tpu.memory_space<semaphore_mem>>)
      %dma_wait3A = arith.constant 0 : i32
      %dma_wait3A_50 = arith.constant 0 : i32
      %dma_wait3A_51 = tpu.memref_slice %arg2[%add3A, %dma_wait3A, %dma_wait3A_50] : memref<32x125x80xi32, #tpu.memory_space<hbm>> -> memref<1x125x80xi32, #tpu.memory_space<hbm>>
      %dma_wait3A_52 = tpu.memref_squeeze %dma_wait3A_51 : memref<1x125x80xi32, #tpu.memory_space<hbm>> -> memref<125x80xi32, #tpu.memory_space<hbm>>
      %dma_wait3A_53 = arith.constant 0 : i32
      %dma_wait3A_54 = arith.constant 0 : i32
      %dma_wait3A_55 = tpu.memref_slice %arg2[%add3A, %dma_wait3A_53, %dma_wait3A_54] : memref<32x125x80xi32, #tpu.memory_space<hbm>> -> memref<1x125x80xi32, #tpu.memory_space<hbm>>
      %dma_wait3A_56 = tpu.memref_squeeze %dma_wait3A_55 : memref<1x125x80xi32, #tpu.memory_space<hbm>> -> memref<125x80xi32, #tpu.memory_space<hbm>>
      tpu.wait_dma2 semaphore(%run_scoped3A : memref<!tpu.dma_semaphore, #tpu.memory_space<semaphore_mem>>) src(%dma_wait3A_56 : memref<125x80xi32, #tpu.memory_space<hbm>>) dst(%arg9 : memref<125x80xi32, #tpu.memory_space<vmem>>)
      tpu.yield
    }) : () -> ()
    %barrier3A = arith.constant 0 : index
    tpu.barrier barrier_id(%barrier3A)
    %broadcast_in_dim3A = arith.constant 1.000000e+00 : f32
    %broadcast_in_dim3A_9 = vector.broadcast %broadcast_in_dim3A : f32 to vector<16xf32>
    %add3A_10 = arith.constant 0 : i32
    %add3A_11 = arith.addi %mul3A_2, %add3A_10 : i32
    %dma_start3A = arith.constant 0 : i32
    %dma_start3A_12 = arith.constant 0 : i32
    %dma_start3A_13 = arith.constant 0 : i32
    %dma_start3A_14 = arith.constant 0 : i32
    %dma_start3A_15 = tpu.memref_slice %arg10[%dma_start3A, %dma_start3A_13, %dma_start3A_14] : memref<2x80x128xf32, #tpu.memory_space<vmem>> -> memref<1x80x128xf32, #tpu.memory_space<vmem>>
    %dma_start3A_16 = tpu.memref_squeeze %dma_start3A_15 : memref<1x80x128xf32, #tpu.memory_space<vmem>> -> memref<80x128xf32, #tpu.memory_space<vmem>>
    %dma_start3A_17 = arith.constant 0 : i32
    %dma_start3A_18 = tpu.memref_slice %arg3[%add3A_11, %dma_start3A_17] : memref<320000x128xf32, #tpu.memory_space<hbm>> -> memref<80x128xf32, #tpu.memory_space<hbm>>
    %dma_start3A_19 = tpu.memref_slice %arg15[%dma_start3A_12] : memref<2x!tpu.dma_semaphore, #tpu.memory_space<semaphore_mem>> -> memref<1x!tpu.dma_semaphore, #tpu.memory_space<semaphore_mem>>
    %dma_start3A_20 = tpu.memref_squeeze %dma_start3A_19 : memref<1x!tpu.dma_semaphore, #tpu.memory_space<semaphore_mem>> -> memref<!tpu.dma_semaphore, #tpu.memory_space<semaphore_mem>>
    %dma_start3A_21 = arith.constant 0 : i32
    %dma_start3A_22 = arith.constant 0 : i32
    %dma_start3A_23 = tpu.memref_slice %arg10[%dma_start3A, %dma_start3A_21, %dma_start3A_22] : memref<2x80x128xf32, #tpu.memory_space<vmem>> -> memref<1x80x128xf32, #tpu.memory_space<vmem>>
    %dma_start3A_24 = tpu.memref_squeeze %dma_start3A_23 : memref<1x80x128xf32, #tpu.memory_space<vmem>> -> memref<80x128xf32, #tpu.memory_space<vmem>>
    %dma_start3A_25 = arith.constant 0 : i32
    %dma_start3A_26 = tpu.memref_slice %arg3[%add3A_11, %dma_start3A_25] : memref<320000x128xf32, #tpu.memory_space<hbm>> -> memref<80x128xf32, #tpu.memory_space<hbm>>
    tpu.enqueue_dma source(%dma_start3A_26 : memref<80x128xf32, #tpu.memory_space<hbm>>) target(%dma_start3A_24 : memref<80x128xf32, #tpu.memory_space<vmem>>) target_semaphore(%dma_start3A_20 : memref<!tpu.dma_semaphore, #tpu.memory_space<semaphore_mem>>)
    %scan3A = arith.constant 0 : i32
    %scan3A_27 = arith.constant 0 : i32
    %scan3A_28 = arith.constant 63 : i32
    %scan3A_29 = arith.addi %scan3A_27, %scan3A_28 : i32
    %scan3A_30 = arith.constant 1 : i32
    scf.for %scan3A_42 = %scan3A_27 to %scan3A_29 step %scan3A_30  : i32 {
      %mul3A_43 = arith.constant 2 : i32
      %mul3A_44 = arith.muli %mul3A_43, %scan3A_42 : i32
      %mul3A_45 = arith.constant 80 : i32
      %mul3A_46 = arith.muli %mul3A_44, %mul3A_45 : i32
      %add3A_47 = arith.addi %mul3A_2, %mul3A_46 : i32
      %dma_wait3A = arith.constant 0 : i32
      %dma_wait3A_48 = arith.constant 0 : i32
      %dma_wait3A_49 = arith.constant 0 : i32
      %dma_wait3A_50 = arith.constant 0 : i32
      %dma_wait3A_51 = tpu.memref_slice %arg10[%dma_wait3A, %dma_wait3A_49, %dma_wait3A_50] : memref<2x80x128xf32, #tpu.memory_space<vmem>> -> memref<1x80x128xf32, #tpu.memory_space<vmem>>
      %dma_wait3A_52 = tpu.memref_squeeze %dma_wait3A_51 : memref<1x80x128xf32, #tpu.memory_space<vmem>> -> memref<80x128xf32, #tpu.memory_space<vmem>>
      %dma_wait3A_53 = arith.constant 0 : i32
      %dma_wait3A_54 = tpu.memref_slice %arg3[%add3A_47, %dma_wait3A_53] : memref<320000x128xf32, #tpu.memory_space<hbm>> -> memref<80x128xf32, #tpu.memory_space<hbm>>
      %dma_wait3A_55 = tpu.memref_slice %arg15[%dma_wait3A_48] : memref<2x!tpu.dma_semaphore, #tpu.memory_space<semaphore_mem>> -> memref<1x!tpu.dma_semaphore, #tpu.memory_space<semaphore_mem>>
      %dma_wait3A_56 = tpu.memref_squeeze %dma_wait3A_55 : memref<1x!tpu.dma_semaphore, #tpu.memory_space<semaphore_mem>> -> memref<!tpu.dma_semaphore, #tpu.memory_space<semaphore_mem>>
      %dma_wait3A_57 = arith.constant 0 : i32
      %dma_wait3A_58 = arith.constant 0 : i32
      %dma_wait3A_59 = tpu.memref_slice %arg10[%dma_wait3A, %dma_wait3A_57, %dma_wait3A_58] : memref<2x80x128xf32, #tpu.memory_space<vmem>> -> memref<1x80x128xf32, #tpu.memory_space<vmem>>
      %dma_wait3A_60 = tpu.memref_squeeze %dma_wait3A_59 : memref<1x80x128xf32, #tpu.memory_space<vmem>> -> memref<80x128xf32, #tpu.memory_space<vmem>>
      %dma_wait3A_61 = arith.constant 0 : i32
      %dma_wait3A_62 = tpu.memref_slice %arg3[%add3A_47, %dma_wait3A_61] : memref<320000x128xf32, #tpu.memory_space<hbm>> -> memref<80x128xf32, #tpu.memory_space<hbm>>
      tpu.wait_dma2 semaphore(%dma_wait3A_56 : memref<!tpu.dma_semaphore, #tpu.memory_space<semaphore_mem>>) src(%dma_wait3A_62 : memref<80x128xf32, #tpu.memory_space<hbm>>) dst(%dma_wait3A_60 : memref<80x128xf32, #tpu.memory_space<vmem>>)
      %lt3A = arith.constant 62 : i32
      %lt3A_63 = arith.cmpi slt, %scan3A_42, %lt3A : i32
      %convert_element_type3A_64 = arith.extui %lt3A_63 : i1 to i32
      %cond3A_65 = arith.constant 0 : i32
      %cond3A_66 = arith.cmpi ne, %convert_element_type3A_64, %cond3A_65 : i32
      scf.if %cond3A_66 {
        %add3A_78 = arith.constant 1 : i32
        %add3A_79 = arith.addi %mul3A_44, %add3A_78 : i32
        %mul3A_80 = arith.constant 80 : i32
        %mul3A_81 = arith.muli %add3A_79, %mul3A_80 : i32
        %add3A_82 = arith.addi %mul3A_2, %mul3A_81 : i32
        %dma_start3A_83 = arith.constant 1 : i32
        %dma_start3A_84 = arith.constant 1 : i32
        %dma_start3A_85 = arith.constant 0 : i32
        %dma_start3A_86 = arith.constant 0 : i32
        %dma_start3A_87 = tpu.memref_slice %arg10[%dma_start3A_83, %dma_start3A_85, %dma_start3A_86] : memref<2x80x128xf32, #tpu.memory_space<vmem>> -> memref<1x80x128xf32, #tpu.memory_space<vmem>>
        %dma_start3A_88 = tpu.memref_squeeze %dma_start3A_87 : memref<1x80x128xf32, #tpu.memory_space<vmem>> -> memref<80x128xf32, #tpu.memory_space<vmem>>
        %dma_start3A_89 = arith.constant 0 : i32
        %dma_start3A_90 = tpu.memref_slice %arg3[%add3A_82, %dma_start3A_89] : memref<320000x128xf32, #tpu.memory_space<hbm>> -> memref<80x128xf32, #tpu.memory_space<hbm>>
        %dma_start3A_91 = tpu.memref_slice %arg15[%dma_start3A_84] : memref<2x!tpu.dma_semaphore, #tpu.memory_space<semaphore_mem>> -> memref<1x!tpu.dma_semaphore, #tpu.memory_space<semaphore_mem>>
        %dma_start3A_92 = tpu.memref_squeeze %dma_start3A_91 : memref<1x!tpu.dma_semaphore, #tpu.memory_space<semaphore_mem>> -> memref<!tpu.dma_semaphore, #tpu.memory_space<semaphore_mem>>
        %dma_start3A_93 = arith.constant 0 : i32
        %dma_start3A_94 = arith.constant 0 : i32
        %dma_start3A_95 = tpu.memref_slice %arg10[%dma_start3A_83, %dma_start3A_93, %dma_start3A_94] : memref<2x80x128xf32, #tpu.memory_space<vmem>> -> memref<1x80x128xf32, #tpu.memory_space<vmem>>
        %dma_start3A_96 = tpu.memref_squeeze %dma_start3A_95 : memref<1x80x128xf32, #tpu.memory_space<vmem>> -> memref<80x128xf32, #tpu.memory_space<vmem>>
        %dma_start3A_97 = arith.constant 0 : i32
        %dma_start3A_98 = tpu.memref_slice %arg3[%add3A_82, %dma_start3A_97] : memref<320000x128xf32, #tpu.memory_space<hbm>> -> memref<80x128xf32, #tpu.memory_space<hbm>>
        tpu.enqueue_dma source(%dma_start3A_98 : memref<80x128xf32, #tpu.memory_space<hbm>>) target(%dma_start3A_96 : memref<80x128xf32, #tpu.memory_space<vmem>>) target_semaphore(%dma_start3A_92 : memref<!tpu.dma_semaphore, #tpu.memory_space<semaphore_mem>>)
      } else {
      }
      %run_scoped3A = arith.constant 0 : i32
      "tpu.region"() ({
        %run_scoped3A_78 = tpu.sem_alloc : memref<!tpu.dma_semaphore, #tpu.memory_space<semaphore_mem>>
        %dma_start3A_79 = arith.constant 0 : i32
        %dma_start3A_80 = arith.constant 0 : i32
        %dma_start3A_81 = tpu.memref_slice %arg10[%run_scoped3A, %dma_start3A_79, %dma_start3A_80] : memref<2x80x128xf32, #tpu.memory_space<vmem>> -> memref<1x80x128xf32, #tpu.memory_space<vmem>>
        %dma_start3A_82 = tpu.memref_squeeze %dma_start3A_81 : memref<1x80x128xf32, #tpu.memory_space<vmem>> -> memref<80x128xf32, #tpu.memory_space<vmem>>
        %dma_start3A_83 = arith.constant 0 : i32
        %dma_start3A_84 = tpu.memref_slice %arg9[%mul3A_44, %dma_start3A_83] : memref<125x80xi32, #tpu.memory_space<vmem>> -> memref<1x80xi32, #tpu.memory_space<vmem>>
        %dma_start3A_85 = tpu.memref_squeeze %dma_start3A_84 : memref<1x80xi32, #tpu.memory_space<vmem>> -> memref<80xi32, #tpu.memory_space<vmem>>
        %dma_start3A_86 = arith.constant 0 : i32
        %dma_start3A_87 = arith.constant 0 : i32
        %dma_start3A_88 = tpu.memref_slice %arg13[%dma_start3A_86, %dma_start3A_87] : memref<10240x128xf32, #tpu.memory_space<vmem_shared>> -> memref<10240x128xf32, #tpu.memory_space<vmem_shared>>
        tpu.enqueue_indirect_dma source(%dma_start3A_82 : memref<80x128xf32, #tpu.memory_space<vmem>>) target(%dma_start3A_88 : memref<10240x128xf32, #tpu.memory_space<vmem_shared>>) offsets(%dma_start3A_85 : memref<80xi32, #tpu.memory_space<vmem>>) semaphore(%run_scoped3A_78 : memref<!tpu.dma_semaphore, #tpu.memory_space<semaphore_mem>>) {add = true}
        %dma_wait3A_89 = arith.constant 0 : i32
        %dma_wait3A_90 = arith.constant 0 : i32
        %dma_wait3A_91 = tpu.memref_slice %arg10[%run_scoped3A, %dma_wait3A_89, %dma_wait3A_90] : memref<2x80x128xf32, #tpu.memory_space<vmem>> -> memref<1x80x128xf32, #tpu.memory_space<vmem>>
        %dma_wait3A_92 = tpu.memref_squeeze %dma_wait3A_91 : memref<1x80x128xf32, #tpu.memory_space<vmem>> -> memref<80x128xf32, #tpu.memory_space<vmem>>
        %dma_wait3A_93 = arith.constant 0 : i32
        %dma_wait3A_94 = tpu.memref_slice %arg9[%mul3A_44, %dma_wait3A_93] : memref<125x80xi32, #tpu.memory_space<vmem>> -> memref<1x80xi32, #tpu.memory_space<vmem>>
        %dma_wait3A_95 = tpu.memref_squeeze %dma_wait3A_94 : memref<1x80xi32, #tpu.memory_space<vmem>> -> memref<80xi32, #tpu.memory_space<vmem>>
        %dma_wait3A_96 = arith.constant 0 : i32
        %dma_wait3A_97 = arith.constant 0 : i32
        %dma_wait3A_98 = tpu.memref_slice %arg13[%dma_wait3A_96, %dma_wait3A_97] : memref<10240x128xf32, #tpu.memory_space<vmem_shared>> -> memref<10240x128xf32, #tpu.memory_space<vmem_shared>>
        tpu.wait_indirect_dma semaphore(%run_scoped3A_78 : memref<!tpu.dma_semaphore, #tpu.memory_space<semaphore_mem>>) src(%dma_wait3A_92 : memref<80x128xf32, #tpu.memory_space<vmem>>) dst(%dma_wait3A_98 : memref<10240x128xf32, #tpu.memory_space<vmem_shared>>)
        tpu.yield
      }) : () -> ()
      %scan3A_67 = arith.constant 0 : i32
      %scan3A_68 = arith.constant 0 : i32
      %scan3A_69 = arith.constant 5 : i32
      %scan3A_70 = arith.addi %scan3A_68, %scan3A_69 : i32
      %scan3A_71 = arith.constant 1 : i32
      scf.for %scan3A_78 = %scan3A_68 to %scan3A_70 step %scan3A_71  : i32 {
        %mul3A_79 = arith.constant 16 : i32
        %mul3A_80 = arith.muli %scan3A_78, %mul3A_79 : i32
        %get3A = arith.index_cast %mul3A_44 : i32 to index
        %get3A_81 = arith.index_cast %mul3A_80 : i32 to index
        %get3A_82 = tpu.vector_load %arg9[%get3A, %get3A_81] {strides = array<i32>} : memref<125x80xi32, #tpu.memory_space<vmem>>, vector<16xi32>,
        %shift_right_arithmetic3A = arith.constant 7 : i32
        %shift_right_arithmetic3A_83 = vector.broadcast %shift_right_arithmetic3A : i32 to vector<16xi32>
        %shift_right_arithmetic3A_84 = arith.shrsi %get3A_82, %shift_right_arithmetic3A_83 : vector<16xi32>
        %and3A = arith.constant 127 : i32
        %and3A_85 = vector.broadcast %and3A : i32 to vector<16xi32>
        %and3A_86 = arith.andi %get3A_82, %and3A_85 : vector<16xi32>
        tpu.vector_store_idx %arg11[%shift_right_arithmetic3A_84, %and3A_86], %broadcast_in_dim3A_9 {add = true} : memref<80x128xf32, #tpu.memory_space<vmem>>[vector<16xi32>, vector<16xi32>], vector<16xf32>,
      }
      %scan3A_72 = arith.constant 5 : i32
      %lt3A_73 = arith.constant 62 : i32
      %lt3A_74 = arith.cmpi slt, %scan3A_42, %lt3A_73 : i32
      %convert_element_type3A_75 = arith.extui %lt3A_74 : i1 to i32
      %cond3A_76 = arith.constant 0 : i32
      %cond3A_77 = arith.cmpi ne, %convert_element_type3A_75, %cond3A_76 : i32
      scf.if %cond3A_77 {
        %add3A_78 = arith.constant 1 : i32
        %add3A_79 = arith.addi %mul3A_44, %add3A_78 : i32
        %mul3A_80 = arith.constant 80 : i32
        %mul3A_81 = arith.muli %add3A_79, %mul3A_80 : i32
        %add3A_82 = arith.addi %mul3A_2, %mul3A_81 : i32
        %dma_wait3A_83 = arith.constant 1 : i32
        %dma_wait3A_84 = arith.constant 1 : i32
        %dma_wait3A_85 = arith.constant 0 : i32
        %dma_wait3A_86 = arith.constant 0 : i32
        %dma_wait3A_87 = tpu.memref_slice %arg10[%dma_wait3A_83, %dma_wait3A_85, %dma_wait3A_86] : memref<2x80x128xf32, #tpu.memory_space<vmem>> -> memref<1x80x128xf32, #tpu.memory_space<vmem>>
        %dma_wait3A_88 = tpu.memref_squeeze %dma_wait3A_87 : memref<1x80x128xf32, #tpu.memory_space<vmem>> -> memref<80x128xf32, #tpu.memory_space<vmem>>
        %dma_wait3A_89 = arith.constant 0 : i32
        %dma_wait3A_90 = tpu.memref_slice %arg3[%add3A_82, %dma_wait3A_89] : memref<320000x128xf32, #tpu.memory_space<hbm>> -> memref<80x128xf32, #tpu.memory_space<hbm>>
        %dma_wait3A_91 = tpu.memref_slice %arg15[%dma_wait3A_84] : memref<2x!tpu.dma_semaphore, #tpu.memory_space<semaphore_mem>> -> memref<1x!tpu.dma_semaphore, #tpu.memory_space<semaphore_mem>>
        %dma_wait3A_92 = tpu.memref_squeeze %dma_wait3A_91 : memref<1x!tpu.dma_semaphore, #tpu.memory_space<semaphore_mem>> -> memref<!tpu.dma_semaphore, #tpu.memory_space<semaphore_mem>>
        %dma_wait3A_93 = arith.constant 0 : i32
        %dma_wait3A_94 = arith.constant 0 : i32
        %dma_wait3A_95 = tpu.memref_slice %arg10[%dma_wait3A_83, %dma_wait3A_93, %dma_wait3A_94] : memref<2x80x128xf32, #tpu.memory_space<vmem>> -> memref<1x80x128xf32, #tpu.memory_space<vmem>>
        %dma_wait3A_96 = tpu.memref_squeeze %dma_wait3A_95 : memref<1x80x128xf32, #tpu.memory_space<vmem>> -> memref<80x128xf32, #tpu.memory_space<vmem>>
        %dma_wait3A_97 = arith.constant 0 : i32
        %dma_wait3A_98 = tpu.memref_slice %arg3[%add3A_82, %dma_wait3A_97] : memref<320000x128xf32, #tpu.memory_space<hbm>> -> memref<80x128xf32, #tpu.memory_space<hbm>>
        tpu.wait_dma2 semaphore(%dma_wait3A_92 : memref<!tpu.dma_semaphore, #tpu.memory_space<semaphore_mem>>) src(%dma_wait3A_98 : memref<80x128xf32, #tpu.memory_space<hbm>>) dst(%dma_wait3A_96 : memref<80x128xf32, #tpu.memory_space<vmem>>)
        %add3A_99 = arith.constant 2 : i32
        %add3A_100 = arith.addi %mul3A_44, %add3A_99 : i32
        %mul3A_101 = arith.constant 80 : i32
        %mul3A_102 = arith.muli %add3A_100, %mul3A_101 : i32
        %add3A_103 = arith.addi %mul3A_2, %mul3A_102 : i32
        %dma_start3A_104 = arith.constant 0 : i32
        %dma_start3A_105 = arith.constant 0 : i32
        %dma_start3A_106 = arith.constant 0 : i32
        %dma_start3A_107 = arith.constant 0 : i32
        %dma_start3A_108 = tpu.memref_slice %arg10[%dma_start3A_104, %dma_start3A_106, %dma_start3A_107] : memref<2x80x128xf32, #tpu.memory_space<vmem>> -> memref<1x80x128xf32, #tpu.memory_space<vmem>>
        %dma_start3A_109 = tpu.memref_squeeze %dma_start3A_108 : memref<1x80x128xf32, #tpu.memory_space<vmem>> -> memref<80x128xf32, #tpu.memory_space<vmem>>
        %dma_start3A_110 = arith.constant 0 : i32
        %dma_start3A_111 = tpu.memref_slice %arg3[%add3A_103, %dma_start3A_110] : memref<320000x128xf32, #tpu.memory_space<hbm>> -> memref<80x128xf32, #tpu.memory_space<hbm>>
        %dma_start3A_112 = tpu.memref_slice %arg15[%dma_start3A_105] : memref<2x!tpu.dma_semaphore, #tpu.memory_space<semaphore_mem>> -> memref<1x!tpu.dma_semaphore, #tpu.memory_space<semaphore_mem>>
        %dma_start3A_113 = tpu.memref_squeeze %dma_start3A_112 : memref<1x!tpu.dma_semaphore, #tpu.memory_space<semaphore_mem>> -> memref<!tpu.dma_semaphore, #tpu.memory_space<semaphore_mem>>
        %dma_start3A_114 = arith.constant 0 : i32
        %dma_start3A_115 = arith.constant 0 : i32
        %dma_start3A_116 = tpu.memref_slice %arg10[%dma_start3A_104, %dma_start3A_114, %dma_start3A_115] : memref<2x80x128xf32, #tpu.memory_space<vmem>> -> memref<1x80x128xf32, #tpu.memory_space<vmem>>
        %dma_start3A_117 = tpu.memref_squeeze %dma_start3A_116 : memref<1x80x128xf32, #tpu.memory_space<vmem>> -> memref<80x128xf32, #tpu.memory_space<vmem>>
        %dma_start3A_118 = arith.constant 0 : i32
        %dma_start3A_119 = tpu.memref_slice %arg3[%add3A_103, %dma_start3A_118] : memref<320000x128xf32, #tpu.memory_space<hbm>> -> memref<80x128xf32, #tpu.memory_space<hbm>>
        tpu.enqueue_dma source(%dma_start3A_119 : memref<80x128xf32, #tpu.memory_space<hbm>>) target(%dma_start3A_117 : memref<80x128xf32, #tpu.memory_space<vmem>>) target_semaphore(%dma_start3A_113 : memref<!tpu.dma_semaphore, #tpu.memory_space<semaphore_mem>>)
        %add3A_120 = arith.constant 1 : i32
        %add3A_121 = arith.addi %mul3A_44, %add3A_120 : i32
        %run_scoped3A_122 = arith.constant 1 : i32
        "tpu.region"() ({
          %run_scoped3A_131 = tpu.sem_alloc : memref<!tpu.dma_semaphore, #tpu.memory_space<semaphore_mem>>
          %dma_start3A_132 = arith.constant 0 : i32
          %dma_start3A_133 = arith.constant 0 : i32
          %dma_start3A_134 = tpu.memref_slice %arg10[%run_scoped3A_122, %dma_start3A_132, %dma_start3A_133] : memref<2x80x128xf32, #tpu.memory_space<vmem>> -> memref<1x80x128xf32, #tpu.memory_space<vmem>>
          %dma_start3A_135 = tpu.memref_squeeze %dma_start3A_134 : memref<1x80x128xf32, #tpu.memory_space<vmem>> -> memref<80x128xf32, #tpu.memory_space<vmem>>
          %dma_start3A_136 = arith.constant 0 : i32
          %dma_start3A_137 = tpu.memref_slice %arg9[%add3A_121, %dma_start3A_136] : memref<125x80xi32, #tpu.memory_space<vmem>> -> memref<1x80xi32, #tpu.memory_space<vmem>>
          %dma_start3A_138 = tpu.memref_squeeze %dma_start3A_137 : memref<1x80xi32, #tpu.memory_space<vmem>> -> memref<80xi32, #tpu.memory_space<vmem>>
          %dma_start3A_139 = arith.constant 0 : i32
          %dma_start3A_140 = arith.constant 0 : i32
          %dma_start3A_141 = tpu.memref_slice %arg13[%dma_start3A_139, %dma_start3A_140] : memref<10240x128xf32, #tpu.memory_space<vmem_shared>> -> memref<10240x128xf32, #tpu.memory_space<vmem_shared>>
          tpu.enqueue_indirect_dma source(%dma_start3A_135 : memref<80x128xf32, #tpu.memory_space<vmem>>) target(%dma_start3A_141 : memref<10240x128xf32, #tpu.memory_space<vmem_shared>>) offsets(%dma_start3A_138 : memref<80xi32, #tpu.memory_space<vmem>>) semaphore(%run_scoped3A_131 : memref<!tpu.dma_semaphore, #tpu.memory_space<semaphore_mem>>) {add = true}
          %dma_wait3A_142 = arith.constant 0 : i32
          %dma_wait3A_143 = arith.constant 0 : i32
          %dma_wait3A_144 = tpu.memref_slice %arg10[%run_scoped3A_122, %dma_wait3A_142, %dma_wait3A_143] : memref<2x80x128xf32, #tpu.memory_space<vmem>> -> memref<1x80x128xf32, #tpu.memory_space<vmem>>
          %dma_wait3A_145 = tpu.memref_squeeze %dma_wait3A_144 : memref<1x80x128xf32, #tpu.memory_space<vmem>> -> memref<80x128xf32, #tpu.memory_space<vmem>>
          %dma_wait3A_146 = arith.constant 0 : i32
          %dma_wait3A_147 = tpu.memref_slice %arg9[%add3A_121, %dma_wait3A_146] : memref<125x80xi32, #tpu.memory_space<vmem>> -> memref<1x80xi32, #tpu.memory_space<vmem>>
          %dma_wait3A_148 = tpu.memref_squeeze %dma_wait3A_147 : memref<1x80xi32, #tpu.memory_space<vmem>> -> memref<80xi32, #tpu.memory_space<vmem>>
          %dma_wait3A_149 = arith.constant 0 : i32
          %dma_wait3A_150 = arith.constant 0 : i32
          %dma_wait3A_151 = tpu.memref_slice %arg13[%dma_wait3A_149, %dma_wait3A_150] : memref<10240x128xf32, #tpu.memory_space<vmem_shared>> -> memref<10240x128xf32, #tpu.memory_space<vmem_shared>>
          tpu.wait_indirect_dma semaphore(%run_scoped3A_131 : memref<!tpu.dma_semaphore, #tpu.memory_space<semaphore_mem>>) src(%dma_wait3A_145 : memref<80x128xf32, #tpu.memory_space<vmem>>) dst(%dma_wait3A_151 : memref<10240x128xf32, #tpu.memory_space<vmem_shared>>)
          tpu.yield
        }) : () -> ()
        %add3A_123 = arith.constant 1 : i32
        %add3A_124 = arith.addi %mul3A_44, %add3A_123 : i32
        %scan3A_125 = arith.constant 0 : i32
        %scan3A_126 = arith.constant 0 : i32
        %scan3A_127 = arith.constant 5 : i32
        %scan3A_128 = arith.addi %scan3A_126, %scan3A_127 : i32
        %scan3A_129 = arith.constant 1 : i32
        scf.for %scan3A_131 = %scan3A_126 to %scan3A_128 step %scan3A_129  : i32 {
          %mul3A_132 = arith.constant 16 : i32
          %mul3A_133 = arith.muli %scan3A_131, %mul3A_132 : i32
          %get3A = arith.index_cast %add3A_124 : i32 to index
          %get3A_134 = arith.index_cast %mul3A_133 : i32 to index
          %get3A_135 = tpu.vector_load %arg9[%get3A, %get3A_134] {strides = array<i32>} : memref<125x80xi32, #tpu.memory_space<vmem>>, vector<16xi32>,
          %shift_right_arithmetic3A = arith.constant 7 : i32
          %shift_right_arithmetic3A_136 = vector.broadcast %shift_right_arithmetic3A : i32 to vector<16xi32>
          %shift_right_arithmetic3A_137 = arith.shrsi %get3A_135, %shift_right_arithmetic3A_136 : vector<16xi32>
          %and3A = arith.constant 127 : i32
          %and3A_138 = vector.broadcast %and3A : i32 to vector<16xi32>
          %and3A_139 = arith.andi %get3A_135, %and3A_138 : vector<16xi32>
          tpu.vector_store_idx %arg11[%shift_right_arithmetic3A_137, %and3A_139], %broadcast_in_dim3A_9 {add = true} : memref<80x128xf32, #tpu.memory_space<vmem>>[vector<16xi32>, vector<16xi32>], vector<16xf32>,
        }
        %scan3A_130 = arith.constant 5 : i32
      } else {
      }
    }
    %scan3A_31 = arith.constant 63 : i32
    "tpu.region"() ({
      %run_scoped3A = tpu.sem_alloc : memref<!tpu.dma_semaphore, #tpu.memory_space<semaphore_mem>>
      %dma_start3A_42 = arith.constant 0 : i32
      %dma_start3A_43 = arith.constant 0 : i32
      %dma_start3A_44 = tpu.memref_slice %arg14[%dma_start3A_42, %dma_start3A_43] : memref<80x128xf32, #tpu.memory_space<vmem_shared>> -> memref<80x128xf32, #tpu.memory_space<vmem_shared>>
      tpu.enqueue_indirect_dma source(%arg11 : memref<80x128xf32, #tpu.memory_space<vmem>>) target(%dma_start3A_44 : memref<80x128xf32, #tpu.memory_space<vmem_shared>>) offsets(%arg12 : memref<80xi32, #tpu.memory_space<vmem>>) semaphore(%run_scoped3A : memref<!tpu.dma_semaphore, #tpu.memory_space<semaphore_mem>>) {add = true}
      %dma_wait3A = arith.constant 0 : i32
      %dma_wait3A_45 = arith.constant 0 : i32
      %dma_wait3A_46 = tpu.memref_slice %arg14[%dma_wait3A, %dma_wait3A_45] : memref<80x128xf32, #tpu.memory_space<vmem_shared>> -> memref<80x128xf32, #tpu.memory_space<vmem_shared>>
      tpu.wait_indirect_dma semaphore(%run_scoped3A : memref<!tpu.dma_semaphore, #tpu.memory_space<semaphore_mem>>) src(%arg11 : memref<80x128xf32, #tpu.memory_space<vmem>>) dst(%dma_wait3A_46 : memref<80x128xf32, #tpu.memory_space<vmem_shared>>)
      tpu.yield
    }) : () -> ()
    %barrier3A_32 = arith.constant 0 : index
    tpu.barrier barrier_id(%barrier3A_32)
    %mul3A_33 = arith.constant 640 : i32
    %mul3A_34 = arith.muli %arg1, %mul3A_33 : i32
    %mul3A_35 = arith.constant 640 : i32
    %mul3A_36 = arith.muli %arg1, %mul3A_35 : i32
    "tpu.region"() ({
      %run_scoped3A = tpu.sem_alloc : memref<!tpu.dma_semaphore, #tpu.memory_space<semaphore_mem>>
      %dma_start3A_42 = arith.constant 0 : i32
      %dma_start3A_43 = tpu.memref_slice %arg7[%arg0, %mul3A_36, %dma_start3A_42] : memref<2x10240x128xf32, #tpu.memory_space<hbm>> -> memref<1x640x128xf32, #tpu.memory_space<hbm>>
      %dma_start3A_44 = tpu.memref_squeeze %dma_start3A_43 : memref<1x640x128xf32, #tpu.memory_space<hbm>> -> memref<640x128xf32, #tpu.memory_space<hbm>>
      %dma_start3A_45 = arith.constant 0 : i32
      %dma_start3A_46 = tpu.memref_slice %arg13[%mul3A_34, %dma_start3A_45] : memref<10240x128xf32, #tpu.memory_space<vmem_shared>> -> memref<640x128xf32, #tpu.memory_space<vmem_shared>>
      tpu.enqueue_dma source(%dma_start3A_46 : memref<640x128xf32, #tpu.memory_space<vmem_shared>>) target(%dma_start3A_44 : memref<640x128xf32, #tpu.memory_space<hbm>>) target_semaphore(%run_scoped3A : memref<!tpu.dma_semaphore, #tpu.memory_space<semaphore_mem>>)
      %dma_wait3A = arith.constant 0 : i32
      %dma_wait3A_47 = tpu.memref_slice %arg7[%arg0, %mul3A_36, %dma_wait3A] : memref<2x10240x128xf32, #tpu.memory_space<hbm>> -> memref<1x640x128xf32, #tpu.memory_space<hbm>>
      %dma_wait3A_48 = tpu.memref_squeeze %dma_wait3A_47 : memref<1x640x128xf32, #tpu.memory_space<hbm>> -> memref<640x128xf32, #tpu.memory_space<hbm>>
      %dma_wait3A_49 = arith.constant 0 : i32
      %dma_wait3A_50 = tpu.memref_slice %arg13[%mul3A_34, %dma_wait3A_49] : memref<10240x128xf32, #tpu.memory_space<vmem_shared>> -> memref<640x128xf32, #tpu.memory_space<vmem_shared>>
      tpu.wait_dma2 semaphore(%run_scoped3A : memref<!tpu.dma_semaphore, #tpu.memory_space<semaphore_mem>>) src(%dma_wait3A_50 : memref<640x128xf32, #tpu.memory_space<vmem_shared>>) dst(%dma_wait3A_48 : memref<640x128xf32, #tpu.memory_space<hbm>>)
      tpu.yield
    }) : () -> ()
    %eq3A_37 = arith.constant 0 : i32
    %eq3A_38 = arith.cmpi eq, %arg1, %eq3A_37 : i32
    %convert_element_type3A_39 = arith.extui %eq3A_38 : i1 to i32
    %cond3A_40 = arith.constant 0 : i32
    %cond3A_41 = arith.cmpi ne, %convert_element_type3A_39, %cond3A_40 : i32
    scf.if %cond3A_41 {
      "tpu.region"() ({
        %run_scoped3A = tpu.sem_alloc : memref<!tpu.dma_semaphore, #tpu.memory_space<semaphore_mem>>
        %dma_start3A_42 = arith.constant 0 : i32
        %dma_start3A_43 = arith.constant 0 : i32
        %dma_start3A_44 = tpu.memref_slice %arg8[%arg0, %dma_start3A_42, %dma_start3A_43] : memref<2x80x128xf32, #tpu.memory_space<hbm>> -> memref<1x80x128xf32, #tpu.memory_space<hbm>>
        %dma_start3A_45 = tpu.memref_squeeze %dma_start3A_44 : memref<1x80x128xf32, #tpu.memory_space<hbm>> -> memref<80x128xf32, #tpu.memory_space<hbm>>
        tpu.enqueue_dma source(%arg14 : memref<80x128xf32, #tpu.memory_space<vmem_shared>>) target(%dma_start3A_45 : memref<80x128xf32, #tpu.memory_space<hbm>>) target_semaphore(%run_scoped3A : memref<!tpu.dma_semaphore, #tpu.memory_space<semaphore_mem>>)
        %dma_wait3A = arith.constant 0 : i32
        %dma_wait3A_46 = arith.constant 0 : i32
        %dma_wait3A_47 = tpu.memref_slice %arg8[%arg0, %dma_wait3A, %dma_wait3A_46] : memref<2x80x128xf32, #tpu.memory_space<hbm>> -> memref<1x80x128xf32, #tpu.memory_space<hbm>>
        %dma_wait3A_48 = tpu.memref_squeeze %dma_wait3A_47 : memref<1x80x128xf32, #tpu.memory_space<hbm>> -> memref<80x128xf32, #tpu.memory_space<hbm>>
        tpu.wait_dma2 semaphore(%run_scoped3A : memref<!tpu.dma_semaphore, #tpu.memory_space<semaphore_mem>>) src(%arg14 : memref<80x128xf32, #tpu.memory_space<vmem_shared>>) dst(%dma_wait3A_48 : memref<80x128xf32, #tpu.memory_space<hbm>>)
        tpu.yield
      }) : () -> ()
    } else {
    }
    return
  }
}

module attributes {stable_mosaic.version = 14 : i64} {
  func.func @_ln_pq_body(%arg0: i32, %arg1: memref<1000x128xf32, #tpu.memory_space<vmem>>, %arg2: memref<1x128xf32, #tpu.memory_space<vmem>>, %arg3: memref<1x128xf32, #tpu.memory_space<vmem>>, %arg4: memref<128x256xf32, #tpu.memory_space<vmem>>, %arg5: memref<1000x128xf32, #tpu.memory_space<vmem>>, %arg6: memref<1000x128xf32, #tpu.memory_space<vmem>>, %arg7: memref<1000x128xf32, #tpu.memory_space<vmem>>) attributes {dimension_semantics = [#tpu.dimension_semantics<arbitrary>], iteration_bounds = array<i64: 10>, scalar_prefetch = 0 : i64, scratch_operands = 0 : i64, tpu.core_type = #tpu.core_type<tc>, window_params = [{transform_indices = @transform_0, window_bounds = array<i64: 1000, 128>}, {pipeline_mode = #tpu.pipeline_mode<synchronous>, transform_indices = @transform_1, window_bounds = array<i64: 1, 128>}, {pipeline_mode = #tpu.pipeline_mode<synchronous>, transform_indices = @transform_2, window_bounds = array<i64: 1, 128>}, {pipeline_mode = #tpu.pipeline_mode<synchronous>, transform_indices = @transform_3, window_bounds = array<i64: 128, 256>}, {transform_indices = @transform_4, window_bounds = array<i64: 1000, 128>}, {transform_indices = @transform_5, window_bounds = array<i64: 1000, 128>}, {transform_indices = @transform_6, window_bounds = array<i64: 1000, 128>}]} {
    %get3A = arith.constant 0 : index
    %get3A_0 = arith.constant 0 : index
    %get3A_1 = vector.load %arg1[%get3A, %get3A_0] : memref<1000x128xf32, #tpu.memory_space<vmem>>, vector<1000x128xf32>
    %reduce_sum3A = arith.constant dense<0.000000e+00> : vector<1000xf32>
    %reduce_sum3A_2 = vector.multi_reduction <add>, %get3A_1, %reduce_sum3A [1] : vector<1000x128xf32> to vector<1000xf32>
    %broadcast_in_dim3A = vector.shape_cast %reduce_sum3A_2 : vector<1000xf32> to vector<1000x1xf32>
    %div3A = arith.constant 1.280000e+02 : f32
    %div3A_3 = vector.broadcast %div3A : f32 to vector<1000x1xf32>
    %div3A_4 = arith.divf %broadcast_in_dim3A, %div3A_3 : vector<1000x1xf32>
    %sub3A = vector.broadcast %div3A_4 : vector<1000x1xf32> to vector<1000x128xf32>
    %sub3A_5 = arith.subf %get3A_1, %sub3A : vector<1000x128xf32>
    %mul3A = arith.mulf %sub3A_5, %sub3A_5 : vector<1000x128xf32>
    %reduce_sum3A_6 = arith.constant dense<0.000000e+00> : vector<1000xf32>
    %reduce_sum3A_7 = vector.multi_reduction <add>, %mul3A, %reduce_sum3A_6 [1] : vector<1000x128xf32> to vector<1000xf32>
    %broadcast_in_dim3A_8 = vector.shape_cast %reduce_sum3A_7 : vector<1000xf32> to vector<1000x1xf32>
    %div3A_9 = arith.constant 1.280000e+02 : f32
    %div3A_10 = vector.broadcast %div3A_9 : f32 to vector<1000x1xf32>
    %div3A_11 = arith.divf %broadcast_in_dim3A_8, %div3A_10 : vector<1000x1xf32>
    %add3A = arith.constant 9.99999974E-6 : f32
    %add3A_12 = vector.broadcast %add3A : f32 to vector<1000x1xf32>
    %add3A_13 = arith.addf %div3A_11, %add3A_12 : vector<1000x1xf32>
    %rsqrt3A = math.rsqrt %add3A_13 : vector<1000x1xf32>
    %mul3A_14 = vector.broadcast %rsqrt3A : vector<1000x1xf32> to vector<1000x128xf32>
    %mul3A_15 = arith.mulf %sub3A_5, %mul3A_14 : vector<1000x128xf32>
    %get3A_16 = arith.constant 0 : index
    %get3A_17 = arith.constant 0 : index
    %get3A_18 = vector.load %arg2[%get3A_16, %get3A_17] : memref<1x128xf32, #tpu.memory_space<vmem>>, vector<1x128xf32>
    %mul3A_19 = vector.broadcast %get3A_18 : vector<1x128xf32> to vector<1000x128xf32>
    %mul3A_20 = arith.mulf %mul3A_15, %mul3A_19 : vector<1000x128xf32>
    %get3A_21 = arith.constant 0 : index
    %get3A_22 = arith.constant 0 : index
    %get3A_23 = vector.load %arg3[%get3A_21, %get3A_22] : memref<1x128xf32, #tpu.memory_space<vmem>>, vector<1x128xf32>
    %add3A_24 = vector.broadcast %get3A_23 : vector<1x128xf32> to vector<1000x128xf32>
    %add3A_25 = arith.addf %mul3A_20, %add3A_24 : vector<1000x128xf32>
    %swap3A = arith.constant 0 : index
    %swap3A_26 = arith.constant 0 : index
    %swap3A_27 = vector.load %arg5[%swap3A, %swap3A_26] : memref<1000x128xf32, #tpu.memory_space<vmem>>, vector<1000x128xf32>
    tpu.vector_store %arg5[%swap3A, %swap3A_26], %add3A_25 {strides = array<i32>} : memref<1000x128xf32, #tpu.memory_space<vmem>>, vector<1000x128xf32>,
    %get3A_28 = arith.constant 0 : index
    %get3A_29 = arith.constant 0 : index
    %get3A_30 = vector.load %arg4[%get3A_28, %get3A_29] : memref<128x256xf32, #tpu.memory_space<vmem>>, vector<128x256xf32>
    %dot_general3A = arith.constant dense<0.000000e+00> : vector<1000x256xf32>
    %dot_general3A_31 = tpu.matmul %add3A_25, %get3A_30, %dot_general3A {dimension_numbers = #tpu.dot_dimension_numbers<[1], [0], [0], [1], [0, 0, 1, 1], [], []>, transpose_lhs_hint = false} : vector<1000x128xf32>, vector<128x256xf32>, vector<1000x256xf32> -> vector<1000x256xf32>
    %slice3A = vector.extract_strided_slice %dot_general3A_31 {offsets = [0, 0], sizes = [1000, 128], strides = [1, 1]} : vector<1000x256xf32> to vector<1000x128xf32>
    %swap3A_32 = arith.constant 0 : index
    %swap3A_33 = arith.constant 0 : index
    %swap3A_34 = vector.load %arg6[%swap3A_32, %swap3A_33] : memref<1000x128xf32, #tpu.memory_space<vmem>>, vector<1000x128xf32>
    tpu.vector_store %arg6[%swap3A_32, %swap3A_33], %slice3A {strides = array<i32>} : memref<1000x128xf32, #tpu.memory_space<vmem>>, vector<1000x128xf32>,
    %slice3A_35 = vector.extract_strided_slice %dot_general3A_31 {offsets = [0, 128], sizes = [1000, 128], strides = [1, 1]} : vector<1000x256xf32> to vector<1000x128xf32>
    %swap3A_36 = arith.constant 0 : index
    %swap3A_37 = arith.constant 0 : index
    %swap3A_38 = vector.load %arg7[%swap3A_36, %swap3A_37] : memref<1000x128xf32, #tpu.memory_space<vmem>>, vector<1000x128xf32>
    tpu.vector_store %arg7[%swap3A_36, %swap3A_37], %slice3A_35 {strides = array<i32>} : memref<1000x128xf32, #tpu.memory_space<vmem>>, vector<1000x128xf32>,
    return
  }
  func.func @transform_0(%arg0: i32) -> (i32, i32) {
    %c0_i32 = arith.constant 0 : i32
    %c0_i32_0 = arith.constant 0 : i32
    return %arg0, %c0_i32 : i32, i32
  }
  func.func @transform_1(%arg0: i32) -> (i32, i32) {
    %c0_i32 = arith.constant 0 : i32
    %c0_i32_0 = arith.constant 0 : i32
    %c0_i32_1 = arith.constant 0 : i32
    return %c0_i32, %c0_i32_0 : i32, i32
  }
  func.func @transform_2(%arg0: i32) -> (i32, i32) {
    %c0_i32 = arith.constant 0 : i32
    %c0_i32_0 = arith.constant 0 : i32
    %c0_i32_1 = arith.constant 0 : i32
    return %c0_i32, %c0_i32_0 : i32, i32
  }
  func.func @transform_3(%arg0: i32) -> (i32, i32) {
    %c0_i32 = arith.constant 0 : i32
    %c0_i32_0 = arith.constant 0 : i32
    %c0_i32_1 = arith.constant 0 : i32
    return %c0_i32, %c0_i32_0 : i32, i32
  }
  func.func @transform_4(%arg0: i32) -> (i32, i32) {
    %c0_i32 = arith.constant 0 : i32
    %c0_i32_0 = arith.constant 0 : i32
    return %arg0, %c0_i32 : i32, i32
  }
  func.func @transform_5(%arg0: i32) -> (i32, i32) {
    %c0_i32 = arith.constant 0 : i32
    %c0_i32_0 = arith.constant 0 : i32
    return %arg0, %c0_i32 : i32, i32
  }
  func.func @transform_6(%arg0: i32) -> (i32, i32) {
    %c0_i32 = arith.constant 0 : i32
    %c0_i32_0 = arith.constant 0 : i32
    return %arg0, %c0_i32 : i32, i32
  }
}

module attributes {stable_mosaic.version = 14 : i64} {
  func.func @_edge_body(%arg0: i32, %arg1: memref<2000x64xi32, #tpu.memory_space<vmem>>, %arg2: memref<2000x3xf32, #tpu.memory_space<vmem>>, %arg3: memref<2000x1xi32, #tpu.memory_space<vmem>>, %arg4: memref<64x9xf32, #tpu.memory_space<vmem>>, %arg5: memref<3x96xf32, #tpu.memory_space<vmem>>, %arg6: memref<9x128xf32, #tpu.memory_space<vmem>>, %arg7: memref<192x128xf32, #tpu.memory_space<vmem>>, %arg8: memref<1x128xf32, #tpu.memory_space<vmem>>, %arg9: memref<128x128xf32, #tpu.memory_space<vmem>>, %arg10: memref<1x128xf32, #tpu.memory_space<vmem>>, %arg11: memref<2000x128xf32, #tpu.memory_space<vmem>>) attributes {dimension_semantics = [#tpu.dimension_semantics<arbitrary>], iteration_bounds = array<i64: 160>, scalar_prefetch = 0 : i64, scratch_operands = 0 : i64, tpu.core_type = #tpu.core_type<tc>, window_params = [{transform_indices = @transform_0, window_bounds = array<i64: 2000, 64>}, {transform_indices = @transform_1, window_bounds = array<i64: 2000, 3>}, {transform_indices = @transform_2, window_bounds = array<i64: 2000, 1>}, {pipeline_mode = #tpu.pipeline_mode<synchronous>, transform_indices = @transform_3, window_bounds = array<i64: 64, 9>}, {pipeline_mode = #tpu.pipeline_mode<synchronous>, transform_indices = @transform_4, window_bounds = array<i64: 3, 96>}, {pipeline_mode = #tpu.pipeline_mode<synchronous>, transform_indices = @transform_5, window_bounds = array<i64: 9, 128>}, {pipeline_mode = #tpu.pipeline_mode<synchronous>, transform_indices = @transform_6, window_bounds = array<i64: 192, 128>}, {pipeline_mode = #tpu.pipeline_mode<synchronous>, transform_indices = @transform_7, window_bounds = array<i64: 1, 128>}, {pipeline_mode = #tpu.pipeline_mode<synchronous>, transform_indices = @transform_8, window_bounds = array<i64: 128, 128>}, {pipeline_mode = #tpu.pipeline_mode<synchronous>, transform_indices = @transform_9, window_bounds = array<i64: 1, 128>}, {transform_indices = @transform_10, window_bounds = array<i64: 2000, 128>}]} {
    %get3A = arith.constant 0 : index
    %get3A_0 = arith.constant 0 : index
    %get3A_1 = vector.load %arg4[%get3A, %get3A_0] : memref<64x9xf32, #tpu.memory_space<vmem>>, vector<64x9xf32>
    %slice3A = vector.extract_strided_slice %get3A_1 {offsets = [0, 0], sizes = [64, 1], strides = [1, 1]} : vector<64x9xf32> to vector<64x1xf32>
    %slice3A_2 = vector.extract_strided_slice %get3A_1 {offsets = [0, 0], sizes = [64, 1], strides = [1, 1]} : vector<64x9xf32> to vector<64x1xf32>
    %mul3A = arith.mulf %slice3A, %slice3A_2 : vector<64x1xf32>
    %slice3A_3 = vector.extract_strided_slice %get3A_1 {offsets = [0, 1], sizes = [64, 1], strides = [1, 1]} : vector<64x9xf32> to vector<64x1xf32>
    %slice3A_4 = vector.extract_strided_slice %get3A_1 {offsets = [0, 1], sizes = [64, 1], strides = [1, 1]} : vector<64x9xf32> to vector<64x1xf32>
    %mul3A_5 = arith.mulf %slice3A_3, %slice3A_4 : vector<64x1xf32>
    %add3A = arith.addf %mul3A, %mul3A_5 : vector<64x1xf32>
    %slice3A_6 = vector.extract_strided_slice %get3A_1 {offsets = [0, 2], sizes = [64, 1], strides = [1, 1]} : vector<64x9xf32> to vector<64x1xf32>
    %slice3A_7 = vector.extract_strided_slice %get3A_1 {offsets = [0, 2], sizes = [64, 1], strides = [1, 1]} : vector<64x9xf32> to vector<64x1xf32>
    %mul3A_8 = arith.mulf %slice3A_6, %slice3A_7 : vector<64x1xf32>
    %add3A_9 = arith.addf %add3A, %mul3A_8 : vector<64x1xf32>
    %slice3A_10 = vector.extract_strided_slice %get3A_1 {offsets = [0, 0], sizes = [64, 1], strides = [1, 1]} : vector<64x9xf32> to vector<64x1xf32>
    %slice3A_11 = vector.extract_strided_slice %get3A_1 {offsets = [0, 3], sizes = [64, 1], strides = [1, 1]} : vector<64x9xf32> to vector<64x1xf32>
    %mul3A_12 = arith.mulf %slice3A_10, %slice3A_11 : vector<64x1xf32>
    %slice3A_13 = vector.extract_strided_slice %get3A_1 {offsets = [0, 1], sizes = [64, 1], strides = [1, 1]} : vector<64x9xf32> to vector<64x1xf32>
    %slice3A_14 = vector.extract_strided_slice %get3A_1 {offsets = [0, 4], sizes = [64, 1], strides = [1, 1]} : vector<64x9xf32> to vector<64x1xf32>
    %mul3A_15 = arith.mulf %slice3A_13, %slice3A_14 : vector<64x1xf32>
    %add3A_16 = arith.addf %mul3A_12, %mul3A_15 : vector<64x1xf32>
    %slice3A_17 = vector.extract_strided_slice %get3A_1 {offsets = [0, 2], sizes = [64, 1], strides = [1, 1]} : vector<64x9xf32> to vector<64x1xf32>
    %slice3A_18 = vector.extract_strided_slice %get3A_1 {offsets = [0, 5], sizes = [64, 1], strides = [1, 1]} : vector<64x9xf32> to vector<64x1xf32>
    %mul3A_19 = arith.mulf %slice3A_17, %slice3A_18 : vector<64x1xf32>
    %add3A_20 = arith.addf %add3A_16, %mul3A_19 : vector<64x1xf32>
    %slice3A_21 = vector.extract_strided_slice %get3A_1 {offsets = [0, 0], sizes = [64, 1], strides = [1, 1]} : vector<64x9xf32> to vector<64x1xf32>
    %slice3A_22 = vector.extract_strided_slice %get3A_1 {offsets = [0, 6], sizes = [64, 1], strides = [1, 1]} : vector<64x9xf32> to vector<64x1xf32>
    %mul3A_23 = arith.mulf %slice3A_21, %slice3A_22 : vector<64x1xf32>
    %slice3A_24 = vector.extract_strided_slice %get3A_1 {offsets = [0, 1], sizes = [64, 1], strides = [1, 1]} : vector<64x9xf32> to vector<64x1xf32>
    %slice3A_25 = vector.extract_strided_slice %get3A_1 {offsets = [0, 7], sizes = [64, 1], strides = [1, 1]} : vector<64x9xf32> to vector<64x1xf32>
    %mul3A_26 = arith.mulf %slice3A_24, %slice3A_25 : vector<64x1xf32>
    %add3A_27 = arith.addf %mul3A_23, %mul3A_26 : vector<64x1xf32>
    %slice3A_28 = vector.extract_strided_slice %get3A_1 {offsets = [0, 2], sizes = [64, 1], strides = [1, 1]} : vector<64x9xf32> to vector<64x1xf32>
    %slice3A_29 = vector.extract_strided_slice %get3A_1 {offsets = [0, 8], sizes = [64, 1], strides = [1, 1]} : vector<64x9xf32> to vector<64x1xf32>
    %mul3A_30 = arith.mulf %slice3A_28, %slice3A_29 : vector<64x1xf32>
    %add3A_31 = arith.addf %add3A_27, %mul3A_30 : vector<64x1xf32>
    %slice3A_32 = vector.extract_strided_slice %get3A_1 {offsets = [0, 3], sizes = [64, 1], strides = [1, 1]} : vector<64x9xf32> to vector<64x1xf32>
    %slice3A_33 = vector.extract_strided_slice %get3A_1 {offsets = [0, 0], sizes = [64, 1], strides = [1, 1]} : vector<64x9xf32> to vector<64x1xf32>
    %mul3A_34 = arith.mulf %slice3A_32, %slice3A_33 : vector<64x1xf32>
    %slice3A_35 = vector.extract_strided_slice %get3A_1 {offsets = [0, 4], sizes = [64, 1], strides = [1, 1]} : vector<64x9xf32> to vector<64x1xf32>
    %slice3A_36 = vector.extract_strided_slice %get3A_1 {offsets = [0, 1], sizes = [64, 1], strides = [1, 1]} : vector<64x9xf32> to vector<64x1xf32>
    %mul3A_37 = arith.mulf %slice3A_35, %slice3A_36 : vector<64x1xf32>
    %add3A_38 = arith.addf %mul3A_34, %mul3A_37 : vector<64x1xf32>
    %slice3A_39 = vector.extract_strided_slice %get3A_1 {offsets = [0, 5], sizes = [64, 1], strides = [1, 1]} : vector<64x9xf32> to vector<64x1xf32>
    %slice3A_40 = vector.extract_strided_slice %get3A_1 {offsets = [0, 2], sizes = [64, 1], strides = [1, 1]} : vector<64x9xf32> to vector<64x1xf32>
    %mul3A_41 = arith.mulf %slice3A_39, %slice3A_40 : vector<64x1xf32>
    %add3A_42 = arith.addf %add3A_38, %mul3A_41 : vector<64x1xf32>
    %slice3A_43 = vector.extract_strided_slice %get3A_1 {offsets = [0, 3], sizes = [64, 1], strides = [1, 1]} : vector<64x9xf32> to vector<64x1xf32>
    %slice3A_44 = vector.extract_strided_slice %get3A_1 {offsets = [0, 3], sizes = [64, 1], strides = [1, 1]} : vector<64x9xf32> to vector<64x1xf32>
    %mul3A_45 = arith.mulf %slice3A_43, %slice3A_44 : vector<64x1xf32>
    %slice3A_46 = vector.extract_strided_slice %get3A_1 {offsets = [0, 4], sizes = [64, 1], strides = [1, 1]} : vector<64x9xf32> to vector<64x1xf32>
    %slice3A_47 = vector.extract_strided_slice %get3A_1 {offsets = [0, 4], sizes = [64, 1], strides = [1, 1]} : vector<64x9xf32> to vector<64x1xf32>
    %mul3A_48 = arith.mulf %slice3A_46, %slice3A_47 : vector<64x1xf32>
    %add3A_49 = arith.addf %mul3A_45, %mul3A_48 : vector<64x1xf32>
    %slice3A_50 = vector.extract_strided_slice %get3A_1 {offsets = [0, 5], sizes = [64, 1], strides = [1, 1]} : vector<64x9xf32> to vector<64x1xf32>
    %slice3A_51 = vector.extract_strided_slice %get3A_1 {offsets = [0, 5], sizes = [64, 1], strides = [1, 1]} : vector<64x9xf32> to vector<64x1xf32>
    %mul3A_52 = arith.mulf %slice3A_50, %slice3A_51 : vector<64x1xf32>
    %add3A_53 = arith.addf %add3A_49, %mul3A_52 : vector<64x1xf32>
    %slice3A_54 = vector.extract_strided_slice %get3A_1 {offsets = [0, 3], sizes = [64, 1], strides = [1, 1]} : vector<64x9xf32> to vector<64x1xf32>
    %slice3A_55 = vector.extract_strided_slice %get3A_1 {offsets = [0, 6], sizes = [64, 1], strides = [1, 1]} : vector<64x9xf32> to vector<64x1xf32>
    %mul3A_56 = arith.mulf %slice3A_54, %slice3A_55 : vector<64x1xf32>
    %slice3A_57 = vector.extract_strided_slice %get3A_1 {offsets = [0, 4], sizes = [64, 1], strides = [1, 1]} : vector<64x9xf32> to vector<64x1xf32>
    %slice3A_58 = vector.extract_strided_slice %get3A_1 {offsets = [0, 7], sizes = [64, 1], strides = [1, 1]} : vector<64x9xf32> to vector<64x1xf32>
    %mul3A_59 = arith.mulf %slice3A_57, %slice3A_58 : vector<64x1xf32>
    %add3A_60 = arith.addf %mul3A_56, %mul3A_59 : vector<64x1xf32>
    %slice3A_61 = vector.extract_strided_slice %get3A_1 {offsets = [0, 5], sizes = [64, 1], strides = [1, 1]} : vector<64x9xf32> to vector<64x1xf32>
    %slice3A_62 = vector.extract_strided_slice %get3A_1 {offsets = [0, 8], sizes = [64, 1], strides = [1, 1]} : vector<64x9xf32> to vector<64x1xf32>
    %mul3A_63 = arith.mulf %slice3A_61, %slice3A_62 : vector<64x1xf32>
    %add3A_64 = arith.addf %add3A_60, %mul3A_63 : vector<64x1xf32>
    %slice3A_65 = vector.extract_strided_slice %get3A_1 {offsets = [0, 6], sizes = [64, 1], strides = [1, 1]} : vector<64x9xf32> to vector<64x1xf32>
    %slice3A_66 = vector.extract_strided_slice %get3A_1 {offsets = [0, 0], sizes = [64, 1], strides = [1, 1]} : vector<64x9xf32> to vector<64x1xf32>
    %mul3A_67 = arith.mulf %slice3A_65, %slice3A_66 : vector<64x1xf32>
    %slice3A_68 = vector.extract_strided_slice %get3A_1 {offsets = [0, 7], sizes = [64, 1], strides = [1, 1]} : vector<64x9xf32> to vector<64x1xf32>
    %slice3A_69 = vector.extract_strided_slice %get3A_1 {offsets = [0, 1], sizes = [64, 1], strides = [1, 1]} : vector<64x9xf32> to vector<64x1xf32>
    %mul3A_70 = arith.mulf %slice3A_68, %slice3A_69 : vector<64x1xf32>
    %add3A_71 = arith.addf %mul3A_67, %mul3A_70 : vector<64x1xf32>
    %slice3A_72 = vector.extract_strided_slice %get3A_1 {offsets = [0, 8], sizes = [64, 1], strides = [1, 1]} : vector<64x9xf32> to vector<64x1xf32>
    %slice3A_73 = vector.extract_strided_slice %get3A_1 {offsets = [0, 2], sizes = [64, 1], strides = [1, 1]} : vector<64x9xf32> to vector<64x1xf32>
    %mul3A_74 = arith.mulf %slice3A_72, %slice3A_73 : vector<64x1xf32>
    %add3A_75 = arith.addf %add3A_71, %mul3A_74 : vector<64x1xf32>
    %slice3A_76 = vector.extract_strided_slice %get3A_1 {offsets = [0, 6], sizes = [64, 1], strides = [1, 1]} : vector<64x9xf32> to vector<64x1xf32>
    %slice3A_77 = vector.extract_strided_slice %get3A_1 {offsets = [0, 3], sizes = [64, 1], strides = [1, 1]} : vector<64x9xf32> to vector<64x1xf32>
    %mul3A_78 = arith.mulf %slice3A_76, %slice3A_77 : vector<64x1xf32>
    %slice3A_79 = vector.extract_strided_slice %get3A_1 {offsets = [0, 7], sizes = [64, 1], strides = [1, 1]} : vector<64x9xf32> to vector<64x1xf32>
    %slice3A_80 = vector.extract_strided_slice %get3A_1 {offsets = [0, 4], sizes = [64, 1], strides = [1, 1]} : vector<64x9xf32> to vector<64x1xf32>
    %mul3A_81 = arith.mulf %slice3A_79, %slice3A_80 : vector<64x1xf32>
    %add3A_82 = arith.addf %mul3A_78, %mul3A_81 : vector<64x1xf32>
    %slice3A_83 = vector.extract_strided_slice %get3A_1 {offsets = [0, 8], sizes = [64, 1], strides = [1, 1]} : vector<64x9xf32> to vector<64x1xf32>
    %slice3A_84 = vector.extract_strided_slice %get3A_1 {offsets = [0, 5], sizes = [64, 1], strides = [1, 1]} : vector<64x9xf32> to vector<64x1xf32>
    %mul3A_85 = arith.mulf %slice3A_83, %slice3A_84 : vector<64x1xf32>
    %add3A_86 = arith.addf %add3A_82, %mul3A_85 : vector<64x1xf32>
    %slice3A_87 = vector.extract_strided_slice %get3A_1 {offsets = [0, 6], sizes = [64, 1], strides = [1, 1]} : vector<64x9xf32> to vector<64x1xf32>
    %slice3A_88 = vector.extract_strided_slice %get3A_1 {offsets = [0, 6], sizes = [64, 1], strides = [1, 1]} : vector<64x9xf32> to vector<64x1xf32>
    %mul3A_89 = arith.mulf %slice3A_87, %slice3A_88 : vector<64x1xf32>
    %slice3A_90 = vector.extract_strided_slice %get3A_1 {offsets = [0, 7], sizes = [64, 1], strides = [1, 1]} : vector<64x9xf32> to vector<64x1xf32>
    %slice3A_91 = vector.extract_strided_slice %get3A_1 {offsets = [0, 7], sizes = [64, 1], strides = [1, 1]} : vector<64x9xf32> to vector<64x1xf32>
    %mul3A_92 = arith.mulf %slice3A_90, %slice3A_91 : vector<64x1xf32>
    %add3A_93 = arith.addf %mul3A_89, %mul3A_92 : vector<64x1xf32>
    %slice3A_94 = vector.extract_strided_slice %get3A_1 {offsets = [0, 8], sizes = [64, 1], strides = [1, 1]} : vector<64x9xf32> to vector<64x1xf32>
    %slice3A_95 = vector.extract_strided_slice %get3A_1 {offsets = [0, 8], sizes = [64, 1], strides = [1, 1]} : vector<64x9xf32> to vector<64x1xf32>
    %mul3A_96 = arith.mulf %slice3A_94, %slice3A_95 : vector<64x1xf32>
    %add3A_97 = arith.addf %add3A_93, %mul3A_96 : vector<64x1xf32>
    %concatenate3A = tpu.concatenate %add3A_9, %add3A_20, %add3A_31, %add3A_42, %add3A_53, %add3A_64, %add3A_75, %add3A_86, %add3A_97 in 1 : vector<64x1xf32>, vector<64x1xf32>, vector<64x1xf32>, vector<64x1xf32>, vector<64x1xf32>, vector<64x1xf32>, vector<64x1xf32>, vector<64x1xf32>, vector<64x1xf32> -> vector<64x9xf32>
    %get3A_98 = arith.constant 0 : index
    %get3A_99 = arith.constant 0 : index
    %get3A_100 = vector.load %arg6[%get3A_98, %get3A_99] : memref<9x128xf32, #tpu.memory_space<vmem>>, vector<9x128xf32>
    %dot_general3A = arith.constant dense<0.000000e+00> : vector<64x128xf32>
    %dot_general3A_101 = tpu.matmul %concatenate3A, %get3A_100, %dot_general3A {dimension_numbers = #tpu.dot_dimension_numbers<[1], [0], [0], [1], [0, 0, 1, 1], [], []>, transpose_lhs_hint = false} : vector<64x9xf32>, vector<9x128xf32>, vector<64x128xf32> -> vector<64x128xf32>
    %get3A_102 = arith.constant 0 : index
    %get3A_103 = arith.constant 0 : index
    %get3A_104 = vector.load %arg8[%get3A_102, %get3A_103] : memref<1x128xf32, #tpu.memory_space<vmem>>, vector<1x128xf32>
    %add3A_105 = vector.broadcast %get3A_104 : vector<1x128xf32> to vector<64x128xf32>
    %add3A_106 = arith.addf %dot_general3A_101, %add3A_105 : vector<64x128xf32>
    %get3A_107 = arith.constant 0 : index
    %get3A_108 = arith.constant 0 : index
    %get3A_109 = vector.load %arg3[%get3A_107, %get3A_108] : memref<2000x1xi32, #tpu.memory_space<vmem>>, vector<2000x1xi32>
    %iota3A = tpu.iota {dimensions = array<i32: 1>} : vector<1x64xi32>
    %eq3A = vector.broadcast %get3A_109 : vector<2000x1xi32> to vector<2000x64xi32>
    %eq3A_110 = vector.broadcast %iota3A : vector<1x64xi32> to vector<2000x64xi32>
    %eq3A_111 = arith.cmpi eq, %eq3A, %eq3A_110 : vector<2000x64xi32>
    %convert_element_type3A = arith.extui %eq3A_111 : vector<2000x64xi1> to vector<2000x64xi32>
    %convert_element_type3A_112 = arith.sitofp %convert_element_type3A : vector<2000x64xi32> to vector<2000x64xf32>
    %dot_general3A_113 = arith.constant dense<0.000000e+00> : vector<2000x128xf32>
    %dot_general3A_114 = tpu.matmul %convert_element_type3A_112, %add3A_106, %dot_general3A_113 {dimension_numbers = #tpu.dot_dimension_numbers<[1], [0], [0], [1], [0, 0, 1, 1], [], []>, transpose_lhs_hint = false} : vector<2000x64xf32>, vector<64x128xf32>, vector<2000x128xf32> -> vector<2000x128xf32>
    %get3A_115 = arith.constant 0 : index
    %get3A_116 = arith.constant 0 : index
    %get3A_117 = vector.load %arg2[%get3A_115, %get3A_116] : memref<2000x3xf32, #tpu.memory_space<vmem>>, vector<2000x3xf32>
    %get3A_118 = arith.constant 0 : index
    %get3A_119 = arith.constant 0 : index
    %get3A_120 = vector.load %arg5[%get3A_118, %get3A_119] : memref<3x96xf32, #tpu.memory_space<vmem>>, vector<3x96xf32>
    %dot_general3A_121 = arith.constant dense<0.000000e+00> : vector<2000x96xf32>
    %dot_general3A_122 = tpu.matmul %get3A_117, %get3A_120, %dot_general3A_121 {dimension_numbers = #tpu.dot_dimension_numbers<[1], [0], [0], [1], [0, 0, 1, 1], [], []>, transpose_lhs_hint = false} : vector<2000x3xf32>, vector<3x96xf32>, vector<2000x96xf32> -> vector<2000x96xf32>
    %round3A = math.roundeven %dot_general3A_122 : vector<2000x96xf32>
    %sub3A = arith.subf %dot_general3A_122, %round3A : vector<2000x96xf32>
    %mul3A_123 = arith.mulf %sub3A, %sub3A : vector<2000x96xf32>
    %mul3A_124 = arith.constant -12.3724947 : f32
    %mul3A_125 = vector.broadcast %mul3A_124 : f32 to vector<2000x96xf32>
    %mul3A_126 = arith.mulf %mul3A_125, %mul3A_123 : vector<2000x96xf32>
    %add3A_127 = arith.constant 41.269928 : f32
    %add3A_128 = vector.broadcast %add3A_127 : f32 to vector<2000x96xf32>
    %add3A_129 = arith.addf %mul3A_126, %add3A_128 : vector<2000x96xf32>
    %mul3A_130 = arith.mulf %add3A_129, %mul3A_123 : vector<2000x96xf32>
    %add3A_131 = arith.constant -76.5949249 : f32
    %add3A_132 = vector.broadcast %add3A_131 : f32 to vector<2000x96xf32>
    %add3A_133 = arith.addf %mul3A_130, %add3A_132 : vector<2000x96xf32>
    %mul3A_134 = arith.mulf %add3A_133, %mul3A_123 : vector<2000x96xf32>
    %add3A_135 = arith.constant 81.5976563 : f32
    %add3A_136 = vector.broadcast %add3A_135 : f32 to vector<2000x96xf32>
    %add3A_137 = arith.addf %mul3A_134, %add3A_136 : vector<2000x96xf32>
    %mul3A_138 = arith.mulf %add3A_137, %mul3A_123 : vector<2000x96xf32>
    %add3A_139 = arith.constant -41.3414803 : f32
    %add3A_140 = vector.broadcast %add3A_139 : f32 to vector<2000x96xf32>
    %add3A_141 = arith.addf %mul3A_138, %add3A_140 : vector<2000x96xf32>
    %mul3A_142 = arith.mulf %add3A_141, %mul3A_123 : vector<2000x96xf32>
    %add3A_143 = arith.constant 6.28318357 : f32
    %add3A_144 = vector.broadcast %add3A_143 : f32 to vector<2000x96xf32>
    %add3A_145 = arith.addf %mul3A_142, %add3A_144 : vector<2000x96xf32>
    %mul3A_146 = arith.mulf %sub3A, %add3A_145 : vector<2000x96xf32>
    %mul3A_147 = arith.constant 6.57561159 : f32
    %mul3A_148 = vector.broadcast %mul3A_147 : f32 to vector<2000x96xf32>
    %mul3A_149 = arith.mulf %mul3A_148, %mul3A_123 : vector<2000x96xf32>
    %add3A_150 = arith.constant -26.0005283 : f32
    %add3A_151 = vector.broadcast %add3A_150 : f32 to vector<2000x96xf32>
    %add3A_152 = arith.addf %mul3A_149, %add3A_151 : vector<2000x96xf32>
    %mul3A_153 = arith.mulf %add3A_152, %mul3A_123 : vector<2000x96xf32>
    %add3A_154 = arith.constant 60.1762314 : f32
    %add3A_155 = vector.broadcast %add3A_154 : f32 to vector<2000x96xf32>
    %add3A_156 = arith.addf %mul3A_153, %add3A_155 : vector<2000x96xf32>
    %mul3A_157 = arith.mulf %add3A_156, %mul3A_123 : vector<2000x96xf32>
    %add3A_158 = arith.constant -85.4511642 : f32
    %add3A_159 = vector.broadcast %add3A_158 : f32 to vector<2000x96xf32>
    %add3A_160 = arith.addf %mul3A_157, %add3A_159 : vector<2000x96xf32>
    %mul3A_161 = arith.mulf %add3A_160, %mul3A_123 : vector<2000x96xf32>
    %add3A_162 = arith.constant 64.9391708 : f32
    %add3A_163 = vector.broadcast %add3A_162 : f32 to vector<2000x96xf32>
    %add3A_164 = arith.addf %mul3A_161, %add3A_163 : vector<2000x96xf32>
    %mul3A_165 = arith.mulf %add3A_164, %mul3A_123 : vector<2000x96xf32>
    %add3A_166 = arith.constant -19.7392063 : f32
    %add3A_167 = vector.broadcast %add3A_166 : f32 to vector<2000x96xf32>
    %add3A_168 = arith.addf %mul3A_165, %add3A_167 : vector<2000x96xf32>
    %mul3A_169 = arith.mulf %add3A_168, %mul3A_123 : vector<2000x96xf32>
    %add3A_170 = arith.constant 1.000000e+00 : f32
    %add3A_171 = vector.broadcast %add3A_170 : f32 to vector<2000x96xf32>
    %add3A_172 = arith.addf %mul3A_169, %add3A_171 : vector<2000x96xf32>
    %concatenate3A_173 = tpu.concatenate %mul3A_146, %add3A_172 in 1 : vector<2000x96xf32>, vector<2000x96xf32> -> vector<2000x192xf32>
    %get3A_174 = arith.constant 0 : index
    %get3A_175 = arith.constant 0 : index
    %get3A_176 = vector.load %arg7[%get3A_174, %get3A_175] : memref<192x128xf32, #tpu.memory_space<vmem>>, vector<192x128xf32>
    %dot_general3A_177 = arith.constant dense<0.000000e+00> : vector<2000x128xf32>
    %dot_general3A_178 = tpu.matmul %concatenate3A_173, %get3A_176, %dot_general3A_177 {dimension_numbers = #tpu.dot_dimension_numbers<[1], [0], [0], [1], [0, 0, 1, 1], [], []>, transpose_lhs_hint = false} : vector<2000x192xf32>, vector<192x128xf32>, vector<2000x128xf32> -> vector<2000x128xf32>
    %get3A_179 = arith.constant 0 : index
    %get3A_180 = arith.constant 0 : index
    %get3A_181 = vector.load %arg1[%get3A_179, %get3A_180] : memref<2000x64xi32, #tpu.memory_space<vmem>>, vector<2000x64xi32>
    %shift_left3A = arith.constant 16 : i32
    %shift_left3A_182 = vector.broadcast %shift_left3A : i32 to vector<2000x64xi32>
    %shift_left3A_183 = arith.shli %get3A_181, %shift_left3A_182 : vector<2000x64xi32>
    %bitcast_convert_type3A = tpu.bitcast %shift_left3A_183 : vector<2000x64xi32> -> vector<2000x64xf32>
    %and3A = arith.constant -65536 : i32
    %and3A_184 = vector.broadcast %and3A : i32 to vector<2000x64xi32>
    %and3A_185 = arith.andi %get3A_181, %and3A_184 : vector<2000x64xi32>
    %bitcast_convert_type3A_186 = tpu.bitcast %and3A_185 : vector<2000x64xi32> -> vector<2000x64xf32>
    %concatenate3A_187 = tpu.concatenate %bitcast_convert_type3A, %bitcast_convert_type3A_186 in 1 : vector<2000x64xf32>, vector<2000x64xf32> -> vector<2000x128xf32>
    %add3A_188 = arith.addf %concatenate3A_187, %dot_general3A_114 : vector<2000x128xf32>
    %add3A_189 = arith.addf %add3A_188, %dot_general3A_178 : vector<2000x128xf32>
    %neg3A = arith.constant 0.000000e+00 : f32
    %neg3A_190 = vector.broadcast %neg3A : f32 to vector<2000x128xf32>
    %neg3A_191 = arith.subf %neg3A_190, %add3A_189 : vector<2000x128xf32>
    %exp3A = math.exp %neg3A_191 : vector<2000x128xf32>
    %add3A_192 = arith.constant 1.000000e+00 : f32
    %add3A_193 = vector.broadcast %add3A_192 : f32 to vector<2000x128xf32>
    %add3A_194 = arith.addf %add3A_193, %exp3A : vector<2000x128xf32>
    %div3A = arith.constant 1.000000e+00 : f32
    %div3A_195 = vector.broadcast %div3A : f32 to vector<2000x128xf32>
    %div3A_196 = arith.divf %div3A_195, %add3A_194 : vector<2000x128xf32>
    %mul3A_197 = arith.mulf %add3A_189, %div3A_196 : vector<2000x128xf32>
    %get3A_198 = arith.constant 0 : index
    %get3A_199 = arith.constant 0 : index
    %get3A_200 = vector.load %arg9[%get3A_198, %get3A_199] : memref<128x128xf32, #tpu.memory_space<vmem>>, vector<128x128xf32>
    %dot_general3A_201 = arith.constant dense<0.000000e+00> : vector<2000x128xf32>
    %dot_general3A_202 = tpu.matmul %mul3A_197, %get3A_200, %dot_general3A_201 {dimension_numbers = #tpu.dot_dimension_numbers<[1], [0], [0], [1], [0, 0, 1, 1], [], []>, transpose_lhs_hint = false} : vector<2000x128xf32>, vector<128x128xf32>, vector<2000x128xf32> -> vector<2000x128xf32>
    %get3A_203 = arith.constant 0 : index
    %get3A_204 = arith.constant 0 : index
    %get3A_205 = vector.load %arg10[%get3A_203, %get3A_204] : memref<1x128xf32, #tpu.memory_space<vmem>>, vector<1x128xf32>
    %add3A_206 = vector.broadcast %get3A_205 : vector<1x128xf32> to vector<2000x128xf32>
    %add3A_207 = arith.addf %dot_general3A_202, %add3A_206 : vector<2000x128xf32>
    %neg3A_208 = arith.constant 0.000000e+00 : f32
    %neg3A_209 = vector.broadcast %neg3A_208 : f32 to vector<2000x128xf32>
    %neg3A_210 = arith.subf %neg3A_209, %add3A_207 : vector<2000x128xf32>
    %exp3A_211 = math.exp %neg3A_210 : vector<2000x128xf32>
    %add3A_212 = arith.constant 1.000000e+00 : f32
    %add3A_213 = vector.broadcast %add3A_212 : f32 to vector<2000x128xf32>
    %add3A_214 = arith.addf %add3A_213, %exp3A_211 : vector<2000x128xf32>
    %div3A_215 = arith.constant 1.000000e+00 : f32
    %div3A_216 = vector.broadcast %div3A_215 : f32 to vector<2000x128xf32>
    %div3A_217 = arith.divf %div3A_216, %add3A_214 : vector<2000x128xf32>
    %mul3A_218 = arith.mulf %add3A_207, %div3A_217 : vector<2000x128xf32>
    %swap3A = arith.constant 0 : index
    %swap3A_219 = arith.constant 0 : index
    %swap3A_220 = vector.load %arg11[%swap3A, %swap3A_219] : memref<2000x128xf32, #tpu.memory_space<vmem>>, vector<2000x128xf32>
    tpu.vector_store %arg11[%swap3A, %swap3A_219], %mul3A_218 {strides = array<i32>} : memref<2000x128xf32, #tpu.memory_space<vmem>>, vector<2000x128xf32>,
    return
  }
  func.func @transform_0(%arg0: i32) -> (i32, i32) {
    %c0_i32 = arith.constant 0 : i32
    %c0_i32_0 = arith.constant 0 : i32
    return %arg0, %c0_i32 : i32, i32
  }
  func.func @transform_1(%arg0: i32) -> (i32, i32) {
    %c0_i32 = arith.constant 0 : i32
    %c0_i32_0 = arith.constant 0 : i32
    return %arg0, %c0_i32 : i32, i32
  }
  func.func @transform_2(%arg0: i32) -> (i32, i32) {
    %c0_i32 = arith.constant 0 : i32
    %c0_i32_0 = arith.constant 0 : i32
    return %arg0, %c0_i32 : i32, i32
  }
  func.func @transform_3(%arg0: i32) -> (i32, i32) {
    %c0_i32 = arith.constant 0 : i32
    %c0_i32_0 = arith.constant 0 : i32
    %c0_i32_1 = arith.constant 0 : i32
    return %c0_i32, %c0_i32_0 : i32, i32
  }
  func.func @transform_4(%arg0: i32) -> (i32, i32) {
    %c0_i32 = arith.constant 0 : i32
    %c0_i32_0 = arith.constant 0 : i32
    %c0_i32_1 = arith.constant 0 : i32
    return %c0_i32, %c0_i32_0 : i32, i32
  }
  func.func @transform_5(%arg0: i32) -> (i32, i32) {
    %c0_i32 = arith.constant 0 : i32
    %c0_i32_0 = arith.constant 0 : i32
    %c0_i32_1 = arith.constant 0 : i32
    return %c0_i32, %c0_i32_0 : i32, i32
  }
  func.func @transform_6(%arg0: i32) -> (i32, i32) {
    %c0_i32 = arith.constant 0 : i32
    %c0_i32_0 = arith.constant 0 : i32
    %c0_i32_1 = arith.constant 0 : i32
    return %c0_i32, %c0_i32_0 : i32, i32
  }
  func.func @transform_7(%arg0: i32) -> (i32, i32) {
    %c0_i32 = arith.constant 0 : i32
    %c0_i32_0 = arith.constant 0 : i32
    %c0_i32_1 = arith.constant 0 : i32
    return %c0_i32, %c0_i32_0 : i32, i32
  }
  func.func @transform_8(%arg0: i32) -> (i32, i32) {
    %c0_i32 = arith.constant 0 : i32
    %c0_i32_0 = arith.constant 0 : i32
    %c0_i32_1 = arith.constant 0 : i32
    return %c0_i32, %c0_i32_0 : i32, i32
  }
  func.func @transform_9(%arg0: i32) -> (i32, i32) {
    %c0_i32 = arith.constant 0 : i32
    %c0_i32_0 = arith.constant 0 : i32
    %c0_i32_1 = arith.constant 0 : i32
    return %c0_i32, %c0_i32_0 : i32, i32
  }
  func.func @transform_10(%arg0: i32) -> (i32, i32) {
    %c0_i32 = arith.constant 0 : i32
    %c0_i32_0 = arith.constant 0 : i32
    return %arg0, %c0_i32 : i32, i32
  }
}

module attributes {stable_mosaic.version = 14 : i64} {
  func.func @_node_body(%arg0: i32, %arg1: memref<1000x128xf32, #tpu.memory_space<vmem>>, %arg2: memref<1000x128xf32, #tpu.memory_space<vmem>>, %arg3: memref<2x1000x128xf32, #tpu.memory_space<vmem>>, %arg4: memref<2x1000x1xf32, #tpu.memory_space<vmem>>, %arg5: memref<256x128xf32, #tpu.memory_space<vmem>>, %arg6: memref<1x128xf32, #tpu.memory_space<vmem>>, %arg7: memref<128x128xf32, #tpu.memory_space<vmem>>, %arg8: memref<1x128xf32, #tpu.memory_space<vmem>>, %arg9: memref<1000x128xf32, #tpu.memory_space<vmem>>) attributes {dimension_semantics = [#tpu.dimension_semantics<arbitrary>], iteration_bounds = array<i64: 10>, scalar_prefetch = 0 : i64, scratch_operands = 0 : i64, tpu.core_type = #tpu.core_type<tc>, window_params = [{transform_indices = @transform_0, window_bounds = array<i64: 1000, 128>}, {transform_indices = @transform_1, window_bounds = array<i64: 1000, 128>}, {transform_indices = @transform_2, window_bounds = array<i64: 2, 1000, 128>}, {transform_indices = @transform_3, window_bounds = array<i64: 2, 1000, 1>}, {pipeline_mode = #tpu.pipeline_mode<synchronous>, transform_indices = @transform_4, window_bounds = array<i64: 256, 128>}, {pipeline_mode = #tpu.pipeline_mode<synchronous>, transform_indices = @transform_5, window_bounds = array<i64: 1, 128>}, {pipeline_mode = #tpu.pipeline_mode<synchronous>, transform_indices = @transform_6, window_bounds = array<i64: 128, 128>}, {pipeline_mode = #tpu.pipeline_mode<synchronous>, transform_indices = @transform_7, window_bounds = array<i64: 1, 128>}, {transform_indices = @transform_8, window_bounds = array<i64: 1000, 128>}]} {
    %get3A = arith.constant 0 : index
    %get3A_0 = arith.constant 0 : index
    %get3A_1 = arith.constant 0 : index
    %get3A_2 = vector.load %arg3[%get3A, %get3A_0, %get3A_1] : memref<2x1000x128xf32, #tpu.memory_space<vmem>>, vector<1x1000x128xf32>
    %get3A_3 = vector.shape_cast %get3A_2 : vector<1x1000x128xf32> to vector<1000x128xf32>
    %get3A_4 = arith.constant 1 : index
    %get3A_5 = arith.constant 0 : index
    %get3A_6 = arith.constant 0 : index
    %get3A_7 = vector.load %arg3[%get3A_4, %get3A_5, %get3A_6] : memref<2x1000x128xf32, #tpu.memory_space<vmem>>, vector<1x1000x128xf32>
    %get3A_8 = vector.shape_cast %get3A_7 : vector<1x1000x128xf32> to vector<1000x128xf32>
    %add3A = arith.addf %get3A_3, %get3A_8 : vector<1000x128xf32>
    %get3A_9 = arith.constant 0 : index
    %get3A_10 = arith.constant 0 : index
    %get3A_11 = arith.constant 0 : index
    %get3A_12 = vector.load %arg4[%get3A_9, %get3A_10, %get3A_11] : memref<2x1000x1xf32, #tpu.memory_space<vmem>>, vector<1x1000x1xf32>
    %get3A_13 = vector.shape_cast %get3A_12 : vector<1x1000x1xf32> to vector<1000x1xf32>
    %get3A_14 = arith.constant 1 : index
    %get3A_15 = arith.constant 0 : index
    %get3A_16 = arith.constant 0 : index
    %get3A_17 = vector.load %arg4[%get3A_14, %get3A_15, %get3A_16] : memref<2x1000x1xf32, #tpu.memory_space<vmem>>, vector<1x1000x1xf32>
    %get3A_18 = vector.shape_cast %get3A_17 : vector<1x1000x1xf32> to vector<1000x1xf32>
    %add3A_19 = arith.addf %get3A_13, %get3A_18 : vector<1000x1xf32>
    %max3A = arith.constant 1.000000e+00 : f32
    %max3A_20 = vector.broadcast %max3A : f32 to vector<1000x1xf32>
    %max3A_21 = arith.maximumf %add3A_19, %max3A_20 : vector<1000x1xf32>
    %div3A = vector.broadcast %max3A_21 : vector<1000x1xf32> to vector<1000x128xf32>
    %div3A_22 = arith.divf %add3A, %div3A : vector<1000x128xf32>
    %get3A_23 = arith.constant 0 : index
    %get3A_24 = arith.constant 0 : index
    %get3A_25 = vector.load %arg2[%get3A_23, %get3A_24] : memref<1000x128xf32, #tpu.memory_space<vmem>>, vector<1000x128xf32>
    %concatenate3A = tpu.concatenate %get3A_25, %div3A_22 in 1 : vector<1000x128xf32>, vector<1000x128xf32> -> vector<1000x256xf32>
    %get3A_26 = arith.constant 0 : index
    %get3A_27 = arith.constant 0 : index
    %get3A_28 = vector.load %arg5[%get3A_26, %get3A_27] : memref<256x128xf32, #tpu.memory_space<vmem>>, vector<256x128xf32>
    %dot_general3A = arith.constant dense<0.000000e+00> : vector<1000x128xf32>
    %dot_general3A_29 = tpu.matmul %concatenate3A, %get3A_28, %dot_general3A {dimension_numbers = #tpu.dot_dimension_numbers<[1], [0], [0], [1], [0, 0, 1, 1], [], []>, transpose_lhs_hint = false} : vector<1000x256xf32>, vector<256x128xf32>, vector<1000x128xf32> -> vector<1000x128xf32>
    %get3A_30 = arith.constant 0 : index
    %get3A_31 = arith.constant 0 : index
    %get3A_32 = vector.load %arg6[%get3A_30, %get3A_31] : memref<1x128xf32, #tpu.memory_space<vmem>>, vector<1x128xf32>
    %add3A_33 = vector.broadcast %get3A_32 : vector<1x128xf32> to vector<1000x128xf32>
    %add3A_34 = arith.addf %dot_general3A_29, %add3A_33 : vector<1000x128xf32>
    %neg3A = arith.constant 0.000000e+00 : f32
    %neg3A_35 = vector.broadcast %neg3A : f32 to vector<1000x128xf32>
    %neg3A_36 = arith.subf %neg3A_35, %add3A_34 : vector<1000x128xf32>
    %exp3A = math.exp %neg3A_36 : vector<1000x128xf32>
    %add3A_37 = arith.constant 1.000000e+00 : f32
    %add3A_38 = vector.broadcast %add3A_37 : f32 to vector<1000x128xf32>
    %add3A_39 = arith.addf %add3A_38, %exp3A : vector<1000x128xf32>
    %div3A_40 = arith.constant 1.000000e+00 : f32
    %div3A_41 = vector.broadcast %div3A_40 : f32 to vector<1000x128xf32>
    %div3A_42 = arith.divf %div3A_41, %add3A_39 : vector<1000x128xf32>
    %mul3A = arith.mulf %add3A_34, %div3A_42 : vector<1000x128xf32>
    %get3A_43 = arith.constant 0 : index
    %get3A_44 = arith.constant 0 : index
    %get3A_45 = vector.load %arg7[%get3A_43, %get3A_44] : memref<128x128xf32, #tpu.memory_space<vmem>>, vector<128x128xf32>
    %dot_general3A_46 = arith.constant dense<0.000000e+00> : vector<1000x128xf32>
    %dot_general3A_47 = tpu.matmul %mul3A, %get3A_45, %dot_general3A_46 {dimension_numbers = #tpu.dot_dimension_numbers<[1], [0], [0], [1], [0, 0, 1, 1], [], []>, transpose_lhs_hint = false} : vector<1000x128xf32>, vector<128x128xf32>, vector<1000x128xf32> -> vector<1000x128xf32>
    %get3A_48 = arith.constant 0 : index
    %get3A_49 = arith.constant 0 : index
    %get3A_50 = vector.load %arg8[%get3A_48, %get3A_49] : memref<1x128xf32, #tpu.memory_space<vmem>>, vector<1x128xf32>
    %add3A_51 = vector.broadcast %get3A_50 : vector<1x128xf32> to vector<1000x128xf32>
    %add3A_52 = arith.addf %dot_general3A_47, %add3A_51 : vector<1000x128xf32>
    %neg3A_53 = arith.constant 0.000000e+00 : f32
    %neg3A_54 = vector.broadcast %neg3A_53 : f32 to vector<1000x128xf32>
    %neg3A_55 = arith.subf %neg3A_54, %add3A_52 : vector<1000x128xf32>
    %exp3A_56 = math.exp %neg3A_55 : vector<1000x128xf32>
    %add3A_57 = arith.constant 1.000000e+00 : f32
    %add3A_58 = vector.broadcast %add3A_57 : f32 to vector<1000x128xf32>
    %add3A_59 = arith.addf %add3A_58, %exp3A_56 : vector<1000x128xf32>
    %div3A_60 = arith.constant 1.000000e+00 : f32
    %div3A_61 = vector.broadcast %div3A_60 : f32 to vector<1000x128xf32>
    %div3A_62 = arith.divf %div3A_61, %add3A_59 : vector<1000x128xf32>
    %mul3A_63 = arith.mulf %add3A_52, %div3A_62 : vector<1000x128xf32>
    %get3A_64 = arith.constant 0 : index
    %get3A_65 = arith.constant 0 : index
    %get3A_66 = vector.load %arg1[%get3A_64, %get3A_65] : memref<1000x128xf32, #tpu.memory_space<vmem>>, vector<1000x128xf32>
    %add3A_67 = arith.addf %get3A_66, %mul3A_63 : vector<1000x128xf32>
    %swap3A = arith.constant 0 : index
    %swap3A_68 = arith.constant 0 : index
    %swap3A_69 = vector.load %arg9[%swap3A, %swap3A_68] : memref<1000x128xf32, #tpu.memory_space<vmem>>, vector<1000x128xf32>
    tpu.vector_store %arg9[%swap3A, %swap3A_68], %add3A_67 {strides = array<i32>} : memref<1000x128xf32, #tpu.memory_space<vmem>>, vector<1000x128xf32>,
    return
  }
  func.func @transform_0(%arg0: i32) -> (i32, i32) {
    %c0_i32 = arith.constant 0 : i32
    %c0_i32_0 = arith.constant 0 : i32
    return %arg0, %c0_i32 : i32, i32
  }
  func.func @transform_1(%arg0: i32) -> (i32, i32) {
    %c0_i32 = arith.constant 0 : i32
    %c0_i32_0 = arith.constant 0 : i32
    return %arg0, %c0_i32 : i32, i32
  }
  func.func @transform_2(%arg0: i32) -> (i32, i32, i32) {
    %c0_i32 = arith.constant 0 : i32
    %c0_i32_0 = arith.constant 0 : i32
    %c0_i32_1 = arith.constant 0 : i32
    return %c0_i32, %arg0, %c0_i32_0 : i32, i32, i32
  }
  func.func @transform_3(%arg0: i32) -> (i32, i32, i32) {
    %c0_i32 = arith.constant 0 : i32
    %c0_i32_0 = arith.constant 0 : i32
    %c0_i32_1 = arith.constant 0 : i32
    return %c0_i32, %arg0, %c0_i32_0 : i32, i32, i32
  }
  func.func @transform_4(%arg0: i32) -> (i32, i32) {
    %c0_i32 = arith.constant 0 : i32
    %c0_i32_0 = arith.constant 0 : i32
    %c0_i32_1 = arith.constant 0 : i32
    return %c0_i32, %c0_i32_0 : i32, i32
  }
  func.func @transform_5(%arg0: i32) -> (i32, i32) {
    %c0_i32 = arith.constant 0 : i32
    %c0_i32_0 = arith.constant 0 : i32
    %c0_i32_1 = arith.constant 0 : i32
    return %c0_i32, %c0_i32_0 : i32, i32
  }
  func.func @transform_6(%arg0: i32) -> (i32, i32) {
    %c0_i32 = arith.constant 0 : i32
    %c0_i32_0 = arith.constant 0 : i32
    %c0_i32_1 = arith.constant 0 : i32
    return %c0_i32, %c0_i32_0 : i32, i32
  }
  func.func @transform_7(%arg0: i32) -> (i32, i32) {
    %c0_i32 = arith.constant 0 : i32
    %c0_i32_0 = arith.constant 0 : i32
    %c0_i32_1 = arith.constant 0 : i32
    return %c0_i32, %c0_i32_0 : i32, i32
  }
  func.func @transform_8(%arg0: i32) -> (i32, i32) {
    %c0_i32 = arith.constant 0 : i32
    %c0_i32_0 = arith.constant 0 : i32
    return %arg0, %c0_i32 : i32, i32
  }
}

</mosaic_0001>

<sc_bundles>
// kernel: kernel.10.cloned.1.call-start
scs
__scs_entry_jumppad:
0x0: {  	(pc) =	sbr.rel $0x88, $3  }
0x1: {  	(tag) =	ssettag $0x0;
	lr =	simm.s32 $0x1  }
0x2: {  	[smem:$0x3F92] =	sst lr;
	_ =	strace $0xD0000000  }
0x3: {  	_ = 	snop  }
0x4: {  	_ = 	snop  }
0x5: {  	_ = 	snop  }
0x6: {  	_ = 	snop  }
0x7: {  	_ = 	snop  }
__scs_overlays_trampoline_lowered:
0x8: {  	[smem:$0x3FA1] =	sst s0  }
0x9: {  	[smem:$0x3FA2] =	sst s1  }
0xa: {  	[smem:$0x3FA3] =	sst s2  }
0xb: {  	[smem:$0x3FA4] =	sst s3  }
0xc: {  	[smem:$0x3FA5] =	sst s4  }
0xd: {  	[smem:$0x3FA6] =	sst s5  }
0xe: {  	[smem:$0x3FA7] =	sst s6  }
0xf: {  	[smem:$0x3FA8] =	sst s7  }
0x10: {  	[smem:$0x3FA9] =	sst s8  }
0x11: {  	[smem:$0x3FAA] =	sst s9;
	s0 =	simm.s32 @!p0 $0x0  }
0x12: {  	s1 =	sld [smem:$0x3F90];
	s0 =	simm.s32 @p0 $0x1  }
0x13: {  	[smem:$0x3FAB] =	sst s0;
	s0 =	simm.s32 @!p1 $0x0  }
0x14: {  	s2 =	sld [smem:$0x3F8F];
	s0 =	simm.s32 @p1 $0x1  }
0x15: {  	[smem:$0x3FAC] =	sst s0;
	s0 =	simm.s32 @!p2 $0x0  }
0x16: {  	s3 =	sld [smem:$0x3FDB];
	s0 =	simm.s32 @p2 $0x1  }
0x17: {  	s4 =	simm.s32 $0x1BF5;
	[smem:$0x3FAE] =	sst s0  }
0x18: {  	s0 =	sld [smem:$0x3F91];
	_ =	swait.ge [sflag:s4], $0x0  }
0x19: {  	s7 =	sld [smem:$0x3F92]  }
0x1a: {  	s8 =	sadd.s32 $0xFFFFE003, lr  }
0x1b: {  	s9 =	sadd.s32 $0xFFFFFEF7, lr;
	s5 =	simm.s32 $0xFFFFFFFF;
	p2 =	slt.u32 s8, $0xFFFFF086  }
0x1c: {  	p1 =	slt.u32 s9, $0xF7A;
	s5 =	simm.s32 @!p2 $0x0  }
0x1d: {  	s5 =	simm.s32 @p1 $0x1;
	p0 =	seq.s32 s7, s2  }
0x1e: {  	s7 =	smul.u32 @!p0 $0xF7A, s2;
	p2 =	seq.s32 @!p0 s5, $0x0  }
0x1f: {  	s9 =	smul.u32 $0xF7A, s1;
	s8 =	simm.s32 @!p0 $0x1BF5;
	p2 =	por !p2, p0  }
0x20: {  	[sflag:s8] =	ssyncset.s32 @!p0 $0xFFFFF086;
	s6 =	sadd.s32 @!p0 s3, s7;
	s7 =	simm.s32 @!p0 $0x108  }
0x21: {  	s3 =	sadd.s32 s3, s9;
	s6 =	sadd.s32 @!p0 $0x88, s6;
	s7 =	simm.s32 @p2 $0x1082  }
0x22: {  	[simem:s7], [sflag:s8] =	dma.local @!p0 [hbm:s6], $0xF7A  }
0x23: {  	s9 =	sor.u32 $0xD0000000, s2;
	s6 =	simm.s32 $0x108;
	_ =	swait.ge @!p0 [sflag:s8], $0x0  }
0x24: {  	s3 =	sadd.s32 $0x88, s3;
	s6 =	simm.s32 @!p1 $0x1082;
	[sflag:s4] =	ssyncset.s32 $0xFFFFF086  }
0x25: {  	[simem:s6], [sflag:s4] =	dma.local [hbm:s3], $0xF7A  }
0x26: {  	[smem:$0x3F92] =	sst s1;
	(tag) =	ssettag s2;
	_ =	strace s9  }
0x27: {  	s1 =	sld [smem:$0x3FA2]  }
0x28: {  	s2 =	sld [smem:$0x3FA3]  }
0x29: {  	s4 =	sld [smem:$0x3FA5]  }
0x2a: {  	p0 =	seq.s32 s5, $0x0;
	s5 =	sld [smem:$0x3FA6]  }
0x2b: {  	s6 =	sld [smem:$0x3FA7]  }
0x2c: {  	s7 =	sld [smem:$0x3FA8]  }
0x2d: {  	s3 =	simm.s32 $0x108;
	s8 =	sld [smem:$0x3FA9]  }
0x2e: {  	s3 =	simm.s32 @!p0 $0x1082;
	s9 =	sld [smem:$0x3FAA]  }
0x2f: {  	lr =	sadd.s32 s0, s3;
	s0 =	sld [smem:$0x3FA1]  }
0x30: {  	s3 =	sld [smem:$0x3FA4]  }
0x31: {  	[smem:$0x3FAD] =	sst s10  }
0x32: {  	s10 =	sld [smem:$0x3FAB];
	_ =	sdelay $0x3  }
0x33: {  	p0 =	seq.s32 s10, $0x1;
	s10 =	sld [smem:$0x3FAD];
	_ =	sdelay $0x3  }
0x34: {  	[smem:$0x3FAD] =	sst s10  }
0x35: {  	s10 =	sld [smem:$0x3FAC];
	_ =	sdelay $0x3  }
0x36: {  	p1 =	seq.s32 s10, $0x1;
	s10 =	sld [smem:$0x3FAD];
	_ =	sdelay $0x3  }
0x37: {  	[smem:$0x3FAD] =	sst s10  }
0x38: {  	s10 =	sld [smem:$0x3FAE]  }
0x39: {  	_ = 	snop;
	(pc) =	sbr.ind lr, $3  }
0x3a: {  	_ = 	snop  }
0x3b: {  	_ = 	snop  }
0x3c: {  	p2 =	seq.s32 s10, $0x1;
	s10 =	sld [smem:$0x3FAD]  }
0x3d: {  	_ =	shalt  }
0x3e: {  	_ =	shalt  }
0x3f: {  	_ =	shalt  }
0x40: {  	_ =	shalt  }
0x41: {  	_ =	shalt  }
0x42: {  	_ =	shalt  }
0x43: {  	_ =	shalt  }
0x44: {  	_ =	shalt  }
0x45: {  	_ =	shalt  }
0x46: {  	_ =	shalt  }
0x47: {  	_ =	shalt  }
0x48: {  	_ =	shalt  }
0x49: {  	_ =	shalt  }
0x4a: {  	_ =	shalt  }
0x4b: {  	_ =	shalt  }
0x4c: {  	_ =	shalt  }
0x4d: {  	_ =	shalt  }
0x4e: {  	_ =	shalt  }
0x4f: {  	_ =	shalt  }
0x50: {  	_ =	shalt  }
0x51: {  	_ =	shalt  }
0x52: {  	_ =	shalt  }
0x53: {  	_ =	shalt  }
0x54: {  	_ =	shalt  }
0x55: {  	_ =	shalt  }
0x56: {  	_ =	shalt  }
0x57: {  	_ =	shalt  }
0x58: {  	_ =	shalt  }
0x59: {  	_ =	shalt  }
0x5a: {  	_ =	shalt  }
0x5b: {  	_ =	shalt  }
0x5c: {  	_ =	shalt  }
0x5d: {  	_ =	shalt  }
0x5e: {  	_ =	shalt  }
0x5f: {  	_ =	shalt  }
0x60: {  	_ =	shalt  }
0x61: {  	_ =	shalt  }
0x62: {  	_ =	shalt  }
0x63: {  	_ =	shalt  }
0x64: {  	_ =	shalt  }
0x65: {  	_ =	shalt  }
0x66: {  	_ =	shalt  }
0x67: {  	_ =	shalt  }
0x68: {  	_ =	shalt  }
0x69: {  	_ =	shalt  }
0x6a: {  	_ =	shalt  }
0x6b: {  	_ =	shalt  }
0x6c: {  	_ =	shalt  }
0x6d: {  	_ =	shalt  }
0x6e: {  	_ =	shalt  }
0x6f: {  	_ =	shalt  }
0x70: {  	_ =	shalt  }
0x71: {  	_ =	shalt  }
0x72: {  	_ =	shalt  }
0x73: {  	_ =	shalt  }
0x74: {  	_ =	shalt  }
0x75: {  	_ =	shalt  }
0x76: {  	_ =	shalt  }
0x77: {  	_ =	shalt  }
0x78: {  	_ =	shalt  }
0x79: {  	_ =	shalt  }
0x7a: {  	_ =	shalt  }
0x7b: {  	_ =	shalt  }
0x7c: {  	_ =	shalt  }
0x7d: {  	_ =	shalt  }
0x7e: {  	_ =	shalt  }
0x7f: {  	_ =	shalt  }
0x80: {  	_ =	shalt  }
0x81: {  	_ =	shalt  }
0x82: {  	_ =	shalt  }
0x83: {  	_ =	shalt  }
0x84: {  	_ =	shalt  }
0x85: {  	_ =	shalt  }
0x86: {  	_ =	shalt  }
0x87: {  	_ =	shalt  }
.Lfunc_end0:
.L_simem_size_0:
called_computation.1_lowered:
.L_overlay_start_0:
0x88: {  	s2 =	sld [smem:$0x3FD9]  }
0x89: {  	s3 =	sld [smem:$0x3FFE];
	_ =	sdelay $0x1  }
0x8a: {  	s1 =	srdreg.scid  }
0x8b: {  	s0 =	sand.u32 $0x1, s1  }
0x8c: {  	s16 =	sshll.u32 s0, $0xA;
	s2 =	sadd.s32 s3, s2  }
0x8d: {  	s2 =	sadd.s32 s2, s16  }
0x8e: {  	[smem:$0x3FB9] =	sst s2  }
0x8f: {  	_ = 	snop  }
0x90: {  	(tm) =	ssettm $0x1  }
0x91: {  	s17 =	sld [smem:$0x3FFB];
	_ =	sdelay $0x3  }
0x92: {  	_ =	strace s17  }
0x93: {  	s2 =	sld [smem:$0x3FFC];
	_ =	sdelay $0x3  }
0x94: {  	_ =	strace s2  }
0x95: {  	s2 =	sld [smem:$0x3FFD];
	_ =	sdelay $0x3  }
0x96: {  	_ =	strace s2  }
0x97: {  	_ =	strace $0x8FFFFFFF  }
0x98: {  	s18 =	sld [smem:$0x3FDB];
	_ =	sdelay $0x1  }
0x99: {  	s19 =	simm.s32 $_scs_section_size  }
0x9a: {  	s4 =	simm.s32 $_size__tile_overlayer_lowered;
	s5 =	simm.s32 $_tile_overlayer_lowered  }
0x9b: {  	s22 =	simm.s32 $0x1BFF;
	s21 =	sshll.u32 s5, $0x1;
	s2 =	sadd.s32 s19, s18  }
0x9c: {  	s6 =	simm.s32 $0x0;
	s20 =	sshll.u32 s4, $0x1;
	s4 =	sadd.s32 s21, s2  }
0x9d: {  	[timem:s6], [sflag:s22] =	dma.local [hbm:s4], s20  }
0x9e: {  	_ =	swait.ge [sflag:s22], s20  }
0x9f: {  	s3 =	ssub.s32 $0x0, s20;
	[sflag:s22] =	ssyncset.done $0x0  }
0xa0: {  	[sflag:s22] =	ssyncadd.s32 s3;
	_ =	sdelay $0x1  }
0xa1: {  	s23 =	simm.s32 $0x1B8B  }
0xa2: {  	_ =	swait.ge [sflag:s23], $0x1  }
0xa3: {  	[sflag:s23] =	ssyncset.done $0x0  }
0xa4: {  	s25 =	simm.s32 $0x1B8E;
	s24 =	sld [smem:$0x3FFE];
	[sflag:s23] =	ssyncadd.s32 $0xFFFFFFFF  }
0xa5: {  	s26 =	simm.s32 $execute0_lowered;
	[smem:$0x3FD2] =	sst s25  }
0xa6: {  	s4 =	sshll.u32 s26, $0x1;
	_ =	strace $0x80000049;
	[dreg:$0x1] =	wrdreg $0xFFFFFFFF  }
0xa7: {  	s28 =	simm.s32 $_size_execute0_lowered;
	s2 =	sadd.s32 s2, s4;
	[dreg:$0x0] =	wrdreg $0x0  }
0xa8: {  	s4 =	sshll.u32 s28, $0x1;
	[dreg:$0x2] =	wrdreg s2  }
0xa9: {  	[dreg:$0x3] =	wrdreg s4  }
0xaa: {  	[dreg:$0x4] =	wrdreg $0xC0  }
0xab: {  	_ =	task [dreg:s6], $0x5FFFF  }
0xac: {  	[dreg:$0x1] =	wrdreg $0xFFFFFFFF  }
0xad: {  	[dreg:$0x0] =	wrdreg $0x60  }
0xae: {  	[dreg:$0x2] =	wrdreg s24  }
0xaf: {  	[dreg:$0x3] =	wrdreg $0xB8800  }
0xb0: {  	[dreg:$0x4] =	wrdreg $0x1F8800  }
0xb1: {  	[dreg:$0x5] =	wrdreg $0x9  }
0xb2: {  	_ =	task.clear_ibuf [dreg:s6], $0x6FFFF;
	_ =	strace $0x90000049  }
0xb3: {  	s29 =	simm.s32 $0x9;
	_ =	strace $0x8000004B  }
0xb4: {  	_ =	swait.ge [sflag:s29], $0x1  }
0xb5: {  	[sflag:s29] =	ssyncadd.s32 $0xFFFFFFFF  }
0xb6: {  	_ =	strace $0x9000004B  }
0xb7: {  	_ =	sfence  }
0xb8: {  	s30 =	sld [smem:$0x0];
	_ =	sdelay $0x2  }
0xb9: {  	s31 =	sshll.u32 s1, $0xD;
	s1 =	sshrl.u32 s1, $0x2  }
0xba: {  	s3 =	sand.u32 $0x4000, s31;
	s1 =	sadd.s32 s1, s30  }
0xbb: {  	s0 =	sor.u32 s3, s0;
	s1 =	sshll.u32 s1, $0x11  }
0xbc: {  	s0 =	sor.u32 s1, s0  }
0xbd: {  	s0 =	sadd.s32 $0x8F2B, s0  }
0xbe: {  	[sflag:s0] =	ssyncadd.remote.s32 $0x1  }
0xbf: {  	_ =	sfence.sel $0xFFFF  }
0xc0: {  	[dreg:$0x0] =	wrdreg $0xFFFFFFFF;
	(pc) =	sbr.abs _section_cstart, $3  }
0xc1: {  	[dreg:$0x1] =	wrdreg $0xFFFFFFFF  }
0xc2: {  	_ =	task.clear_ibuf [dreg:s6], $0x2FFFF;
	_ =	strace $0x9FFFFFFF  }
0xc3: {  	(tm) =	ssettm $0x7FFFFFFF  }
tec
execute0_lowered:
.L_overlay_start_1:
0x0: {  	(tag) =	ssettag $0x1  }
0x1: {  	s6 =	rddreg [dreg:$0x0]  }
0x2: {  	s1 =	rddreg [dreg:$0x1]  }
0x3: {  	s2 =	rddreg [dreg:$0x2]  }
0x4: {  	s0 =	rddreg [dreg:$0x3];
	s4 =	srdreg.scid  }
0x5: {  	s14 =	stileid.u32;
	s3 =	simm.s32 $0x0;
	s19 =	simm.s32 $0x4000  }
0x6: {  	s20 =	simm.s32 $0x1;
	s21 =	simm.s32 $0x6800;
	s22 =	simm.s32 $0x50  }
0x7: {  	s8 =	sand.u32 $0x1, s4;
	s23 =	sshll.u32 s14, $0x1;
	s9 =	smul.u32 $0x14000, s14  }
0x8: {  	[smem:$0x7FF] =	sst s3;
	s12 =	sadd.s32 $0xF17200, s6;
	s16 =	smul.u32 $0x50000, s14  }
0x9: {  	s5 =	sadd.s32 $0x12E00, s6;
	s30 =	sshll.u32 s14, $0x6;
	s18 =	smul.u32 $0x4E200, s14  }
0xa: {  	p0 =	sne.s32 s14, $0x0;
	s7 =	sor.u32 s8, s23;
	s11 =	smul.u32 $0x140000, s8  }
0xb: {  	_ =	strace $0x8000004A;
	s25 =	smul.u32 $0x500, s8;
	s15 =	ssub.s32 $0x2, s8  }
0xc: {  	s31 =	smul.u32 $0x27100, s8;
	s23 =	simm.s32 $0x2;
	s4 =	sshll.u32 s7, $0xB  }
0xd: {  	s24 =	sshrl.u32 s9, $0x3;
	s26 =	sshrl.u32 s15, $0x1;
	s28 =	sshrl.u32 s16, $0x2  }
0xe: {  	s29 =	smul.u32 $0x27100, s7;
	s7 =	sor.u32 $0x1C03, s30;
	s10 =	sadd.s32 s4, s6  }
0xf: {  	s13 =	sadd.s32 s24, s6;
	s4 =	sadd.s32 $0x3B000, s6;
	s9 =	sadd.s32 s9, s11  }
0x10: {  	s11 =	sadd.s32 s25, s6;
	s15 =	ssub.s32 s15, s26;
	s16 =	sadd.s32 s28, s1  }
0x11: {  	s24 =	simm.s32 $0x3E00;
	s25 =	simm.s32 $0x0;
	s9 =	sshrl.u32 s9, $0x3  }
0x12: {  	s8 =	sadd.s32 $0x2E00, s10;
	s11 =	sadd.s32 $0x3B600, s11;
	s14 =	sshrl.u32 s16, $0x3  }
0x13: {  	s16 =	simm.s32 $0x9000;
	s17 =	sadd.s32 s9, s6;
	s6 =	sadd.s32 $0x13000, s13  }
0x14: {  	s9 =	sadd.s32 s12, s29;
	s12 =	sadd.s32 s18, s12;
	s18 =	sshrl.u32 @!p0 s2, $0x3  }
0x15: {  	s10 =	sadd.s32 $0x3C000, s17;
	s13 =	sadd.s32 s31, s12;
	s12 =	smax.u32 s15, $0x1  }
0x16: {  	v0 =	vimm.f32 $1.000000000e+00;
	s15 =	simm.s32 $0x3;
	s17 =	simm.s32 $0xB800;
	s13 =	sadd.s32 $0x500, s13  }
.LBB2_1:
0x17: {  	[spmem:s14], [sflag:s7] =	dma.local [hbm:s6], $0x2800  }
0x18: {  	_ =	swait.ge [sflag:s15], $0x2800  }
0x19: {  	[sflag:s15] =	ssyncset.done $0x0  }
0x1a: {  	[sflag:s15] =	ssyncadd.s32 $0xFFFFD800  }
0x1b: {  	[tilespmem:s16], [sflag:$0x3] =	stream.linear.gather [hbm4b:s4+s3], $0x2800, $0x38;
	[tilespmem:$0x1FB00] =	vst v63  }
0x1c: {  	_ =	swait.ge [sflag:s15], $0x2800  }
0x1d: {  	[sflag:s15] =	ssyncset.done $0x0  }
0x1e: {  	[sflag:s15] =	ssyncadd.s32 $0xFFFFD800  }
0x1f: {  	[tilespmem:s17], [sflag:$0x3] =	stream.linear.gather [hbm4b:s5+s3], $0x80, $0x38;
	[tilespmem:$0x1FB00] =	vst v63  }
0x20: {  	_ =	swait.ge [sflag:s15], $0x80  }
0x21: {  	[sflag:s15] =	ssyncset.done $0x0  }
0x22: {  	s26 =	simm.s32 @!p0 $0x3;
	[sflag:s15] =	ssyncadd.s32 $0xFFFFFF80  }
0x23: {  	[spmem:s18], [sflag:s7] =	dma.local @!p0 [hbm:s4], $0x500  }
0x24: {  	_ =	swait.ge @!p0 [sflag:s26], $0x500  }
0x25: {  	[sflag:s26] =	ssyncset.done @!p0 $0x0  }
0x26: {  	[sflag:s26] =	ssyncadd.s32 @!p0 $0xFFFFFB00  }
0x27: {  	[tilespmem:s3], [sflag:$0x3] =	stream.linear.gather [hbm4b:s8+s3], $0x3E80, $0x38;
	[tilespmem:$0x1FB00] =	vst v63  }
0x28: {  	_ =	swait.ge [sflag:s15], $0x3E80  }
0x29: {  	[sflag:s15] =	ssyncset.done $0x0  }
0x2a: {  	[sflag:s15] =	ssyncadd.s32 $0xFFFFC180  }
0x2b: {  	s28 =	smov.u32 s13;
	s26 =	simm.s32 $0x0;
	[bflag:$0x0] =	sbarrier.arrive $0xFFFF  }
0x2c: {  	[tilespmem:s19], [sflag:$0x1] =	stream.linear.gather [hbm4b:s9+s3], $0x2800, $0x38;
	[tilespmem:$0x1FB00] =	vst v63  }
.LBB2_2:
0x2d: {  	_ =	swait.ge [sflag:s20], $0x2800  }
0x2e: {  	[sflag:s20] =	ssyncset.done $0x0  }
0x2f: {  	[sflag:s20] =	ssyncadd.s32 $0xFFFFD800  }
0x30: {  	[tilespmem:s21], [sflag:$0x2] =	stream.linear.gather [hbm4b:s28+s3], $0x2800, $0x38;
	[tilespmem:$0x1FB00] =	vst v63  }
0x31: {  	s29 =	sshra.s32 s26, $0x2  }
0x32: {  	[spmem:s1] =	stream.indirect.scatter.add.f32 [tilespmem:s19], [sflag:$0x3], $0x80, s29, s22, $0xb8;
	[tilespmem:$0x1FB00] =	vst v63  }
0x33: {  	_ =	swait.ge [sflag:s15], $0x2800  }
0x34: {  	[sflag:s15] =	ssyncset.done $0x0  }
0x35: {  	[sflag:s15] =	ssyncadd.s32 $0xFFFFD800  }
0x36: {  	v1 =	vld [tilespmem:s29+$0x0];
	_ =	sdelay $0x7  }
0x37: {  	[tilespmem:v1+s16+$0x0] =	vst.idx.add.f32.msk $0xffff, v0  }
0x38: {  	v1 =	vld [tilespmem:s29+$0x10];
	_ =	sdelay $0x7  }
0x39: {  	[tilespmem:v1+s16+$0x0] =	vst.idx.add.f32.msk $0xffff, v0  }
0x3a: {  	v1 =	vld [tilespmem:s29+$0x20];
	_ =	sdelay $0x7  }
0x3b: {  	[tilespmem:v1+s16+$0x0] =	vst.idx.add.f32.msk $0xffff, v0  }
0x3c: {  	v1 =	vld [tilespmem:s29+$0x30];
	_ =	sdelay $0x7  }
0x3d: {  	[tilespmem:v1+s16+$0x0] =	vst.idx.add.f32.msk $0xffff, v0  }
0x3e: {  	v1 =	vld [tilespmem:s29+$0x40];
	_ =	sdelay $0x7  }
0x3f: {  	[tilespmem:v1+s16+$0x0] =	vst.idx.add.f32.msk $0xffff, v0  }
0x40: {  	_ =	swait.ge [sflag:s23], $0x2800  }
0x41: {  	[sflag:s23] =	ssyncset.done $0x0  }
0x42: {  	s30 =	sadd.s32 $0x500, s28;
	[sflag:s23] =	ssyncadd.s32 $0xFFFFD800  }
0x43: {  	[tilespmem:s19], [sflag:$0x1] =	stream.linear.gather [hbm4b:s30+s3], $0x2800, $0x38;
	[tilespmem:$0x1FB00] =	vst v63  }
0x44: {  	s31 =	sadd.s32 $0x80, s29  }
0x45: {  	[spmem:s1] =	stream.indirect.scatter.add.f32 [tilespmem:s21], [sflag:$0x3], $0x80, s31, s22, $0xb8;
	[tilespmem:$0x1FB00] =	vst v63  }
0x46: {  	_ =	swait.ge [sflag:s15], $0x2800  }
0x47: {  	[sflag:s15] =	ssyncset.done $0x0  }
0x48: {  	[sflag:s15] =	ssyncadd.s32 $0xFFFFD800  }
0x49: {  	v1 =	vld [tilespmem:s29+$0x80];
	_ =	sdelay $0x7  }
0x4a: {  	[tilespmem:v1+s16+$0x0] =	vst.idx.add.f32.msk $0xffff, v0  }
0x4b: {  	v1 =	vld [tilespmem:s29+$0x90];
	_ =	sdelay $0x7  }
0x4c: {  	[tilespmem:v1+s16+$0x0] =	vst.idx.add.f32.msk $0xffff, v0  }
0x4d: {  	v1 =	vld [tilespmem:s29+$0xA0];
	_ =	sdelay $0x7  }
0x4e: {  	[tilespmem:v1+s16+$0x0] =	vst.idx.add.f32.msk $0xffff, v0  }
0x4f: {  	v1 =	vld [tilespmem:s29+$0xB0];
	_ =	sdelay $0x7  }
0x50: {  	[tilespmem:v1+s16+$0x0] =	vst.idx.add.f32.msk $0xffff, v0  }
0x51: {  	v1 =	vld [tilespmem:s29+$0xC0];
	_ =	sdelay $0x2  }
0x52: {  	p1 =	sne.s32 s26, $0xF400  }
.Ltmp0:
0x53: {  	_ = 	snop;
	(pc) =	sbr.rel @p1 .LBB2_2-.Ltmp0, $2  }
0x54: {  	_ =	sdelay $0x2  }
0x55: {  	s26 =	sadd.s32 $0x400, s26;
	s28 =	sadd.s32 $0xA00, s28;
	[tilespmem:v1+s16+$0x0] =	vst.idx.add.f32.msk $0xffff, v0  }
0x56: {  	_ =	swait.ge [sflag:s20], $0x2800  }
0x57: {  	[sflag:s20] =	ssyncset.done $0x0  }
0x58: {  	[sflag:s20] =	ssyncadd.s32 $0xFFFFD800  }
0x59: {  	[spmem:s1] =	stream.indirect.scatter.add.f32 [tilespmem:s19], [sflag:$0x3], $0x80, s24, s22, $0xb8;
	[tilespmem:$0x1FB00] =	vst v63  }
0x5a: {  	_ =	swait.ge [sflag:s15], $0x2800  }
0x5b: {  	[sflag:s15] =	ssyncset.done $0x0  }
0x5c: {  	[sflag:s15] =	ssyncadd.s32 $0xFFFFD800  }
0x5d: {  	v1 =	vld [tilespmem:$0x3E00];
	_ =	sdelay $0x7  }
0x5e: {  	[tilespmem:v1+s16+$0x0] =	vst.idx.add.f32.msk $0xffff, v0  }
0x5f: {  	v1 =	vld [tilespmem:$0x3E10];
	_ =	sdelay $0x7  }
0x60: {  	[tilespmem:v1+s16+$0x0] =	vst.idx.add.f32.msk $0xffff, v0  }
0x61: {  	v1 =	vld [tilespmem:$0x3E20];
	_ =	sdelay $0x7  }
0x62: {  	[tilespmem:v1+s16+$0x0] =	vst.idx.add.f32.msk $0xffff, v0  }
0x63: {  	v1 =	vld [tilespmem:$0x3E30];
	_ =	sdelay $0x7  }
0x64: {  	[tilespmem:v1+s16+$0x0] =	vst.idx.add.f32.msk $0xffff, v0  }
0x65: {  	v1 =	vld [tilespmem:$0x3E40];
	_ =	sdelay $0x7  }
0x66: {  	[tilespmem:v1+s16+$0x0] =	vst.idx.add.f32.msk $0xffff, v0  }
0x67: {  	[spmem:s2] =	stream.indirect.scatter.add.f32 [tilespmem:s16], [sflag:$0x3], $0x80, s17, s22, $0xb8;
	[tilespmem:$0x1FB00] =	vst v63  }
0x68: {  	_ =	swait.ge [sflag:s15], $0x2800  }
0x69: {  	[sflag:s15] =	ssyncset.done $0x0  }
0x6a: {  	[sflag:s15] =	ssyncadd.s32 $0xFFFFD800  }
0x6b: {  	[bflag:$0x0] =	sbarrier.arrive $0xFFFF  }
0x6c: {  	[hbm:s10], [sflag:s7] =	dma.local [spmem:s14], $0x2800  }
0x6d: {  	s25 =	sadd.s32 $0x1, s25;
	_ =	swait.ge [sflag:s15], $0x2800  }
0x6e: {  	p1 =	sne.s32 s25, s12;
	[sflag:s15] =	ssyncset.done $0x0  }
.Ltmp1:
0x6f: {  	s26 =	simm.s32 @!p0 $0x3;
	[sflag:s15] =	ssyncadd.s32 $0xFFFFD800;
	(pc) =	sbr.rel @p1 .LBB2_1-.Ltmp1, $4  }
0x70: {  	[hbm:s11], [sflag:s7] =	dma.local @!p0 [spmem:s18], $0x500  }
0x71: {  	_ =	swait.ge @!p0 [sflag:s26], $0x500  }
0x72: {  	[sflag:s26] =	ssyncset.done @!p0 $0x0  }
0x73: {  	[sflag:s26] =	ssyncadd.s32 @!p0 $0xFFFFFB00  }
0x74: {  	_ =	sfence.sel $0x180000  }
0x75: {  	[bflag:$0x0] =	sbarrier.arrive $0xFFFF  }
0x76: {  	_ =	strace $0x9000004A  }
0x77: {  	s0 =	sadd.s32 @!p0 $0x100000, s0;
	[bflag:$0x2] =	sbarrier.arrive $0xFFFF  }
0x78: {  	[sflag:s0] =	ssyncadd.tile.s32 @!p0 $0x1;
	_ =	shalt  }
.Lfunc_end2:
_tile_overlayer_lowered:
.L_overlay_start_2:
0x79: {  	(tag) =	ssettag $0x2  }
0x7a: {  	s0 =	rddreg [dreg:$0x0];
	s2 =	stileid.u32  }
0x7b: {  	s1 =	rddreg [dreg:$0x1];
	p0 =	sne.s32 s2, $0x0  }
0x7c: {  	s3 =	rddreg [dreg:$0x2];
	[bflag:$0x3] =	sbarrier.arrive $0xFFFF;
	s2 =	simm.s32 @!p0 $0x1C03  }
0x7d: {  	[timem:s3], [sflag:s2] =	dma.local @!p0 [hbm:s0], s1  }
0x7e: {  	s0 =	simm.s32 @!p0 $0x3  }
0x7f: {  	_ =	swait.ge @!p0 [sflag:s0], s1  }
0x80: {  	s1 =	ssub.s32 @!p0 $0x0, s1;
	[sflag:s0] =	ssyncset.done @!p0 $0x0  }
0x81: {  	[sflag:s0] =	ssyncadd.s32 @!p0 s1  }
0x82: {  	[bflag:$0x3] =	sbarrier.arrive $0xFFFF  }
0x83: {  	_ =	shalt  }

// kernel: kernel.7.cloned.1.call-start
scs
__scs_entry_jumppad:
0x0: {  	(pc) =	sbr.rel $0x88, $3  }
0x1: {  	(tag) =	ssettag $0x0;
	lr =	simm.s32 $0x1  }
0x2: {  	[smem:$0x3F92] =	sst lr;
	_ =	strace $0xD0000000  }
0x3: {  	_ = 	snop  }
0x4: {  	_ = 	snop  }
0x5: {  	_ = 	snop  }
0x6: {  	_ = 	snop  }
0x7: {  	_ = 	snop  }
__scs_overlays_trampoline_lowered:
0x8: {  	[smem:$0x3FA1] =	sst s0  }
0x9: {  	[smem:$0x3FA2] =	sst s1  }
0xa: {  	[smem:$0x3FA3] =	sst s2  }
0xb: {  	[smem:$0x3FA4] =	sst s3  }
0xc: {  	[smem:$0x3FA5] =	sst s4  }
0xd: {  	[smem:$0x3FA6] =	sst s5  }
0xe: {  	[smem:$0x3FA7] =	sst s6  }
0xf: {  	[smem:$0x3FA8] =	sst s7  }
0x10: {  	[smem:$0x3FA9] =	sst s8  }
0x11: {  	[smem:$0x3FAA] =	sst s9;
	s0 =	simm.s32 @!p0 $0x0  }
0x12: {  	s1 =	sld [smem:$0x3F90];
	s0 =	simm.s32 @p0 $0x1  }
0x13: {  	[smem:$0x3FAB] =	sst s0;
	s0 =	simm.s32 @!p1 $0x0  }
0x14: {  	s2 =	sld [smem:$0x3F8F];
	s0 =	simm.s32 @p1 $0x1  }
0x15: {  	[smem:$0x3FAC] =	sst s0;
	s0 =	simm.s32 @!p2 $0x0  }
0x16: {  	s3 =	sld [smem:$0x3FDB];
	s0 =	simm.s32 @p2 $0x1  }
0x17: {  	s4 =	simm.s32 $0x1BF5;
	[smem:$0x3FAE] =	sst s0  }
0x18: {  	s0 =	sld [smem:$0x3F91];
	_ =	swait.ge [sflag:s4], $0x0  }
0x19: {  	s7 =	sld [smem:$0x3F92]  }
0x1a: {  	s8 =	sadd.s32 $0xFFFFE003, lr  }
0x1b: {  	s9 =	sadd.s32 $0xFFFFFEF7, lr;
	s5 =	simm.s32 $0xFFFFFFFF;
	p2 =	slt.u32 s8, $0xFFFFF086  }
0x1c: {  	p1 =	slt.u32 s9, $0xF7A;
	s5 =	simm.s32 @!p2 $0x0  }
0x1d: {  	s5 =	simm.s32 @p1 $0x1;
	p0 =	seq.s32 s7, s2  }
0x1e: {  	s7 =	smul.u32 @!p0 $0xF7A, s2;
	p2 =	seq.s32 @!p0 s5, $0x0  }
0x1f: {  	s9 =	smul.u32 $0xF7A, s1;
	s8 =	simm.s32 @!p0 $0x1BF5;
	p2 =	por !p2, p0  }
0x20: {  	[sflag:s8] =	ssyncset.s32 @!p0 $0xFFFFF086;
	s6 =	sadd.s32 @!p0 s3, s7;
	s7 =	simm.s32 @!p0 $0x108  }
0x21: {  	s3 =	sadd.s32 s3, s9;
	s6 =	sadd.s32 @!p0 $0x88, s6;
	s7 =	simm.s32 @p2 $0x1082  }
0x22: {  	[simem:s7], [sflag:s8] =	dma.local @!p0 [hbm:s6], $0xF7A  }
0x23: {  	s9 =	sor.u32 $0xD0000000, s2;
	s6 =	simm.s32 $0x108;
	_ =	swait.ge @!p0 [sflag:s8], $0x0  }
0x24: {  	s3 =	sadd.s32 $0x88, s3;
	s6 =	simm.s32 @!p1 $0x1082;
	[sflag:s4] =	ssyncset.s32 $0xFFFFF086  }
0x25: {  	[simem:s6], [sflag:s4] =	dma.local [hbm:s3], $0xF7A  }
0x26: {  	[smem:$0x3F92] =	sst s1;
	(tag) =	ssettag s2;
	_ =	strace s9  }
0x27: {  	s1 =	sld [smem:$0x3FA2]  }
0x28: {  	s2 =	sld [smem:$0x3FA3]  }
0x29: {  	s4 =	sld [smem:$0x3FA5]  }
0x2a: {  	p0 =	seq.s32 s5, $0x0;
	s5 =	sld [smem:$0x3FA6]  }
0x2b: {  	s6 =	sld [smem:$0x3FA7]  }
0x2c: {  	s7 =	sld [smem:$0x3FA8]  }
0x2d: {  	s3 =	simm.s32 $0x108;
	s8 =	sld [smem:$0x3FA9]  }
0x2e: {  	s3 =	simm.s32 @!p0 $0x1082;
	s9 =	sld [smem:$0x3FAA]  }
0x2f: {  	lr =	sadd.s32 s0, s3;
	s0 =	sld [smem:$0x3FA1]  }
0x30: {  	s3 =	sld [smem:$0x3FA4]  }
0x31: {  	[smem:$0x3FAD] =	sst s10  }
0x32: {  	s10 =	sld [smem:$0x3FAB];
	_ =	sdelay $0x3  }
0x33: {  	p0 =	seq.s32 s10, $0x1;
	s10 =	sld [smem:$0x3FAD];
	_ =	sdelay $0x3  }
0x34: {  	[smem:$0x3FAD] =	sst s10  }
0x35: {  	s10 =	sld [smem:$0x3FAC];
	_ =	sdelay $0x3  }
0x36: {  	p1 =	seq.s32 s10, $0x1;
	s10 =	sld [smem:$0x3FAD];
	_ =	sdelay $0x3  }
0x37: {  	[smem:$0x3FAD] =	sst s10  }
0x38: {  	s10 =	sld [smem:$0x3FAE]  }
0x39: {  	_ = 	snop;
	(pc) =	sbr.ind lr, $3  }
0x3a: {  	_ = 	snop  }
0x3b: {  	_ = 	snop  }
0x3c: {  	p2 =	seq.s32 s10, $0x1;
	s10 =	sld [smem:$0x3FAD]  }
0x3d: {  	_ =	shalt  }
0x3e: {  	_ =	shalt  }
0x3f: {  	_ =	shalt  }
0x40: {  	_ =	shalt  }
0x41: {  	_ =	shalt  }
0x42: {  	_ =	shalt  }
0x43: {  	_ =	shalt  }
0x44: {  	_ =	shalt  }
0x45: {  	_ =	shalt  }
0x46: {  	_ =	shalt  }
0x47: {  	_ =	shalt  }
0x48: {  	_ =	shalt  }
0x49: {  	_ =	shalt  }
0x4a: {  	_ =	shalt  }
0x4b: {  	_ =	shalt  }
0x4c: {  	_ =	shalt  }
0x4d: {  	_ =	shalt  }
0x4e: {  	_ =	shalt  }
0x4f: {  	_ =	shalt  }
0x50: {  	_ =	shalt  }
0x51: {  	_ =	shalt  }
0x52: {  	_ =	shalt  }
0x53: {  	_ =	shalt  }
0x54: {  	_ =	shalt  }
0x55: {  	_ =	shalt  }
0x56: {  	_ =	shalt  }
0x57: {  	_ =	shalt  }
0x58: {  	_ =	shalt  }
0x59: {  	_ =	shalt  }
0x5a: {  	_ =	shalt  }
0x5b: {  	_ =	shalt  }
0x5c: {  	_ =	shalt  }
0x5d: {  	_ =	shalt  }
0x5e: {  	_ =	shalt  }
0x5f: {  	_ =	shalt  }
0x60: {  	_ =	shalt  }
0x61: {  	_ =	shalt  }
0x62: {  	_ =	shalt  }
0x63: {  	_ =	shalt  }
0x64: {  	_ =	shalt  }
0x65: {  	_ =	shalt  }
0x66: {  	_ =	shalt  }
0x67: {  	_ =	shalt  }
0x68: {  	_ =	shalt  }
0x69: {  	_ =	shalt  }
0x6a: {  	_ =	shalt  }
0x6b: {  	_ =	shalt  }
0x6c: {  	_ =	shalt  }
0x6d: {  	_ =	shalt  }
0x6e: {  	_ =	shalt  }
0x6f: {  	_ =	shalt  }
0x70: {  	_ =	shalt  }
0x71: {  	_ =	shalt  }
0x72: {  	_ =	shalt  }
0x73: {  	_ =	shalt  }
0x74: {  	_ =	shalt  }
0x75: {  	_ =	shalt  }
0x76: {  	_ =	shalt  }
0x77: {  	_ =	shalt  }
0x78: {  	_ =	shalt  }
0x79: {  	_ =	shalt  }
0x7a: {  	_ =	shalt  }
0x7b: {  	_ =	shalt  }
0x7c: {  	_ =	shalt  }
0x7d: {  	_ =	shalt  }
0x7e: {  	_ =	shalt  }
0x7f: {  	_ =	shalt  }
0x80: {  	_ =	shalt  }
0x81: {  	_ =	shalt  }
0x82: {  	_ =	shalt  }
0x83: {  	_ =	shalt  }
0x84: {  	_ =	shalt  }
0x85: {  	_ =	shalt  }
0x86: {  	_ =	shalt  }
0x87: {  	_ =	shalt  }
.Lfunc_end0:
.L_simem_size_0:
called_computation_lowered:
.L_overlay_start_0:
0x88: {  	s2 =	sld [smem:$0x3FD9]  }
0x89: {  	s3 =	sld [smem:$0x3FFE];
	_ =	sdelay $0x1  }
0x8a: {  	s1 =	srdreg.scid  }
0x8b: {  	s0 =	sand.u32 $0x1, s1  }
0x8c: {  	s16 =	sshll.u32 s0, $0xA;
	s2 =	sadd.s32 s3, s2  }
0x8d: {  	s2 =	sadd.s32 s2, s16  }
0x8e: {  	[smem:$0x3FB9] =	sst s2  }
0x8f: {  	_ = 	snop  }
0x90: {  	(tm) =	ssettm $0x1  }
0x91: {  	s17 =	sld [smem:$0x3FFB];
	_ =	sdelay $0x3  }
0x92: {  	_ =	strace s17  }
0x93: {  	s2 =	sld [smem:$0x3FFC];
	_ =	sdelay $0x3  }
0x94: {  	_ =	strace s2  }
0x95: {  	s2 =	sld [smem:$0x3FFD];
	_ =	sdelay $0x3  }
0x96: {  	_ =	strace s2  }
0x97: {  	_ =	strace $0x8FFFFFFF  }
0x98: {  	s18 =	sld [smem:$0x3FDB];
	_ =	sdelay $0x1  }
0x99: {  	s19 =	simm.s32 $_scs_section_size  }
0x9a: {  	s4 =	simm.s32 $_size__tile_overlayer_lowered;
	s5 =	simm.s32 $_tile_overlayer_lowered  }
0x9b: {  	s22 =	simm.s32 $0x1BFF;
	s21 =	sshll.u32 s5, $0x1;
	s2 =	sadd.s32 s19, s18  }
0x9c: {  	s6 =	simm.s32 $0x0;
	s20 =	sshll.u32 s4, $0x1;
	s4 =	sadd.s32 s21, s2  }
0x9d: {  	[timem:s6], [sflag:s22] =	dma.local [hbm:s4], s20  }
0x9e: {  	_ =	swait.ge [sflag:s22], s20  }
0x9f: {  	s3 =	ssub.s32 $0x0, s20;
	[sflag:s22] =	ssyncset.done $0x0  }
0xa0: {  	[sflag:s22] =	ssyncadd.s32 s3;
	_ =	sdelay $0x1  }
0xa1: {  	s23 =	simm.s32 $0x1B8B  }
0xa2: {  	_ =	swait.ge [sflag:s23], $0x1  }
0xa3: {  	[sflag:s23] =	ssyncset.done $0x0  }
0xa4: {  	s25 =	simm.s32 $0x1B8E;
	s24 =	sld [smem:$0x3FFE];
	[sflag:s23] =	ssyncadd.s32 $0xFFFFFFFF  }
0xa5: {  	s26 =	simm.s32 $execute0_lowered;
	[smem:$0x3FD2] =	sst s25  }
0xa6: {  	s4 =	sshll.u32 s26, $0x1;
	_ =	strace $0x80000046;
	[dreg:$0x1] =	wrdreg $0xFFFFFFFF  }
0xa7: {  	s28 =	simm.s32 $_size_execute0_lowered;
	s2 =	sadd.s32 s2, s4;
	[dreg:$0x0] =	wrdreg $0x0  }
0xa8: {  	s4 =	sshll.u32 s28, $0x1;
	[dreg:$0x2] =	wrdreg s2  }
0xa9: {  	[dreg:$0x3] =	wrdreg s4  }
0xaa: {  	[dreg:$0x4] =	wrdreg $0xC0  }
0xab: {  	_ =	task [dreg:s6], $0x5FFFF  }
0xac: {  	[dreg:$0x1] =	wrdreg $0xFFFFFFFF  }
0xad: {  	[dreg:$0x0] =	wrdreg $0x60  }
0xae: {  	[dreg:$0x2] =	wrdreg s24  }
0xaf: {  	[dreg:$0x3] =	wrdreg $0x9  }
0xb0: {  	_ =	task.clear_ibuf [dreg:s6], $0x4FFFF;
	_ =	strace $0x90000046  }
0xb1: {  	s29 =	simm.s32 $0x9;
	_ =	strace $0x80000048  }
0xb2: {  	_ =	swait.ge [sflag:s29], $0x1  }
0xb3: {  	[sflag:s29] =	ssyncadd.s32 $0xFFFFFFFF  }
0xb4: {  	_ =	strace $0x90000048  }
0xb5: {  	_ =	sfence  }
0xb6: {  	s30 =	sld [smem:$0x0];
	_ =	sdelay $0x2  }
0xb7: {  	s31 =	sshll.u32 s1, $0xD;
	s1 =	sshrl.u32 s1, $0x2  }
0xb8: {  	s3 =	sand.u32 $0x4000, s31;
	s1 =	sadd.s32 s1, s30  }
0xb9: {  	s0 =	sor.u32 s3, s0;
	s1 =	sshll.u32 s1, $0x11  }
0xba: {  	s0 =	sor.u32 s1, s0  }
0xbb: {  	s0 =	sadd.s32 $0x8F2B, s0  }
0xbc: {  	[sflag:s0] =	ssyncadd.remote.s32 $0x1  }
0xbd: {  	_ =	sfence.sel $0xFFFF  }
0xbe: {  	[dreg:$0x0] =	wrdreg $0xFFFFFFFF;
	(pc) =	sbr.abs _section_cstart, $3  }
0xbf: {  	[dreg:$0x1] =	wrdreg $0xFFFFFFFF  }
0xc0: {  	_ =	task.clear_ibuf [dreg:s6], $0x2FFFF;
	_ =	strace $0x9FFFFFFF  }
0xc1: {  	(tm) =	ssettm $0x7FFFFFFF  }
tec
execute0_lowered:
.L_overlay_start_1:
0x0: {  	(tag) =	ssettag $0x1  }
0x1: {  	s0 =	rddreg [dreg:$0x0];
	s1 =	srdreg.scid  }
0x2: {  	s3 =	stileid.u32;
	s2 =	simm.s32 $0x0;
	s12 =	simm.s32 $0x7  }
0x3: {  	s14 =	simm.s32 $0x50;
	s15 =	simm.s32 $0x8000;
	s16 =	simm.s32 $0xD000  }
0x4: {  	s18 =	simm.s32 $0xA800;
	s20 =	simm.s32 $0xF800;
	s21 =	simm.s32 $0x1  }
0x5: {  	s22 =	simm.s32 $0x3;
	s23 =	simm.s32 $0x12000;
	s24 =	simm.s32 $0x2  }
0x6: {  	s25 =	simm.s32 $0x4;
	s26 =	simm.s32 $0x14800;
	s28 =	simm.s32 $0x5  }
0x7: {  	s31 =	simm.s32 $0x6;
	s1 =	sand.u32 $0x1, s1;
	s3 =	sshll.u32 s3, $0x1  }
0x8: {  	[smem:$0x7FF] =	sst s2;
	s4 =	sadd.s32 $0x4A000, s0;
	s5 =	sadd.s32 $0x71200, s0  }
0x9: {  	s6 =	sor.u32 s1, s3;
	_ =	strace $0x80000047;
	s29 =	ssub.s32 $0x2, s1  }
0xa: {  	s3 =	sshll.u32 s6, $0xB;
	s7 =	smul.u32 $0x138800, s6;
	s1 =	sshrl.u32 s29, $0x1  }
0xb: {  	s6 =	smul.u32 $0x2710, s6;
	s8 =	sadd.s32 s3, s0;
	s3 =	sadd.s32 $0x22E00, s0  }
0xc: {  	s0 =	ssub.s32 s29, s1;
	s9 =	sshrl.u32 s7, $0x3;
	s7 =	sadd.s32 $0x2E00, s8  }
0xd: {  	s8 =	sadd.s32 $0x12E00, s8;
	s11 =	smax.u32 s0, $0x1;
	s30 =	sadd.s32 s5, s9  }
0xe: {  	s0 =	simm.s32 $0x0;
	s9 =	sadd.s32 $0x50, s6;
	s10 =	sadd.s32 $0x26C00, s30  }
.LBB2_1:
0xf: {  	[tilespmem:s2], [sflag:$0x7] =	stream.linear.gather [hbm4b:s7+s2], $0x3E80, $0x38;
	[tilespmem:$0x17000] =	vst v63  }
0x10: {  	_ =	swait.ge [sflag:s12], $0x3E80  }
0x11: {  	[sflag:s12] =	ssyncset.done $0x0  }
0x12: {  	s1 =	simm.s32 $0x4000;
	[sflag:s12] =	ssyncadd.s32 $0xFFFFC180  }
0x13: {  	[tilespmem:s1], [sflag:$0x7] =	stream.linear.gather [hbm4b:s8+s2], $0x3E80, $0x38;
	[tilespmem:$0x17000] =	vst v63  }
0x14: {  	_ =	swait.ge [sflag:s12], $0x3E80  }
0x15: {  	[sflag:s12] =	ssyncset.done $0x0  }
0x16: {  	[sflag:s12] =	ssyncadd.s32 $0xFFFFC180  }
0x17: {  	[tilespmem:s15], [sflag:$0x1] =	stream.indirect.gather [hbm4b:s3+s14], $0x80, s2, s14, $0xb8;
	[tilespmem:$0x17000] =	vst v63  }
0x18: {  	_ = 	snop  }
0x19: {  	[tilespmem:s16], [sflag:$0x3] =	stream.indirect.gather [hbm4b:s4+s14], $0x80, s1, s14, $0xb8;
	[tilespmem:$0x17000] =	vst v63  }
0x1a: {  	s29 =	simm.s32 $0x80  }
0x1b: {  	[tilespmem:s18], [sflag:$0x2] =	stream.indirect.gather [hbm4b:s3+s14], $0x80, s29, s14, $0xb8;
	[tilespmem:$0x17000] =	vst v63  }
0x1c: {  	s30 =	simm.s32 $0x4080;
	s1 =	simm.s32 $0x0  }
0x1d: {  	[tilespmem:s20], [sflag:$0x4] =	stream.indirect.gather [hbm4b:s4+s14], $0x80, s30, s14, $0xb8;
	[tilespmem:$0x17000] =	vst v63  }
.LBB2_2:
0x1e: {  	_ =	swait.ge [sflag:s21], $0x2800  }
0x1f: {  	[sflag:s21] =	ssyncset.done $0x0  }
0x20: {  	[sflag:s21] =	ssyncadd.s32 $0xFFFFD800  }
0x21: {  	_ =	swait.ge [sflag:s22], $0x2800  }
0x22: {  	p0 =	seq.s32 s1, $0x0;
	[sflag:s22] =	ssyncset.done $0x0  }
0x23: {  	s13 =	simm.s32 @!p0 $0x5;
	[sflag:s22] =	ssyncadd.s32 $0xFFFFD800  }
0x24: {  	_ =	swait.ge @!p0 [sflag:s13], $0x2800  }
0x25: {  	[sflag:s13] =	ssyncset.done @!p0 $0x0  }
0x26: {  	s19 =	simm.s32 $0x0;
	[sflag:s13] =	ssyncadd.s32 @!p0 $0xFFFFD800  }
0x27: {  	v0 =	vld [tilespmem:s19+$0x8030]  }
0x28: {  	v1 =	vld [tilespmem:s19+$0xD030]  }
0x29: {  	v2 =	vld [tilespmem:s19+$0x8070]  }
0x2a: {  	v3 =	vld [tilespmem:s19+$0xD070]  }
0x2b: {  	v4 =	vld [tilespmem:s19+$0x8000]  }
0x2c: {  	v5 =	vld [tilespmem:s19+$0xD000]  }
0x2d: {  	v6 =	vld [tilespmem:s19+$0x8040]  }
0x2e: {  	v7 =	vld [tilespmem:s19+$0xD040]  }
0x2f: {  	v8 =	vld [tilespmem:s19+$0x8010]  }
0x30: {  	v9 =	vld [tilespmem:s19+$0x8050];
	v0 =	vadd.f32 v1, v0;
	v1 =	vadd.f32 v3, v2  }
0x31: {  	v2 =	vld [tilespmem:s19+$0xD010]  }
0x32: {  	v0 =	vpack.i.f32.bf16 v1, v0;
	v1 =	vld [tilespmem:s19+$0xD050]  }
0x33: {  	v3 =	vadd.f32 v7, v6;
	v7 =	vld [tilespmem:s19+$0xD020];
	[tilespmem:s19+$0x12030] =	vst v0;
	v0 =	vadd.f32 v5, v4  }
0x34: {  	v5 =	vld [tilespmem:s19+$0x8020]  }
0x35: {  	v4 =	vld [tilespmem:s19+$0xD060];
	v0 =	vpack.i.f32.bf16 v3, v0  }
0x36: {  	s29 =	simm.s32 $0x80;
	v3 =	vld [tilespmem:s19+$0x8060];
	[tilespmem:s19+$0x12000] =	vst v0  }
0x37: {  	v6 =	vadd.f32 v2, v8;
	v0 =	vld [tilespmem:s29+$0x8030];
	v8 =	vadd.f32 v1, v9  }
0x38: {  	v1 =	vld [tilespmem:s29+$0xD030]  }
0x39: {  	s17 =	sshll.u32 s1, $0x8;
	s30 =	simm.s32 $0x400;
	v2 =	vld [tilespmem:s29+$0x8070];
	v5 =	vadd.f32 v7, v5;
	v6 =	vpack.i.f32.bf16 v8, v6  }
.LBB2_3:
0x3a: {  	p1 =	sne.s32 s30, $0x9E00;
	v7 =	vld [tilespmem:s29+$0xD070];
	[tilespmem:s19+$0x12010] =	vst v6  }
0x3b: {  	v6 =	vld [tilespmem:s29+$0x8000];
	v3 =	vadd.f32 v4, v3  }
0x3c: {  	v4 =	vld [tilespmem:s29+$0xD000]  }
0x3d: {  	v8 =	vld [tilespmem:s29+$0x8040];
	v3 =	vpack.i.f32.bf16 v3, v5  }
0x3e: {  	v5 =	vld [tilespmem:s29+$0xD040];
	[tilespmem:s19+$0x12020] =	vst v3;
	s19 =	smov.u32 s29  }
0x3f: {  	v0 =	vadd.f32 v1, v0;
	v3 =	vld [tilespmem:s19+$0x8010];
	v1 =	vadd.f32 v7, v2  }
0x40: {  	v2 =	vld [tilespmem:s19+$0xD010]  }
0x41: {  	v4 =	vadd.f32 v4, v6;
	v6 =	vld [tilespmem:s19+$0x8050];
	v0 =	vpack.i.f32.bf16 v1, v0  }
0x42: {  	v1 =	vld [tilespmem:s19+$0xD050];
	[tilespmem:s19+$0x12030] =	vst v0  }
0x43: {  	v0 =	vadd.f32 v5, v8;
	v5 =	vld [tilespmem:s19+$0x8020]  }
0x44: {  	v7 =	vld [tilespmem:s19+$0xD020]  }
.Ltmp0:
0x45: {  	v0 =	vpack.i.f32.bf16 v0, v4;
	v8 =	vadd.f32 v2, v3;
	v3 =	vld [tilespmem:s19+$0x8060];
	(pc) =	sbr.rel @p1 .LBB2_3-.Ltmp0, $4  }
0x46: {  	s29 =	sshra.s32 s30, $0x2;
	[tilespmem:s19+$0x12000] =	vst v0;
	v4 =	vld [tilespmem:s19+$0xD060]  }
0x47: {  	v0 =	vld [tilespmem:s29+$0x8030];
	v6 =	vadd.f32 v1, v6  }
0x48: {  	v1 =	vld [tilespmem:s29+$0xD030]  }
0x49: {  	s30 =	sadd.s32 $0x200, s30;
	v2 =	vld [tilespmem:s29+$0x8070];
	v6 =	vpack.i.f32.bf16 v6, v8;
	v5 =	vadd.f32 v7, v5  }
0x4a: {  	v7 =	vld [tilespmem:s29+$0xD070];
	[tilespmem:s19+$0x12010] =	vst v6  }
0x4b: {  	v6 =	vld [tilespmem:s29+$0x8000];
	v3 =	vadd.f32 v4, v3  }
0x4c: {  	v4 =	vld [tilespmem:s29+$0xD000]  }
0x4d: {  	v8 =	vld [tilespmem:s29+$0x8040];
	v3 =	vpack.i.f32.bf16 v3, v5  }
0x4e: {  	v5 =	vld [tilespmem:s29+$0xD040];
	[tilespmem:s19+$0x12020] =	vst v3  }
0x4f: {  	v3 =	vld [tilespmem:s29+$0x8010]  }
0x50: {  	v0 =	vadd.f32 v1, v0;
	v1 =	vadd.f32 v7, v2;
	v2 =	vld [tilespmem:s29+$0xD010]  }
0x51: {  	v7 =	vld [tilespmem:s29+$0x8050]  }
0x52: {  	v0 =	vpack.i.f32.bf16 v1, v0;
	v1 =	vld [tilespmem:s29+$0xD050]  }
0x53: {  	[tilespmem:s29+$0x12030] =	vst v0;
	v0 =	vadd.f32 v4, v6;
	v4 =	vadd.f32 v5, v8;
	v5 =	vld [tilespmem:s29+$0x8020]  }
0x54: {  	v6 =	vld [tilespmem:s29+$0xD020]  }
0x55: {  	v0 =	vpack.i.f32.bf16 v4, v0;
	v4 =	vld [tilespmem:s29+$0x8060]  }
0x56: {  	[tilespmem:s29+$0x12000] =	vst v0;
	v0 =	vld [tilespmem:s29+$0xD060];
	_ =	sdelay $0x3  }
0x57: {  	s19 =	smul.u32 $0xA0, s1;
	v2 =	vadd.f32 v2, v3;
	v1 =	vadd.f32 v1, v7  }
0x58: {  	v3 =	vadd.f32 v6, v5;
	v0 =	vadd.f32 v0, v4  }
0x59: {  	s13 =	sadd.s32 s6, s19;
	v1 =	vpack.i.f32.bf16 v1, v2  }
0x5a: {  	s13 =	sshll.u32 s13, $0x4;
	[tilespmem:s29+$0x12010] =	vst v1;
	v0 =	vpack.i.f32.bf16 v0, v3  }
0x5b: {  	p1 =	seq.s32 s1, $0x3D;
	s13 =	sadd.s32 s5, s13;
	[tilespmem:s29+$0x12020] =	vst v0  }
0x5c: {  	[hbm4b:s13+s2] =	stream.linear.scatter [tilespmem:s23], [sflag:$0x5], $0x2800, $0x38;
	[tilespmem:$0x17000] =	vst v63  }
0x5d: {  	s30 =	simm.s32 @!p1 $0x8000;
	s29 =	simm.s32 @!p1 $0x50;
	s13 =	sadd.s32 @!p1 $0x100, s17  }
0x5e: {  	[tilespmem:s30], [sflag:$0x1] =	stream.indirect.gather @!p1 [hbm4b:s3+s29], $0x80, s13, s29, $0xb8;
	[tilespmem:$0x17000] =	vst v63  }
0x5f: {  	s13 =	sadd.s32 @!p1 $0x4100, s17;
	s30 =	simm.s32 @!p1 $0xD000  }
0x60: {  	[tilespmem:s30], [sflag:$0x3] =	stream.indirect.gather @!p1 [hbm4b:s4+s29], $0x80, s13, s29, $0xb8;
	[tilespmem:$0x17000] =	vst v63  }
0x61: {  	_ =	swait.ge [sflag:s24], $0x2800  }
0x62: {  	[sflag:s24] =	ssyncset.done $0x0  }
0x63: {  	[sflag:s24] =	ssyncadd.s32 $0xFFFFD800  }
0x64: {  	_ =	swait.ge [sflag:s25], $0x2800  }
0x65: {  	[sflag:s25] =	ssyncset.done $0x0  }
0x66: {  	s13 =	simm.s32 @!p0 $0x6;
	[sflag:s25] =	ssyncadd.s32 $0xFFFFD800  }
0x67: {  	_ =	swait.ge @!p0 [sflag:s13], $0x2800  }
0x68: {  	[sflag:s13] =	ssyncset.done @!p0 $0x0  }
0x69: {  	s29 =	simm.s32 $0x0;
	[sflag:s13] =	ssyncadd.s32 @!p0 $0xFFFFD800  }
0x6a: {  	v0 =	vld [tilespmem:s29+$0xA830]  }
0x6b: {  	v1 =	vld [tilespmem:s29+$0xF830]  }
0x6c: {  	v2 =	vld [tilespmem:s29+$0xA870]  }
0x6d: {  	v3 =	vld [tilespmem:s29+$0xF870]  }
0x6e: {  	v4 =	vld [tilespmem:s29+$0xA800]  }
0x6f: {  	v5 =	vld [tilespmem:s29+$0xF800]  }
0x70: {  	v6 =	vld [tilespmem:s29+$0xA840]  }
0x71: {  	v7 =	vld [tilespmem:s29+$0xF840]  }
0x72: {  	v8 =	vld [tilespmem:s29+$0xA810]  }
0x73: {  	v9 =	vld [tilespmem:s29+$0xA850];
	v0 =	vadd.f32 v1, v0;
	v1 =	vadd.f32 v3, v2  }
0x74: {  	v2 =	vld [tilespmem:s29+$0xF810]  }
0x75: {  	v0 =	vpack.i.f32.bf16 v1, v0;
	v1 =	vld [tilespmem:s29+$0xF850]  }
0x76: {  	v3 =	vadd.f32 v7, v6;
	v7 =	vld [tilespmem:s29+$0xF820];
	[tilespmem:s29+$0x14830] =	vst v0;
	v0 =	vadd.f32 v5, v4  }
0x77: {  	v5 =	vld [tilespmem:s29+$0xA820]  }
0x78: {  	v4 =	vld [tilespmem:s29+$0xF860];
	v0 =	vpack.i.f32.bf16 v3, v0  }
0x79: {  	s30 =	simm.s32 $0x80;
	v3 =	vld [tilespmem:s29+$0xA860];
	[tilespmem:s29+$0x14800] =	vst v0  }
0x7a: {  	v6 =	vadd.f32 v2, v8;
	v0 =	vld [tilespmem:s30+$0xA830];
	v8 =	vadd.f32 v1, v9  }
0x7b: {  	v1 =	vld [tilespmem:s30+$0xF830]  }
0x7c: {  	s13 =	simm.s32 $0x400;
	v2 =	vld [tilespmem:s30+$0xA870];
	v5 =	vadd.f32 v7, v5;
	v6 =	vpack.i.f32.bf16 v8, v6  }
.LBB2_5:
0x7d: {  	p0 =	sne.s32 s13, $0x9E00;
	v7 =	vld [tilespmem:s30+$0xF870];
	[tilespmem:s29+$0x14810] =	vst v6  }
0x7e: {  	v6 =	vld [tilespmem:s30+$0xA800];
	v3 =	vadd.f32 v4, v3  }
0x7f: {  	v4 =	vld [tilespmem:s30+$0xF800]  }
0x80: {  	v8 =	vld [tilespmem:s30+$0xA840];
	v3 =	vpack.i.f32.bf16 v3, v5  }
0x81: {  	v5 =	vld [tilespmem:s30+$0xF840];
	[tilespmem:s29+$0x14820] =	vst v3;
	s29 =	smov.u32 s30  }
0x82: {  	v0 =	vadd.f32 v1, v0;
	v3 =	vld [tilespmem:s29+$0xA810];
	v1 =	vadd.f32 v7, v2  }
0x83: {  	v2 =	vld [tilespmem:s29+$0xF810]  }
0x84: {  	v4 =	vadd.f32 v4, v6;
	v6 =	vld [tilespmem:s29+$0xA850];
	v0 =	vpack.i.f32.bf16 v1, v0  }
0x85: {  	v1 =	vld [tilespmem:s29+$0xF850];
	[tilespmem:s29+$0x14830] =	vst v0  }
0x86: {  	v0 =	vadd.f32 v5, v8;
	v5 =	vld [tilespmem:s29+$0xA820]  }
0x87: {  	v7 =	vld [tilespmem:s29+$0xF820]  }
.Ltmp1:
0x88: {  	v0 =	vpack.i.f32.bf16 v0, v4;
	v8 =	vadd.f32 v2, v3;
	v3 =	vld [tilespmem:s29+$0xA860];
	(pc) =	sbr.rel @p0 .LBB2_5-.Ltmp1, $4  }
0x89: {  	s30 =	sshra.s32 s13, $0x2;
	[tilespmem:s29+$0x14800] =	vst v0;
	v4 =	vld [tilespmem:s29+$0xF860]  }
0x8a: {  	v0 =	vld [tilespmem:s30+$0xA830];
	v6 =	vadd.f32 v1, v6  }
0x8b: {  	v1 =	vld [tilespmem:s30+$0xF830]  }
0x8c: {  	s13 =	sadd.s32 $0x200, s13;
	v2 =	vld [tilespmem:s30+$0xA870];
	v6 =	vpack.i.f32.bf16 v6, v8;
	v5 =	vadd.f32 v7, v5  }
0x8d: {  	v7 =	vld [tilespmem:s30+$0xF870];
	[tilespmem:s29+$0x14810] =	vst v6  }
0x8e: {  	v6 =	vld [tilespmem:s30+$0xA800];
	v3 =	vadd.f32 v4, v3  }
0x8f: {  	v51 =	vld [tilespmem:s30+$0xF800]  }
0x90: {  	v8 =	vld [tilespmem:s30+$0xA840];
	v3 =	vpack.i.f32.bf16 v3, v5  }
0x91: {  	v52 =	vld [tilespmem:s30+$0xF840];
	[tilespmem:s29+$0x14820] =	vst v3  }
0x92: {  	v3 =	vld [tilespmem:s30+$0xA810]  }
0x93: {  	v54 =	vld [tilespmem:s30+$0xF810]  }
0x94: {  	v55 =	vld [tilespmem:s30+$0xA850]  }
0x95: {  	v56 =	vld [tilespmem:s30+$0xF850]  }
0x96: {  	v59 =	vld [tilespmem:s30+$0xA820]  }
0x97: {  	v60 =	vld [tilespmem:s30+$0xF820]  }
0x98: {  	v61 =	vld [tilespmem:s30+$0xA860]  }
0x99: {  	v62 =	vld [tilespmem:s30+$0xF860]  }
0x9a: {  	v0 =	vadd.f32 v1, v0;
	v53 =	vadd.f32 v7, v2  }
0x9b: {  	v57 =	vadd.f32 v51, v6;
	v58 =	vadd.f32 v52, v8  }
0x9c: {  	v0 =	vpack.i.f32.bf16 v53, v0  }
0x9d: {  	[tilespmem:s30+$0x14830] =	vst v0;
	v0 =	vpack.i.f32.bf16 v58, v57;
	v2 =	vadd.f32 v54, v3;
	v1 =	vadd.f32 v56, v55  }
.Ltmp2:
0x9e: {  	[tilespmem:s30+$0x14800] =	vst v0;
	v63 =	vadd.f32 v60, v59;
	v0 =	vadd.f32 v62, v61;
	(pc) =	sbr.rel @p1 .LBB2_8-.Ltmp2, $4  }
0x9f: {  	s13 =	sadd.s32 s19, s9;
	v1 =	vpack.i.f32.bf16 v1, v2  }
0xa0: {  	s13 =	sshll.u32 s13, $0x4;
	v0 =	vpack.i.f32.bf16 v0, v63;
	[tilespmem:s30+$0x14810] =	vst v1  }
0xa1: {  	s13 =	sadd.s32 s5, s13;
	[tilespmem:s30+$0x14820] =	vst v0  }
0xa2: {  	[hbm4b:s13+s2] =	stream.linear.scatter [tilespmem:s26], [sflag:$0x6], $0x2800, $0x38;
	[tilespmem:$0x17000] =	vst v63  }
.Ltmp3:
0xa3: {  	(pc) =	sbr.rel .LBB2_2-.Ltmp3, $4  }
0xa4: {  	s13 =	sadd.s32 $0x180, s17  }
0xa5: {  	[tilespmem:s18], [sflag:$0x2] =	stream.indirect.gather [hbm4b:s3+s14], $0x80, s13, s14, $0xb8;
	[tilespmem:$0x17000] =	vst v63  }
0xa6: {  	s30 =	sadd.s32 $0x4180, s17;
	s1 =	sadd.s32 $0x1, s1  }
0xa7: {  	[tilespmem:s20], [sflag:$0x4] =	stream.indirect.gather [hbm4b:s4+s14], $0x80, s30, s14, $0xb8;
	[tilespmem:$0x17000] =	vst v63  }
.LBB2_8:
0xa8: {  	_ =	swait.ge [sflag:s28], $0x2800  }
0xa9: {  	[sflag:s28] =	ssyncset.done $0x0  }
0xaa: {  	s1 =	simm.s32 $0x3E00;
	[sflag:s28] =	ssyncadd.s32 $0xFFFFD800  }
0xab: {  	[tilespmem:s15], [sflag:$0x1] =	stream.indirect.gather [hbm4b:s3+s14], $0x80, s1, s14, $0xb8;
	[tilespmem:$0x17000] =	vst v63  }
0xac: {  	s30 =	simm.s32 $0x7E00  }
0xad: {  	[tilespmem:s16], [sflag:$0x3] =	stream.indirect.gather [hbm4b:s4+s14], $0x80, s30, s14, $0xb8;
	[tilespmem:$0x17000] =	vst v63  }
0xae: {  	_ =	swait.ge [sflag:s21], $0x2800  }
0xaf: {  	[sflag:s21] =	ssyncset.done $0x0  }
0xb0: {  	[sflag:s21] =	ssyncadd.s32 $0xFFFFD800  }
0xb1: {  	_ =	swait.ge [sflag:s22], $0x2800  }
0xb2: {  	[sflag:s22] =	ssyncset.done $0x0  }
0xb3: {  	s1 =	simm.s32 $0x0;
	[sflag:s22] =	ssyncadd.s32 $0xFFFFD800  }
0xb4: {  	v0 =	vld [tilespmem:s1+$0x8030]  }
0xb5: {  	v1 =	vld [tilespmem:s1+$0xD030]  }
0xb6: {  	v2 =	vld [tilespmem:s1+$0x8070]  }
0xb7: {  	v3 =	vld [tilespmem:s1+$0xD070]  }
0xb8: {  	v4 =	vld [tilespmem:s1+$0x8000]  }
0xb9: {  	v5 =	vld [tilespmem:s1+$0xD000]  }
0xba: {  	v6 =	vld [tilespmem:s1+$0x8040]  }
0xbb: {  	v7 =	vld [tilespmem:s1+$0xD040]  }
0xbc: {  	v8 =	vld [tilespmem:s1+$0x8010]  }
0xbd: {  	v9 =	vld [tilespmem:s1+$0x8050];
	v0 =	vadd.f32 v1, v0;
	v1 =	vadd.f32 v3, v2  }
0xbe: {  	v2 =	vld [tilespmem:s1+$0xD010]  }
0xbf: {  	v0 =	vpack.i.f32.bf16 v1, v0;
	v1 =	vld [tilespmem:s1+$0xD050]  }
0xc0: {  	v3 =	vadd.f32 v7, v6;
	v7 =	vld [tilespmem:s1+$0xD020];
	[tilespmem:s1+$0x12030] =	vst v0;
	v0 =	vadd.f32 v5, v4  }
0xc1: {  	v5 =	vld [tilespmem:s1+$0x8020]  }
0xc2: {  	v4 =	vld [tilespmem:s1+$0xD060];
	v0 =	vpack.i.f32.bf16 v3, v0  }
0xc3: {  	s17 =	simm.s32 $0x80;
	v3 =	vld [tilespmem:s1+$0x8060];
	[tilespmem:s1+$0x12000] =	vst v0  }
0xc4: {  	v6 =	vadd.f32 v2, v8;
	v0 =	vld [tilespmem:s17+$0x8030];
	v8 =	vadd.f32 v1, v9  }
0xc5: {  	v1 =	vld [tilespmem:s17+$0xD030]  }
0xc6: {  	s13 =	simm.s32 $0x400;
	v2 =	vld [tilespmem:s17+$0x8070];
	v5 =	vadd.f32 v7, v5;
	v6 =	vpack.i.f32.bf16 v8, v6  }
.LBB2_9:
0xc7: {  	p0 =	sne.s32 s13, $0x9E00;
	v7 =	vld [tilespmem:s17+$0xD070];
	[tilespmem:s1+$0x12010] =	vst v6  }
0xc8: {  	v6 =	vld [tilespmem:s17+$0x8000];
	v3 =	vadd.f32 v4, v3  }
0xc9: {  	v4 =	vld [tilespmem:s17+$0xD000]  }
0xca: {  	v8 =	vld [tilespmem:s17+$0x8040];
	v3 =	vpack.i.f32.bf16 v3, v5  }
0xcb: {  	v5 =	vld [tilespmem:s17+$0xD040];
	[tilespmem:s1+$0x12020] =	vst v3;
	s1 =	smov.u32 s17  }
0xcc: {  	v0 =	vadd.f32 v1, v0;
	v3 =	vld [tilespmem:s1+$0x8010];
	v1 =	vadd.f32 v7, v2  }
0xcd: {  	v2 =	vld [tilespmem:s1+$0xD010]  }
0xce: {  	v4 =	vadd.f32 v4, v6;
	v6 =	vld [tilespmem:s1+$0x8050];
	v0 =	vpack.i.f32.bf16 v1, v0  }
0xcf: {  	v1 =	vld [tilespmem:s1+$0xD050];
	[tilespmem:s1+$0x12030] =	vst v0  }
0xd0: {  	v0 =	vadd.f32 v5, v8;
	v5 =	vld [tilespmem:s1+$0x8020]  }
0xd1: {  	v7 =	vld [tilespmem:s1+$0xD020]  }
.Ltmp4:
0xd2: {  	v0 =	vpack.i.f32.bf16 v0, v4;
	v8 =	vadd.f32 v2, v3;
	v3 =	vld [tilespmem:s1+$0x8060];
	(pc) =	sbr.rel @p0 .LBB2_9-.Ltmp4, $4  }
0xd3: {  	s17 =	sshra.s32 s13, $0x2;
	[tilespmem:s1+$0x12000] =	vst v0;
	v4 =	vld [tilespmem:s1+$0xD060]  }
0xd4: {  	v0 =	vld [tilespmem:s17+$0x8030];
	v6 =	vadd.f32 v1, v6  }
0xd5: {  	v1 =	vld [tilespmem:s17+$0xD030]  }
0xd6: {  	s13 =	sadd.s32 $0x200, s13;
	v2 =	vld [tilespmem:s17+$0x8070];
	v6 =	vpack.i.f32.bf16 v6, v8;
	v5 =	vadd.f32 v7, v5  }
0xd7: {  	v7 =	vld [tilespmem:s17+$0xD070];
	[tilespmem:s1+$0x12010] =	vst v6  }
0xd8: {  	v6 =	vld [tilespmem:s17+$0x8000];
	v3 =	vadd.f32 v4, v3  }
0xd9: {  	v51 =	vld [tilespmem:s17+$0xD000]  }
0xda: {  	v8 =	vld [tilespmem:s17+$0x8040];
	v3 =	vpack.i.f32.bf16 v3, v5  }
0xdb: {  	v52 =	vld [tilespmem:s17+$0xD040];
	[tilespmem:s1+$0x12020] =	vst v3  }
0xdc: {  	v3 =	vld [tilespmem:s17+$0x8010]  }
0xdd: {  	v54 =	vld [tilespmem:s17+$0xD010]  }
0xde: {  	v55 =	vld [tilespmem:s17+$0x8050]  }
0xdf: {  	v56 =	vld [tilespmem:s17+$0xD050]  }
0xe0: {  	v59 =	vld [tilespmem:s17+$0x8020]  }
0xe1: {  	v60 =	vld [tilespmem:s17+$0xD020]  }
0xe2: {  	v61 =	vld [tilespmem:s17+$0x8060]  }
0xe3: {  	v62 =	vld [tilespmem:s17+$0xD060]  }
0xe4: {  	v0 =	vadd.f32 v1, v0;
	v53 =	vadd.f32 v7, v2  }
0xe5: {  	v57 =	vadd.f32 v51, v6;
	v58 =	vadd.f32 v52, v8  }
0xe6: {  	v0 =	vpack.i.f32.bf16 v53, v0  }
0xe7: {  	[tilespmem:s17+$0x12030] =	vst v0;
	v0 =	vpack.i.f32.bf16 v58, v57;
	v2 =	vadd.f32 v54, v3;
	v1 =	vadd.f32 v56, v55  }
0xe8: {  	[tilespmem:s17+$0x12000] =	vst v0;
	v63 =	vadd.f32 v60, v59;
	v0 =	vadd.f32 v62, v61  }
0xe9: {  	v1 =	vpack.i.f32.bf16 v1, v2  }
0xea: {  	v0 =	vpack.i.f32.bf16 v0, v63;
	[tilespmem:s17+$0x12010] =	vst v1  }
0xeb: {  	s0 =	sadd.s32 $0x1, s0;
	[tilespmem:s17+$0x12020] =	vst v0  }
0xec: {  	[hbm4b:s10+s2] =	stream.linear.scatter [tilespmem:s23], [sflag:$0x7], $0x2800, $0x38;
	[tilespmem:$0x17000] =	vst v63  }
0xed: {  	p0 =	sne.s32 s0, s11;
	_ =	swait.ge [sflag:s12], $0x2800  }
.Ltmp5:
0xee: {  	[sflag:s12] =	ssyncset.done $0x0;
	(pc) =	sbr.rel @p0 .LBB2_1-.Ltmp5, $4  }
0xef: {  	[sflag:s12] =	ssyncadd.s32 $0xFFFFD800  }
0xf0: {  	_ =	swait.ge [sflag:s31], $0x2800  }
0xf1: {  	[sflag:s31] =	ssyncset.done $0x0  }
0xf2: {  	[sflag:s31] =	ssyncadd.s32 $0xFFFFD800  }
0xf3: {  	_ =	sfence.sel $0x180000  }
0xf4: {  	[bflag:$0x0] =	sbarrier.arrive $0xFFFF  }
0xf5: {  	_ =	strace $0x90000047  }
0xf6: {  	s0 =	stileid.u32;
	[bflag:$0x2] =	sbarrier.arrive $0xFFFF  }
0xf7: {  	p0 =	sne.s32 s0, $0x0;
	s0 =	rddreg [dreg:$0x1]  }
0xf8: {  	s0 =	sadd.s32 @!p0 $0x100000, s0  }
0xf9: {  	[sflag:s0] =	ssyncadd.tile.s32 @!p0 $0x1;
	_ =	shalt  }
.Lfunc_end2:
_tile_overlayer_lowered:
.L_overlay_start_2:
0xfa: {  	(tag) =	ssettag $0x2  }
0xfb: {  	s0 =	rddreg [dreg:$0x0];
	s2 =	stileid.u32  }
0xfc: {  	s1 =	rddreg [dreg:$0x1];
	p0 =	sne.s32 s2, $0x0  }
0xfd: {  	s3 =	rddreg [dreg:$0x2];
	[bflag:$0x3] =	sbarrier.arrive $0xFFFF;
	s2 =	simm.s32 @!p0 $0x1C07  }
0xfe: {  	[timem:s3], [sflag:s2] =	dma.local @!p0 [hbm:s0], s1  }
0xff: {  	s0 =	simm.s32 @!p0 $0x7  }
0x100: {  	_ =	swait.ge @!p0 [sflag:s0], s1  }
0x101: {  	s1 =	ssub.s32 @!p0 $0x0, s1;
	[sflag:s0] =	ssyncset.done @!p0 $0x0  }
0x102: {  	[sflag:s0] =	ssyncadd.s32 @!p0 s1  }
0x103: {  	[bflag:$0x3] =	sbarrier.arrive $0xFFFF  }
0x104: {  	_ =	shalt  }

</sc_bundles>
